<compile_context>
chip_gen: v7x
topology: tpu7x:2x2x1
jax: 0.10.2.dev20260603
libtpu: 0.0.44.dev20260713+nightly
codegen_flags: <defaults>
</compile_context>

<pallas_src>
import functools

import jax
import jax.numpy as jnp
from jax import lax
from jax.experimental import pallas as pl
from jax.experimental.pallas import tpu as pltpu
from jax.experimental.pallas import tpu_sc as plsc

_NC, _NS = 2, 16
_NW = _NC * _NS
_CHUNK = 128
_PAD = 16



def _seg_body(n, d, n_chunks, iters, table, ei2, z_d, sum_out,
              ei_v, rows_v, acc_sh, sem0, sem1, sem_c=None,
              z_c=None, ones_h=None, cnt_out=None, ones_v=None, cnt_sh=None):
    c = lax.axis_index("c")
    s = lax.axis_index("s")
    wid = s * _NC + c
    rpt = (n // (_NS * 8)) * 8
    tail = n + _PAD - _NS * rpt
    base_row = s * rpt
    sems = (sem0, sem1)

    pltpu.sync_copy(z_d, acc_sh.at[pl.ds(base_row, rpt)])
    if cnt_sh is not None:
        pltpu.sync_copy(z_c, cnt_sh.at[pl.ds(base_row, rpt)])
        pltpu.sync_copy(ones_h, ones_v)

    @pl.when(s == 0)
    def _():
        pltpu.sync_copy(z_d.at[pl.ds(0, tail)],
                        acc_sh.at[pl.ds(_NS * rpt, tail)])
        if cnt_sh is not None:
            pltpu.sync_copy(z_c.at[pl.ds(0, tail)],
                            cnt_sh.at[pl.ds(_NS * rpt, tail)])

    plsc.subcore_barrier()

    pltpu.sync_copy(ei2.at[:, pl.ds(wid * _CHUNK, _CHUNK)], ei_v.at[0])
    pltpu.async_copy(table.at[ei_v.at[0, 0]], rows_v.at[0], sem0)

    @pl.loop(0, iters, step=4)
    def _(i):
        for b in range(4):
            j = i + b
            cid_nxt = wid + (j + 1) * _NW

            @pl.when(jnp.logical_and(j + 1 < iters, cid_nxt < n_chunks))
            def _():
                pltpu.sync_copy(ei2.at[:, pl.ds(cid_nxt * _CHUNK, _CHUNK)],
                                ei_v.at[(b + 1) % 4])
                pltpu.async_copy(table.at[ei_v.at[(b + 1) % 4, 0]],
                                 rows_v.at[(b + 1) % 2], sems[(b + 1) % 2])

            @pl.when(wid + j * _NW < n_chunks)
            def _():
                pltpu.make_async_copy(table.at[pl.ds(0, _CHUNK)],
                                      rows_v.at[b % 2], sems[b % 2]).wait()
                pltpu.sync_copy(rows_v.at[b % 2], acc_sh.at[ei_v.at[b, 1]],
                                add=True)
                if cnt_sh is not None:
                    pltpu.async_copy(ones_v, cnt_sh.at[ei_v.at[b, 1]],
                                     sem_c, add=True)

    if cnt_sh is not None:
        done = (n_chunks - wid + _NW - 1) // _NW

        @pl.loop(0, done)
        def _(i):
            pltpu.make_async_copy(ones_v, cnt_sh.at[pl.ds(0, _CHUNK)],
                                  sem_c).wait()

    plsc.subcore_barrier()

    pltpu.sync_copy(acc_sh.at[pl.ds(base_row, rpt)],
                    sum_out.at[pl.ds(c * n + base_row, rpt)])
    if cnt_sh is not None:
        pltpu.sync_copy(cnt_sh.at[pl.ds(base_row, rpt)],
                        cnt_out.at[pl.ds(c * n + base_row, rpt)])

    @pl.when(s == 0)
    def _():
        pltpu.sync_copy(acc_sh.at[pl.ds(_NS * rpt, n - _NS * rpt)],
                        sum_out.at[pl.ds(c * n + _NS * rpt, n - _NS * rpt)])
        if cnt_sh is not None:
            pltpu.sync_copy(cnt_sh.at[pl.ds(_NS * rpt, n - _NS * rpt)],
                            cnt_out.at[pl.ds(c * n + _NS * rpt, n - _NS * rpt)])


def _grid(e):
    n_chunks = -(-e // _CHUNK)
    iters = -(-n_chunks // _NW)
    iters = -(-iters // 4) * 4
    return n_chunks, iters


@functools.lru_cache(maxsize=None)
def _make_segsum_count(n, e, d):
    n_chunks, iters = _grid(e)
    mesh = plsc.VectorSubcoreMesh(core_axis_name="c", subcore_axis_name="s")

    @functools.partial(
        pl.kernel,
        out_type=(jax.ShapeDtypeStruct((_NC * n, d), jnp.float32),
                  jax.ShapeDtypeStruct((_NC * n, 16), jnp.float32)),
        mesh=mesh,
        scratch_types=[
            pltpu.VMEM((4, 2, _CHUNK), jnp.int32),
            pltpu.VMEM((2, _CHUNK, d), jnp.float32),
            pltpu.VMEM((_CHUNK, 16), jnp.float32),
            pltpu.VMEM_SHARED((n + _PAD, d), jnp.float32),
            pltpu.VMEM_SHARED((n + _PAD, 16), jnp.float32),
            pltpu.SemaphoreType.DMA,
            pltpu.SemaphoreType.DMA,
            pltpu.SemaphoreType.DMA,
        ],
        compiler_params=pltpu.CompilerParams(use_tc_tiling_on_sc=False),
    )
    def seg(table, ei2, z_d, z_c, ones_h, sum_out, cnt_out,
            ei_v, rows_v, ones_v, acc_sh, cnt_sh, sem0, sem1, sem_c):
        _seg_body(n, d, n_chunks, iters, table, ei2, z_d, sum_out,
                  ei_v, rows_v, acc_sh, sem0, sem1, sem_c=sem_c,
                  z_c=z_c, ones_h=ones_h, cnt_out=cnt_out,
                  ones_v=ones_v, cnt_sh=cnt_sh)

    return seg


@functools.lru_cache(maxsize=None)
def _make_segsum(n, e, d):
    n_chunks, iters = _grid(e)
    mesh = plsc.VectorSubcoreMesh(core_axis_name="c", subcore_axis_name="s")

    @functools.partial(
        pl.kernel,
        out_type=jax.ShapeDtypeStruct((_NC * n, d), jnp.float32),
        mesh=mesh,
        scratch_types=[
            pltpu.VMEM((4, 2, _CHUNK), jnp.int32),
            pltpu.VMEM((2, _CHUNK, d), jnp.float32),
            pltpu.VMEM_SHARED((n + _PAD, d), jnp.float32),
            pltpu.SemaphoreType.DMA,
            pltpu.SemaphoreType.DMA,
        ],
        compiler_params=pltpu.CompilerParams(use_tc_tiling_on_sc=False),
    )
    def seg(table, ei2, z_d, sum_out, ei_v, rows_v, acc_sh, sem0, sem1):
        _seg_body(n, d, n_chunks, iters, table, ei2, z_d, sum_out,
                  ei_v, rows_v, acc_sh, sem0, sem1)

    return seg



def _mm_body(x_ref, wl_ref, wr_ref, p_ref, xr_ref):
    x = x_ref[...]
    p_ref[...] = jnp.dot(x, wl_ref[...], preferred_element_type=jnp.float32)
    xr_ref[...] = jnp.dot(x, wr_ref[...], preferred_element_type=jnp.float32)


def _matmul2(x, wl, wr):
    n = x.shape[0]
    return pl.pallas_call(
        _mm_body,
        out_shape=(jax.ShapeDtypeStruct((n, wl.shape[1]), jnp.float32),
                   jax.ShapeDtypeStruct((n, wr.shape[1]), jnp.float32)),
    )(x, wl, wr)


def _layer1(sums, cnts, xr, b):
    n = xr.shape[0]

    def body(s_ref, c_ref, xr_ref, b_ref, o_ref):
        sarr = s_ref[...]
        carr = c_ref[...]
        sm = sarr[:n] + sarr[n:]
        cnt = carr[:n, 0:1] + carr[n:, 0:1]
        o_ref[...] = jnp.maximum(sm / jnp.maximum(cnt, 1.0) + b_ref[...]
                                 + xr_ref[...], 0.0)

    return pl.pallas_call(
        body,
        out_shape=jax.ShapeDtypeStruct(xr.shape, jnp.float32),
    )(sums, cnts, xr, b)


def _layer2(sums, cnts, h, wl, wr, b):
    n = h.shape[0]

    def body(s_ref, c_ref, h_ref, wl_ref, wr_ref, b_ref, o_ref):
        sarr = s_ref[...]
        carr = c_ref[...]
        sm = sarr[:n] + sarr[n:]
        cnt = carr[:n, 0:1] + carr[n:, 0:1]
        a2 = sm / jnp.maximum(cnt, 1.0)
        o = (jnp.dot(a2, wl_ref[...], preferred_element_type=jnp.float32)
             + jnp.dot(h_ref[...], wr_ref[...],
                       preferred_element_type=jnp.float32)
             + b_ref[...])
        m = jnp.max(o, axis=1, keepdims=True)
        lse = jnp.log(jnp.sum(jnp.exp(o - m), axis=1, keepdims=True)) + m
        o_ref[...] = o - lse

    return pl.pallas_call(
        body,
        out_shape=jax.ShapeDtypeStruct((n, wl.shape[1]), jnp.float32),
    )(sums, cnts, h, wl, wr, b)



def kernel(x, edge_index, W1l, b1l, W1r, W2l, b2l, W2r):
    n, _ = x.shape
    d_hid = W1l.shape[1]
    e = edge_index.shape[1]
    src = edge_index[0]
    dst = edge_index[1]

    e_pad = -(-e // _CHUNK) * _CHUNK
    if e_pad != e:
        src = jnp.concatenate([src, jnp.zeros((e_pad - e,), jnp.int32)])
        dst = jnp.concatenate([dst, jnp.full((e_pad - e,), n, jnp.int32)])
        ei2 = jnp.stack([src, dst], axis=0)
    else:
        ei2 = edge_index

    p, xr = _matmul2(x, W1l, W1r)

    rpt = (n // (_NS * 8)) * 8
    z_d = jnp.zeros((rpt, d_hid), jnp.float32)
    z_c = jnp.zeros((rpt, 16), jnp.float32)
    ones_h = jnp.ones((_CHUNK, 16), jnp.float32)

    sums1, cnts = _make_segsum_count(n, e, d_hid)(p, ei2, z_d, z_c, ones_h)
    h = _layer1(sums1, cnts, xr, b1l.reshape(1, -1))
    sums2 = _make_segsum(n, e, d_hid)(h, ei2, z_d)
    return _layer2(sums2, cnts, h, W2l, W2r, b2l.reshape(1, -1))

# --- scband reference (transcript-rebuilt; emitter-appended) ---
"""Pipeline reference for scband-pin-sage-29618094473883 (READ-ONLY COPY).

The authoritative reference and input builder live on the scoring server;
editing this copy changes nothing except your own understanding.
"""

import jax, jax.numpy as jnp
import numpy as np

N, E, D_IN, D_HID, D_OUT = 10000, 320000, 128, 64, 128


def _glorot_uniform(key, shape):
    fan_in = shape[0]
    bound = 1.0 / np.sqrt(fan_in)
    return jax.random.uniform(key, shape, minval=-bound, maxval=bound, dtype=jnp.float32)


def setup_inputs(seed: int = 0) -> dict:
    key = jax.random.key(seed)
    ks = jax.random.split(key, 9)
    x = jax.random.normal(ks[0], (N, D_IN), dtype=jnp.float32)
    edge_index = jax.random.randint(ks[1], (2, E), 0, N, dtype=jnp.int32)
    # SAGEConv1: lin_l (applied to aggregated neighbors, has bias), lin_r (applied to root, no bias)
    W1l = _glorot_uniform(ks[2], (D_IN, D_HID))
    b1l = jnp.zeros((D_HID,), dtype=jnp.float32)
    W1r = _glorot_uniform(ks[3], (D_IN, D_HID))
    # SAGEConv2
    W2l = _glorot_uniform(ks[4], (D_HID, D_OUT))
    b2l = jnp.zeros((D_OUT,), dtype=jnp.float32)
    W2r = _glorot_uniform(ks[5], (D_HID, D_OUT))
    return {"x": x, "edge_index": edge_index, "W1l": W1l, "b1l": b1l, "W1r": W1r, "W2l": W2l, "b2l": b2l, "W2r": W2r}


def _mean_aggr(h, src, dst, n):
    # gather source features, scatter-add to destination, divide by in-degree
    msg = jnp.take(h, src, axis=0)
    s = jax.ops.segment_sum(msg, dst, num_segments=n)
    cnt = jax.ops.segment_sum(jnp.ones((src.shape[0],), dtype=h.dtype), dst, num_segments=n)
    return s / jnp.clip(cnt, 1.0, None)[:, None]


def reference(x, edge_index, W1l, b1l, W1r, W2l, b2l, W2r):
    src = edge_index[0]
    dst = edge_index[1]
    n = x.shape[0]
    # SAGEConv 1: out = lin_l(mean_j x_j) + lin_r(x)
    a1 = _mean_aggr(x, src, dst, n)
    h = a1 @ W1l + b1l + x @ W1r
    h = jax.nn.relu(h)
    # dropout omitted (deterministic eval behavior)
    # SAGEConv 2
    a2 = _mean_aggr(h, src, dst, n)
    o = a2 @ W2l + b2l + h @ W2r
    return jax.nn.log_softmax(o, axis=1)

if __name__ == "__main__":
    import jax
    _d = setup_inputs()
    print(jax.jit(kernel)(*tuple(_d.values())))

</pallas_src>

<mosaic_0001>
#map = affine_map<(d0, d1) -> (0, 0)>
module attributes {stable_mosaic.version = 14 : i64} {
  func.func @seg(%arg0: i32, %arg1: i32, %arg2: memref<10000x64xf32, #tpu.memory_space<hbm>>, %arg3: memref<2x320000xi32, #tpu.memory_space<hbm>>, %arg4: memref<624x64xf32, #tpu.memory_space<hbm>>, %arg5: memref<20000x64xf32, #tpu.memory_space<hbm>>, %arg6: memref<4x2x128xi32, #tpu.memory_space<vmem>>, %arg7: memref<2x128x64xf32, #tpu.memory_space<vmem>>, %arg8: memref<10016x64xf32, #tpu.memory_space<vmem_shared>>, %arg9: memref<!tpu.dma_semaphore, #tpu.memory_space<semaphore_mem>>, %arg10: memref<!tpu.dma_semaphore, #tpu.memory_space<semaphore_mem>>) attributes {dimension_semantics = [#tpu.dimension_semantics<core_parallel>, #tpu.dimension_semantics<subcore_parallel>], iteration_bounds = array<i64: 2, 16>, scalar_prefetch = 0 : i64, scratch_operands = 5 : i64, tpu.core_type = #tpu.core_type<sc_vector_subcore>, window_params = [{transform_indices = #map}, {transform_indices = #map}, {transform_indices = #map}, {transform_indices = #map}]} {
    %mul3A = arith.constant 2 : i32
    %mul3A_0 = arith.muli %arg1, %mul3A : i32
    %add3A = arith.addi %mul3A_0, %arg0 : i32
    %mul3A_1 = arith.constant 624 : i32
    %mul3A_2 = arith.muli %arg1, %mul3A_1 : i32
    "tpu.region"() ({
      %run_scoped3A_32 = tpu.sem_alloc : memref<!tpu.dma_semaphore, #tpu.memory_space<semaphore_mem>>
      %dma_start3A_33 = arith.constant 0 : i32
      %dma_start3A_34 = tpu.memref_slice %arg8[%mul3A_2, %dma_start3A_33] : memref<10016x64xf32, #tpu.memory_space<vmem_shared>> -> memref<624x64xf32, #tpu.memory_space<vmem_shared>>
      tpu.enqueue_dma source(%arg4 : memref<624x64xf32, #tpu.memory_space<hbm>>) target(%dma_start3A_34 : memref<624x64xf32, #tpu.memory_space<vmem_shared>>) target_semaphore(%run_scoped3A_32 : memref<!tpu.dma_semaphore, #tpu.memory_space<semaphore_mem>>)
      %dma_wait3A = arith.constant 0 : i32
      %dma_wait3A_35 = tpu.memref_slice %arg8[%mul3A_2, %dma_wait3A] : memref<10016x64xf32, #tpu.memory_space<vmem_shared>> -> memref<624x64xf32, #tpu.memory_space<vmem_shared>>
      tpu.wait_dma2 semaphore(%run_scoped3A_32 : memref<!tpu.dma_semaphore, #tpu.memory_space<semaphore_mem>>) src(%arg4 : memref<624x64xf32, #tpu.memory_space<hbm>>) dst(%dma_wait3A_35 : memref<624x64xf32, #tpu.memory_space<vmem_shared>>)
      tpu.yield
    }) : () -> ()
    %eq3A = arith.constant 0 : i32
    %eq3A_3 = arith.cmpi eq, %arg1, %eq3A : i32
    %convert_element_type3A = arith.extui %eq3A_3 : i1 to i32
    %cond3A = arith.constant 0 : i32
    %cond3A_4 = arith.cmpi ne, %convert_element_type3A, %cond3A : i32
    scf.if %cond3A_4 {
      "tpu.region"() ({
        %run_scoped3A_32 = tpu.sem_alloc : memref<!tpu.dma_semaphore, #tpu.memory_space<semaphore_mem>>
        %dma_start3A_33 = arith.constant 9984 : i32
        %dma_start3A_34 = arith.constant 0 : i32
        %dma_start3A_35 = tpu.memref_slice %arg8[%dma_start3A_33, %dma_start3A_34] : memref<10016x64xf32, #tpu.memory_space<vmem_shared>> -> memref<32x64xf32, #tpu.memory_space<vmem_shared>>
        %dma_start3A_36 = arith.constant 0 : i32
        %dma_start3A_37 = arith.constant 0 : i32
        %dma_start3A_38 = tpu.memref_slice %arg4[%dma_start3A_36, %dma_start3A_37] : memref<624x64xf32, #tpu.memory_space<hbm>> -> memref<32x64xf32, #tpu.memory_space<hbm>>
        tpu.enqueue_dma source(%dma_start3A_38 : memref<32x64xf32, #tpu.memory_space<hbm>>) target(%dma_start3A_35 : memref<32x64xf32, #tpu.memory_space<vmem_shared>>) target_semaphore(%run_scoped3A_32 : memref<!tpu.dma_semaphore, #tpu.memory_space<semaphore_mem>>)
        %dma_wait3A = arith.constant 9984 : i32
        %dma_wait3A_39 = arith.constant 0 : i32
        %dma_wait3A_40 = tpu.memref_slice %arg8[%dma_wait3A, %dma_wait3A_39] : memref<10016x64xf32, #tpu.memory_space<vmem_shared>> -> memref<32x64xf32, #tpu.memory_space<vmem_shared>>
        %dma_wait3A_41 = arith.constant 0 : i32
        %dma_wait3A_42 = arith.constant 0 : i32
        %dma_wait3A_43 = tpu.memref_slice %arg4[%dma_wait3A_41, %dma_wait3A_42] : memref<624x64xf32, #tpu.memory_space<hbm>> -> memref<32x64xf32, #tpu.memory_space<hbm>>
        tpu.wait_dma2 semaphore(%run_scoped3A_32 : memref<!tpu.dma_semaphore, #tpu.memory_space<semaphore_mem>>) src(%dma_wait3A_43 : memref<32x64xf32, #tpu.memory_space<hbm>>) dst(%dma_wait3A_40 : memref<32x64xf32, #tpu.memory_space<vmem_shared>>)
        tpu.yield
      }) : () -> ()
    } else {
    }
    %barrier3A = arith.constant 0 : index
    tpu.barrier barrier_id(%barrier3A)
    %mul3A_5 = arith.constant 128 : i32
    %mul3A_6 = arith.muli %add3A, %mul3A_5 : i32
    %run_scoped3A = arith.constant 0 : i32
    "tpu.region"() ({
      %run_scoped3A_32 = tpu.sem_alloc : memref<!tpu.dma_semaphore, #tpu.memory_space<semaphore_mem>>
      %dma_start3A_33 = arith.constant 0 : i32
      %dma_start3A_34 = arith.constant 0 : i32
      %dma_start3A_35 = tpu.memref_slice %arg6[%run_scoped3A, %dma_start3A_33, %dma_start3A_34] : memref<4x2x128xi32, #tpu.memory_space<vmem>> -> memref<1x2x128xi32, #tpu.memory_space<vmem>>
      %dma_start3A_36 = tpu.memref_squeeze %dma_start3A_35 : memref<1x2x128xi32, #tpu.memory_space<vmem>> -> memref<2x128xi32, #tpu.memory_space<vmem>>
      %dma_start3A_37 = arith.constant 0 : i32
      %dma_start3A_38 = tpu.memref_slice %arg3[%dma_start3A_37, %mul3A_6] : memref<2x320000xi32, #tpu.memory_space<hbm>> -> memref<2x128xi32, #tpu.memory_space<hbm>>
      %dma_start3A_39 = arith.constant 0 : i32
      %dma_start3A_40 = arith.constant 0 : i32
      %dma_start3A_41 = tpu.memref_slice %arg6[%run_scoped3A, %dma_start3A_39, %dma_start3A_40] : memref<4x2x128xi32, #tpu.memory_space<vmem>> -> memref<1x2x128xi32, #tpu.memory_space<vmem>>
      %dma_start3A_42 = tpu.memref_squeeze %dma_start3A_41 : memref<1x2x128xi32, #tpu.memory_space<vmem>> -> memref<2x128xi32, #tpu.memory_space<vmem>>
      %dma_start3A_43 = arith.constant 0 : i32
      %dma_start3A_44 = tpu.memref_slice %arg3[%dma_start3A_43, %mul3A_6] : memref<2x320000xi32, #tpu.memory_space<hbm>> -> memref<2x128xi32, #tpu.memory_space<hbm>>
      tpu.enqueue_dma source(%dma_start3A_44 : memref<2x128xi32, #tpu.memory_space<hbm>>) target(%dma_start3A_42 : memref<2x128xi32, #tpu.memory_space<vmem>>) target_semaphore(%run_scoped3A_32 : memref<!tpu.dma_semaphore, #tpu.memory_space<semaphore_mem>>)
      %dma_wait3A = arith.constant 0 : i32
      %dma_wait3A_45 = arith.constant 0 : i32
      %dma_wait3A_46 = tpu.memref_slice %arg6[%run_scoped3A, %dma_wait3A, %dma_wait3A_45] : memref<4x2x128xi32, #tpu.memory_space<vmem>> -> memref<1x2x128xi32, #tpu.memory_space<vmem>>
      %dma_wait3A_47 = tpu.memref_squeeze %dma_wait3A_46 : memref<1x2x128xi32, #tpu.memory_space<vmem>> -> memref<2x128xi32, #tpu.memory_space<vmem>>
      %dma_wait3A_48 = arith.constant 0 : i32
      %dma_wait3A_49 = tpu.memref_slice %arg3[%dma_wait3A_48, %mul3A_6] : memref<2x320000xi32, #tpu.memory_space<hbm>> -> memref<2x128xi32, #tpu.memory_space<hbm>>
      %dma_wait3A_50 = arith.constant 0 : i32
      %dma_wait3A_51 = arith.constant 0 : i32
      %dma_wait3A_52 = tpu.memref_slice %arg6[%run_scoped3A, %dma_wait3A_50, %dma_wait3A_51] : memref<4x2x128xi32, #tpu.memory_space<vmem>> -> memref<1x2x128xi32, #tpu.memory_space<vmem>>
      %dma_wait3A_53 = tpu.memref_squeeze %dma_wait3A_52 : memref<1x2x128xi32, #tpu.memory_space<vmem>> -> memref<2x128xi32, #tpu.memory_space<vmem>>
      %dma_wait3A_54 = arith.constant 0 : i32
      %dma_wait3A_55 = tpu.memref_slice %arg3[%dma_wait3A_54, %mul3A_6] : memref<2x320000xi32, #tpu.memory_space<hbm>> -> memref<2x128xi32, #tpu.memory_space<hbm>>
      tpu.wait_dma2 semaphore(%run_scoped3A_32 : memref<!tpu.dma_semaphore, #tpu.memory_space<semaphore_mem>>) src(%dma_wait3A_55 : memref<2x128xi32, #tpu.memory_space<hbm>>) dst(%dma_wait3A_53 : memref<2x128xi32, #tpu.memory_space<vmem>>)
      tpu.yield
    }) : () -> ()
    %dma_start3A = arith.constant 0 : i32
    %dma_start3A_7 = arith.constant 0 : i32
    %dma_start3A_8 = arith.constant 0 : i32
    %dma_start3A_9 = arith.constant 0 : i32
    %dma_start3A_10 = arith.constant 0 : i32
    %dma_start3A_11 = tpu.memref_slice %arg7[%dma_start3A_8, %dma_start3A_9, %dma_start3A_10] : memref<2x128x64xf32, #tpu.memory_space<vmem>> -> memref<1x128x64xf32, #tpu.memory_space<vmem>>
    %dma_start3A_12 = tpu.memref_squeeze %dma_start3A_11 : memref<1x128x64xf32, #tpu.memory_space<vmem>> -> memref<128x64xf32, #tpu.memory_space<vmem>>
    %dma_start3A_13 = arith.constant 0 : i32
    %dma_start3A_14 = tpu.memref_slice %arg6[%dma_start3A, %dma_start3A_7, %dma_start3A_13] : memref<4x2x128xi32, #tpu.memory_space<vmem>> -> memref<1x1x128xi32, #tpu.memory_space<vmem>>
    %dma_start3A_15 = tpu.memref_squeeze %dma_start3A_14 : memref<1x1x128xi32, #tpu.memory_space<vmem>> -> memref<128xi32, #tpu.memory_space<vmem>>
    %dma_start3A_16 = arith.constant 0 : i32
    %dma_start3A_17 = arith.constant 0 : i32
    %dma_start3A_18 = tpu.memref_slice %arg2[%dma_start3A_16, %dma_start3A_17] : memref<10000x64xf32, #tpu.memory_space<hbm>> -> memref<10000x64xf32, #tpu.memory_space<hbm>>
    tpu.enqueue_indirect_dma source(%dma_start3A_18 : memref<10000x64xf32, #tpu.memory_space<hbm>>) target(%dma_start3A_12 : memref<128x64xf32, #tpu.memory_space<vmem>>) offsets(%dma_start3A_15 : memref<128xi32, #tpu.memory_space<vmem>>) semaphore(%arg9 : memref<!tpu.dma_semaphore, #tpu.memory_space<semaphore_mem>>)
    %scan3A = arith.constant 0 : i32
    %scan3A_19 = arith.constant 20 : i32
    %scan3A_20 = arith.addi %scan3A, %scan3A_19 : i32
    %scan3A_21 = arith.constant 1 : i32
    scf.for %scan3A_32 = %scan3A to %scan3A_20 step %scan3A_21  : i32 {
      %mul3A_33 = arith.constant 4 : i32
      %mul3A_34 = arith.muli %scan3A_32, %mul3A_33 : i32
      %add3A_35 = arith.constant 0 : i32
      %add3A_36 = arith.addi %add3A_35, %mul3A_34 : i32
      %add3A_37 = arith.constant 0 : i32
      %add3A_38 = arith.addi %add3A_36, %add3A_37 : i32
      %add3A_39 = arith.constant 1 : i32
      %add3A_40 = arith.addi %add3A_38, %add3A_39 : i32
      %mul3A_41 = arith.constant 32 : i32
      %mul3A_42 = arith.muli %add3A_40, %mul3A_41 : i32
      %add3A_43 = arith.addi %add3A, %mul3A_42 : i32
      %add3A_44 = arith.constant 1 : i32
      %add3A_45 = arith.addi %add3A_38, %add3A_44 : i32
      %lt3A = arith.constant 80 : i32
      %lt3A_46 = arith.cmpi slt, %add3A_45, %lt3A : i32
      %lt3A_47 = arith.constant 2500 : i32
      %lt3A_48 = arith.cmpi slt, %add3A_43, %lt3A_47 : i32
      %and3A = arith.andi %lt3A_46, %lt3A_48 : i1
      %convert_element_type3A_49 = arith.extui %and3A : i1 to i32
      %cond3A_50 = arith.constant 0 : i32
      %cond3A_51 = arith.cmpi ne, %convert_element_type3A_49, %cond3A_50 : i32
      scf.if %cond3A_51 {
        %mul3A_135 = arith.constant 128 : i32
        %mul3A_136 = arith.muli %add3A_43, %mul3A_135 : i32
        %run_scoped3A_137 = arith.constant 1 : i32
        "tpu.region"() ({
          %run_scoped3A_151 = tpu.sem_alloc : memref<!tpu.dma_semaphore, #tpu.memory_space<semaphore_mem>>
          %dma_start3A_152 = arith.constant 0 : i32
          %dma_start3A_153 = arith.constant 0 : i32
          %dma_start3A_154 = tpu.memref_slice %arg6[%run_scoped3A_137, %dma_start3A_152, %dma_start3A_153] : memref<4x2x128xi32, #tpu.memory_space<vmem>> -> memref<1x2x128xi32, #tpu.memory_space<vmem>>
          %dma_start3A_155 = tpu.memref_squeeze %dma_start3A_154 : memref<1x2x128xi32, #tpu.memory_space<vmem>> -> memref<2x128xi32, #tpu.memory_space<vmem>>
          %dma_start3A_156 = arith.constant 0 : i32
          %dma_start3A_157 = tpu.memref_slice %arg3[%dma_start3A_156, %mul3A_136] : memref<2x320000xi32, #tpu.memory_space<hbm>> -> memref<2x128xi32, #tpu.memory_space<hbm>>
          %dma_start3A_158 = arith.constant 0 : i32
          %dma_start3A_159 = arith.constant 0 : i32
          %dma_start3A_160 = tpu.memref_slice %arg6[%run_scoped3A_137, %dma_start3A_158, %dma_start3A_159] : memref<4x2x128xi32, #tpu.memory_space<vmem>> -> memref<1x2x128xi32, #tpu.memory_space<vmem>>
          %dma_start3A_161 = tpu.memref_squeeze %dma_start3A_160 : memref<1x2x128xi32, #tpu.memory_space<vmem>> -> memref<2x128xi32, #tpu.memory_space<vmem>>
          %dma_start3A_162 = arith.constant 0 : i32
          %dma_start3A_163 = tpu.memref_slice %arg3[%dma_start3A_162, %mul3A_136] : memref<2x320000xi32, #tpu.memory_space<hbm>> -> memref<2x128xi32, #tpu.memory_space<hbm>>
          tpu.enqueue_dma source(%dma_start3A_163 : memref<2x128xi32, #tpu.memory_space<hbm>>) target(%dma_start3A_161 : memref<2x128xi32, #tpu.memory_space<vmem>>) target_semaphore(%run_scoped3A_151 : memref<!tpu.dma_semaphore, #tpu.memory_space<semaphore_mem>>)
          %dma_wait3A = arith.constant 0 : i32
          %dma_wait3A_164 = arith.constant 0 : i32
          %dma_wait3A_165 = tpu.memref_slice %arg6[%run_scoped3A_137, %dma_wait3A, %dma_wait3A_164] : memref<4x2x128xi32, #tpu.memory_space<vmem>> -> memref<1x2x128xi32, #tpu.memory_space<vmem>>
          %dma_wait3A_166 = tpu.memref_squeeze %dma_wait3A_165 : memref<1x2x128xi32, #tpu.memory_space<vmem>> -> memref<2x128xi32, #tpu.memory_space<vmem>>
          %dma_wait3A_167 = arith.constant 0 : i32
          %dma_wait3A_168 = tpu.memref_slice %arg3[%dma_wait3A_167, %mul3A_136] : memref<2x320000xi32, #tpu.memory_space<hbm>> -> memref<2x128xi32, #tpu.memory_space<hbm>>
          %dma_wait3A_169 = arith.constant 0 : i32
          %dma_wait3A_170 = arith.constant 0 : i32
          %dma_wait3A_171 = tpu.memref_slice %arg6[%run_scoped3A_137, %dma_wait3A_169, %dma_wait3A_170] : memref<4x2x128xi32, #tpu.memory_space<vmem>> -> memref<1x2x128xi32, #tpu.memory_space<vmem>>
          %dma_wait3A_172 = tpu.memref_squeeze %dma_wait3A_171 : memref<1x2x128xi32, #tpu.memory_space<vmem>> -> memref<2x128xi32, #tpu.memory_space<vmem>>
          %dma_wait3A_173 = arith.constant 0 : i32
          %dma_wait3A_174 = tpu.memref_slice %arg3[%dma_wait3A_173, %mul3A_136] : memref<2x320000xi32, #tpu.memory_space<hbm>> -> memref<2x128xi32, #tpu.memory_space<hbm>>
          tpu.wait_dma2 semaphore(%run_scoped3A_151 : memref<!tpu.dma_semaphore, #tpu.memory_space<semaphore_mem>>) src(%dma_wait3A_174 : memref<2x128xi32, #tpu.memory_space<hbm>>) dst(%dma_wait3A_172 : memref<2x128xi32, #tpu.memory_space<vmem>>)
          tpu.yield
        }) : () -> ()
        %dma_start3A_138 = arith.constant 1 : i32
        %dma_start3A_139 = arith.constant 0 : i32
        %dma_start3A_140 = arith.constant 1 : i32
        %dma_start3A_141 = arith.constant 0 : i32
        %dma_start3A_142 = arith.constant 0 : i32
        %dma_start3A_143 = tpu.memref_slice %arg7[%dma_start3A_140, %dma_start3A_141, %dma_start3A_142] : memref<2x128x64xf32, #tpu.memory_space<vmem>> -> memref<1x128x64xf32, #tpu.memory_space<vmem>>
        %dma_start3A_144 = tpu.memref_squeeze %dma_start3A_143 : memref<1x128x64xf32, #tpu.memory_space<vmem>> -> memref<128x64xf32, #tpu.memory_space<vmem>>
        %dma_start3A_145 = arith.constant 0 : i32
        %dma_start3A_146 = tpu.memref_slice %arg6[%dma_start3A_138, %dma_start3A_139, %dma_start3A_145] : memref<4x2x128xi32, #tpu.memory_space<vmem>> -> memref<1x1x128xi32, #tpu.memory_space<vmem>>
        %dma_start3A_147 = tpu.memref_squeeze %dma_start3A_146 : memref<1x1x128xi32, #tpu.memory_space<vmem>> -> memref<128xi32, #tpu.memory_space<vmem>>
        %dma_start3A_148 = arith.constant 0 : i32
        %dma_start3A_149 = arith.constant 0 : i32
        %dma_start3A_150 = tpu.memref_slice %arg2[%dma_start3A_148, %dma_start3A_149] : memref<10000x64xf32, #tpu.memory_space<hbm>> -> memref<10000x64xf32, #tpu.memory_space<hbm>>
        tpu.enqueue_indirect_dma source(%dma_start3A_150 : memref<10000x64xf32, #tpu.memory_space<hbm>>) target(%dma_start3A_144 : memref<128x64xf32, #tpu.memory_space<vmem>>) offsets(%dma_start3A_147 : memref<128xi32, #tpu.memory_space<vmem>>) semaphore(%arg10 : memref<!tpu.dma_semaphore, #tpu.memory_space<semaphore_mem>>)
      } else {
      }
      %mul3A_52 = arith.constant 32 : i32
      %mul3A_53 = arith.muli %add3A_38, %mul3A_52 : i32
      %add3A_54 = arith.addi %add3A, %mul3A_53 : i32
      %lt3A_55 = arith.constant 2500 : i32
      %lt3A_56 = arith.cmpi slt, %add3A_54, %lt3A_55 : i32
      %convert_element_type3A_57 = arith.extui %lt3A_56 : i1 to i32
      %cond3A_58 = arith.constant 0 : i32
      %cond3A_59 = arith.cmpi ne, %convert_element_type3A_57, %cond3A_58 : i32
      scf.if %cond3A_59 {
        %dma_wait3A = arith.constant 0 : i32
        %dma_wait3A_135 = arith.constant 0 : i32
        %dma_wait3A_136 = arith.constant 0 : i32
        %dma_wait3A_137 = tpu.memref_slice %arg7[%dma_wait3A, %dma_wait3A_135, %dma_wait3A_136] : memref<2x128x64xf32, #tpu.memory_space<vmem>> -> memref<1x128x64xf32, #tpu.memory_space<vmem>>
        %dma_wait3A_138 = tpu.memref_squeeze %dma_wait3A_137 : memref<1x128x64xf32, #tpu.memory_space<vmem>> -> memref<128x64xf32, #tpu.memory_space<vmem>>
        %dma_wait3A_139 = arith.constant 0 : i32
        %dma_wait3A_140 = arith.constant 0 : i32
        %dma_wait3A_141 = tpu.memref_slice %arg2[%dma_wait3A_139, %dma_wait3A_140] : memref<10000x64xf32, #tpu.memory_space<hbm>> -> memref<128x64xf32, #tpu.memory_space<hbm>>
        %dma_wait3A_142 = arith.constant 0 : i32
        %dma_wait3A_143 = arith.constant 0 : i32
        %dma_wait3A_144 = tpu.memref_slice %arg7[%dma_wait3A, %dma_wait3A_142, %dma_wait3A_143] : memref<2x128x64xf32, #tpu.memory_space<vmem>> -> memref<1x128x64xf32, #tpu.memory_space<vmem>>
        %dma_wait3A_145 = tpu.memref_squeeze %dma_wait3A_144 : memref<1x128x64xf32, #tpu.memory_space<vmem>> -> memref<128x64xf32, #tpu.memory_space<vmem>>
        %dma_wait3A_146 = arith.constant 0 : i32
        %dma_wait3A_147 = arith.constant 0 : i32
        %dma_wait3A_148 = tpu.memref_slice %arg2[%dma_wait3A_146, %dma_wait3A_147] : memref<10000x64xf32, #tpu.memory_space<hbm>> -> memref<128x64xf32, #tpu.memory_space<hbm>>
        tpu.wait_dma2 semaphore(%arg9 : memref<!tpu.dma_semaphore, #tpu.memory_space<semaphore_mem>>) src(%dma_wait3A_148 : memref<128x64xf32, #tpu.memory_space<hbm>>) dst(%dma_wait3A_145 : memref<128x64xf32, #tpu.memory_space<vmem>>)
        %run_scoped3A_149 = arith.constant 0 : i32
        %run_scoped3A_150 = arith.constant 0 : i32
        %run_scoped3A_151 = arith.constant 1 : i32
        "tpu.region"() ({
          %run_scoped3A_152 = tpu.sem_alloc : memref<!tpu.dma_semaphore, #tpu.memory_space<semaphore_mem>>
          %dma_start3A_153 = arith.constant 0 : i32
          %dma_start3A_154 = arith.constant 0 : i32
          %dma_start3A_155 = tpu.memref_slice %arg7[%run_scoped3A_149, %dma_start3A_153, %dma_start3A_154] : memref<2x128x64xf32, #tpu.memory_space<vmem>> -> memref<1x128x64xf32, #tpu.memory_space<vmem>>
          %dma_start3A_156 = tpu.memref_squeeze %dma_start3A_155 : memref<1x128x64xf32, #tpu.memory_space<vmem>> -> memref<128x64xf32, #tpu.memory_space<vmem>>
          %dma_start3A_157 = arith.constant 0 : i32
          %dma_start3A_158 = tpu.memref_slice %arg6[%run_scoped3A_150, %run_scoped3A_151, %dma_start3A_157] : memref<4x2x128xi32, #tpu.memory_space<vmem>> -> memref<1x1x128xi32, #tpu.memory_space<vmem>>
          %dma_start3A_159 = tpu.memref_squeeze %dma_start3A_158 : memref<1x1x128xi32, #tpu.memory_space<vmem>> -> memref<128xi32, #tpu.memory_space<vmem>>
          %dma_start3A_160 = arith.constant 0 : i32
          %dma_start3A_161 = arith.constant 0 : i32
          %dma_start3A_162 = tpu.memref_slice %arg8[%dma_start3A_160, %dma_start3A_161] : memref<10016x64xf32, #tpu.memory_space<vmem_shared>> -> memref<10016x64xf32, #tpu.memory_space<vmem_shared>>
          tpu.enqueue_indirect_dma source(%dma_start3A_156 : memref<128x64xf32, #tpu.memory_space<vmem>>) target(%dma_start3A_162 : memref<10016x64xf32, #tpu.memory_space<vmem_shared>>) offsets(%dma_start3A_159 : memref<128xi32, #tpu.memory_space<vmem>>) semaphore(%run_scoped3A_152 : memref<!tpu.dma_semaphore, #tpu.memory_space<semaphore_mem>>) {add = true}
          %dma_wait3A_163 = arith.constant 0 : i32
          %dma_wait3A_164 = arith.constant 0 : i32
          %dma_wait3A_165 = tpu.memref_slice %arg7[%run_scoped3A_149, %dma_wait3A_163, %dma_wait3A_164] : memref<2x128x64xf32, #tpu.memory_space<vmem>> -> memref<1x128x64xf32, #tpu.memory_space<vmem>>
          %dma_wait3A_166 = tpu.memref_squeeze %dma_wait3A_165 : memref<1x128x64xf32, #tpu.memory_space<vmem>> -> memref<128x64xf32, #tpu.memory_space<vmem>>
          %dma_wait3A_167 = arith.constant 0 : i32
          %dma_wait3A_168 = tpu.memref_slice %arg6[%run_scoped3A_150, %run_scoped3A_151, %dma_wait3A_167] : memref<4x2x128xi32, #tpu.memory_space<vmem>> -> memref<1x1x128xi32, #tpu.memory_space<vmem>>
          %dma_wait3A_169 = tpu.memref_squeeze %dma_wait3A_168 : memref<1x1x128xi32, #tpu.memory_space<vmem>> -> memref<128xi32, #tpu.memory_space<vmem>>
          %dma_wait3A_170 = arith.constant 0 : i32
          %dma_wait3A_171 = arith.constant 0 : i32
          %dma_wait3A_172 = tpu.memref_slice %arg8[%dma_wait3A_170, %dma_wait3A_171] : memref<10016x64xf32, #tpu.memory_space<vmem_shared>> -> memref<10016x64xf32, #tpu.memory_space<vmem_shared>>
          tpu.wait_indirect_dma semaphore(%run_scoped3A_152 : memref<!tpu.dma_semaphore, #tpu.memory_space<semaphore_mem>>) src(%dma_wait3A_166 : memref<128x64xf32, #tpu.memory_space<vmem>>) dst(%dma_wait3A_172 : memref<10016x64xf32, #tpu.memory_space<vmem_shared>>)
          tpu.yield
        }) : () -> ()
      } else {
      }
      %add3A_60 = arith.constant 1 : i32
      %add3A_61 = arith.addi %add3A_36, %add3A_60 : i32
      %add3A_62 = arith.constant 1 : i32
      %add3A_63 = arith.addi %add3A_61, %add3A_62 : i32
      %mul3A_64 = arith.constant 32 : i32
      %mul3A_65 = arith.muli %add3A_63, %mul3A_64 : i32
      %add3A_66 = arith.addi %add3A, %mul3A_65 : i32
      %add3A_67 = arith.constant 1 : i32
      %add3A_68 = arith.addi %add3A_61, %add3A_67 : i32
      %lt3A_69 = arith.constant 80 : i32
      %lt3A_70 = arith.cmpi slt, %add3A_68, %lt3A_69 : i32
      %lt3A_71 = arith.constant 2500 : i32
      %lt3A_72 = arith.cmpi slt, %add3A_66, %lt3A_71 : i32
      %and3A_73 = arith.andi %lt3A_70, %lt3A_72 : i1
      %convert_element_type3A_74 = arith.extui %and3A_73 : i1 to i32
      %cond3A_75 = arith.constant 0 : i32
      %cond3A_76 = arith.cmpi ne, %convert_element_type3A_74, %cond3A_75 : i32
      scf.if %cond3A_76 {
        %mul3A_135 = arith.constant 128 : i32
        %mul3A_136 = arith.muli %add3A_66, %mul3A_135 : i32
        %run_scoped3A_137 = arith.constant 2 : i32
        "tpu.region"() ({
          %run_scoped3A_151 = tpu.sem_alloc : memref<!tpu.dma_semaphore, #tpu.memory_space<semaphore_mem>>
          %dma_start3A_152 = arith.constant 0 : i32
          %dma_start3A_153 = arith.constant 0 : i32
          %dma_start3A_154 = tpu.memref_slice %arg6[%run_scoped3A_137, %dma_start3A_152, %dma_start3A_153] : memref<4x2x128xi32, #tpu.memory_space<vmem>> -> memref<1x2x128xi32, #tpu.memory_space<vmem>>
          %dma_start3A_155 = tpu.memref_squeeze %dma_start3A_154 : memref<1x2x128xi32, #tpu.memory_space<vmem>> -> memref<2x128xi32, #tpu.memory_space<vmem>>
          %dma_start3A_156 = arith.constant 0 : i32
          %dma_start3A_157 = tpu.memref_slice %arg3[%dma_start3A_156, %mul3A_136] : memref<2x320000xi32, #tpu.memory_space<hbm>> -> memref<2x128xi32, #tpu.memory_space<hbm>>
          %dma_start3A_158 = arith.constant 0 : i32
          %dma_start3A_159 = arith.constant 0 : i32
          %dma_start3A_160 = tpu.memref_slice %arg6[%run_scoped3A_137, %dma_start3A_158, %dma_start3A_159] : memref<4x2x128xi32, #tpu.memory_space<vmem>> -> memref<1x2x128xi32, #tpu.memory_space<vmem>>
          %dma_start3A_161 = tpu.memref_squeeze %dma_start3A_160 : memref<1x2x128xi32, #tpu.memory_space<vmem>> -> memref<2x128xi32, #tpu.memory_space<vmem>>
          %dma_start3A_162 = arith.constant 0 : i32
          %dma_start3A_163 = tpu.memref_slice %arg3[%dma_start3A_162, %mul3A_136] : memref<2x320000xi32, #tpu.memory_space<hbm>> -> memref<2x128xi32, #tpu.memory_space<hbm>>
          tpu.enqueue_dma source(%dma_start3A_163 : memref<2x128xi32, #tpu.memory_space<hbm>>) target(%dma_start3A_161 : memref<2x128xi32, #tpu.memory_space<vmem>>) target_semaphore(%run_scoped3A_151 : memref<!tpu.dma_semaphore, #tpu.memory_space<semaphore_mem>>)
          %dma_wait3A = arith.constant 0 : i32
          %dma_wait3A_164 = arith.constant 0 : i32
          %dma_wait3A_165 = tpu.memref_slice %arg6[%run_scoped3A_137, %dma_wait3A, %dma_wait3A_164] : memref<4x2x128xi32, #tpu.memory_space<vmem>> -> memref<1x2x128xi32, #tpu.memory_space<vmem>>
          %dma_wait3A_166 = tpu.memref_squeeze %dma_wait3A_165 : memref<1x2x128xi32, #tpu.memory_space<vmem>> -> memref<2x128xi32, #tpu.memory_space<vmem>>
          %dma_wait3A_167 = arith.constant 0 : i32
          %dma_wait3A_168 = tpu.memref_slice %arg3[%dma_wait3A_167, %mul3A_136] : memref<2x320000xi32, #tpu.memory_space<hbm>> -> memref<2x128xi32, #tpu.memory_space<hbm>>
          %dma_wait3A_169 = arith.constant 0 : i32
          %dma_wait3A_170 = arith.constant 0 : i32
          %dma_wait3A_171 = tpu.memref_slice %arg6[%run_scoped3A_137, %dma_wait3A_169, %dma_wait3A_170] : memref<4x2x128xi32, #tpu.memory_space<vmem>> -> memref<1x2x128xi32, #tpu.memory_space<vmem>>
          %dma_wait3A_172 = tpu.memref_squeeze %dma_wait3A_171 : memref<1x2x128xi32, #tpu.memory_space<vmem>> -> memref<2x128xi32, #tpu.memory_space<vmem>>
          %dma_wait3A_173 = arith.constant 0 : i32
          %dma_wait3A_174 = tpu.memref_slice %arg3[%dma_wait3A_173, %mul3A_136] : memref<2x320000xi32, #tpu.memory_space<hbm>> -> memref<2x128xi32, #tpu.memory_space<hbm>>
          tpu.wait_dma2 semaphore(%run_scoped3A_151 : memref<!tpu.dma_semaphore, #tpu.memory_space<semaphore_mem>>) src(%dma_wait3A_174 : memref<2x128xi32, #tpu.memory_space<hbm>>) dst(%dma_wait3A_172 : memref<2x128xi32, #tpu.memory_space<vmem>>)
          tpu.yield
        }) : () -> ()
        %dma_start3A_138 = arith.constant 2 : i32
        %dma_start3A_139 = arith.constant 0 : i32
        %dma_start3A_140 = arith.constant 0 : i32
        %dma_start3A_141 = arith.constant 0 : i32
        %dma_start3A_142 = arith.constant 0 : i32
        %dma_start3A_143 = tpu.memref_slice %arg7[%dma_start3A_140, %dma_start3A_141, %dma_start3A_142] : memref<2x128x64xf32, #tpu.memory_space<vmem>> -> memref<1x128x64xf32, #tpu.memory_space<vmem>>
        %dma_start3A_144 = tpu.memref_squeeze %dma_start3A_143 : memref<1x128x64xf32, #tpu.memory_space<vmem>> -> memref<128x64xf32, #tpu.memory_space<vmem>>
        %dma_start3A_145 = arith.constant 0 : i32
        %dma_start3A_146 = tpu.memref_slice %arg6[%dma_start3A_138, %dma_start3A_139, %dma_start3A_145] : memref<4x2x128xi32, #tpu.memory_space<vmem>> -> memref<1x1x128xi32, #tpu.memory_space<vmem>>
        %dma_start3A_147 = tpu.memref_squeeze %dma_start3A_146 : memref<1x1x128xi32, #tpu.memory_space<vmem>> -> memref<128xi32, #tpu.memory_space<vmem>>
        %dma_start3A_148 = arith.constant 0 : i32
        %dma_start3A_149 = arith.constant 0 : i32
        %dma_start3A_150 = tpu.memref_slice %arg2[%dma_start3A_148, %dma_start3A_149] : memref<10000x64xf32, #tpu.memory_space<hbm>> -> memref<10000x64xf32, #tpu.memory_space<hbm>>
        tpu.enqueue_indirect_dma source(%dma_start3A_150 : memref<10000x64xf32, #tpu.memory_space<hbm>>) target(%dma_start3A_144 : memref<128x64xf32, #tpu.memory_space<vmem>>) offsets(%dma_start3A_147 : memref<128xi32, #tpu.memory_space<vmem>>) semaphore(%arg9 : memref<!tpu.dma_semaphore, #tpu.memory_space<semaphore_mem>>)
      } else {
      }
      %mul3A_77 = arith.constant 32 : i32
      %mul3A_78 = arith.muli %add3A_61, %mul3A_77 : i32
      %add3A_79 = arith.addi %add3A, %mul3A_78 : i32
      %lt3A_80 = arith.constant 2500 : i32
      %lt3A_81 = arith.cmpi slt, %add3A_79, %lt3A_80 : i32
      %convert_element_type3A_82 = arith.extui %lt3A_81 : i1 to i32
      %cond3A_83 = arith.constant 0 : i32
      %cond3A_84 = arith.cmpi ne, %convert_element_type3A_82, %cond3A_83 : i32
      scf.if %cond3A_84 {
        %dma_wait3A = arith.constant 1 : i32
        %dma_wait3A_135 = arith.constant 0 : i32
        %dma_wait3A_136 = arith.constant 0 : i32
        %dma_wait3A_137 = tpu.memref_slice %arg7[%dma_wait3A, %dma_wait3A_135, %dma_wait3A_136] : memref<2x128x64xf32, #tpu.memory_space<vmem>> -> memref<1x128x64xf32, #tpu.memory_space<vmem>>
        %dma_wait3A_138 = tpu.memref_squeeze %dma_wait3A_137 : memref<1x128x64xf32, #tpu.memory_space<vmem>> -> memref<128x64xf32, #tpu.memory_space<vmem>>
        %dma_wait3A_139 = arith.constant 0 : i32
        %dma_wait3A_140 = arith.constant 0 : i32
        %dma_wait3A_141 = tpu.memref_slice %arg2[%dma_wait3A_139, %dma_wait3A_140] : memref<10000x64xf32, #tpu.memory_space<hbm>> -> memref<128x64xf32, #tpu.memory_space<hbm>>
        %dma_wait3A_142 = arith.constant 0 : i32
        %dma_wait3A_143 = arith.constant 0 : i32
        %dma_wait3A_144 = tpu.memref_slice %arg7[%dma_wait3A, %dma_wait3A_142, %dma_wait3A_143] : memref<2x128x64xf32, #tpu.memory_space<vmem>> -> memref<1x128x64xf32, #tpu.memory_space<vmem>>
        %dma_wait3A_145 = tpu.memref_squeeze %dma_wait3A_144 : memref<1x128x64xf32, #tpu.memory_space<vmem>> -> memref<128x64xf32, #tpu.memory_space<vmem>>
        %dma_wait3A_146 = arith.constant 0 : i32
        %dma_wait3A_147 = arith.constant 0 : i32
        %dma_wait3A_148 = tpu.memref_slice %arg2[%dma_wait3A_146, %dma_wait3A_147] : memref<10000x64xf32, #tpu.memory_space<hbm>> -> memref<128x64xf32, #tpu.memory_space<hbm>>
        tpu.wait_dma2 semaphore(%arg10 : memref<!tpu.dma_semaphore, #tpu.memory_space<semaphore_mem>>) src(%dma_wait3A_148 : memref<128x64xf32, #tpu.memory_space<hbm>>) dst(%dma_wait3A_145 : memref<128x64xf32, #tpu.memory_space<vmem>>)
        %run_scoped3A_149 = arith.constant 1 : i32
        %run_scoped3A_150 = arith.constant 1 : i32
        %run_scoped3A_151 = arith.constant 1 : i32
        "tpu.region"() ({
          %run_scoped3A_152 = tpu.sem_alloc : memref<!tpu.dma_semaphore, #tpu.memory_space<semaphore_mem>>
          %dma_start3A_153 = arith.constant 0 : i32
          %dma_start3A_154 = arith.constant 0 : i32
          %dma_start3A_155 = tpu.memref_slice %arg7[%run_scoped3A_149, %dma_start3A_153, %dma_start3A_154] : memref<2x128x64xf32, #tpu.memory_space<vmem>> -> memref<1x128x64xf32, #tpu.memory_space<vmem>>
          %dma_start3A_156 = tpu.memref_squeeze %dma_start3A_155 : memref<1x128x64xf32, #tpu.memory_space<vmem>> -> memref<128x64xf32, #tpu.memory_space<vmem>>
          %dma_start3A_157 = arith.constant 0 : i32
          %dma_start3A_158 = tpu.memref_slice %arg6[%run_scoped3A_150, %run_scoped3A_151, %dma_start3A_157] : memref<4x2x128xi32, #tpu.memory_space<vmem>> -> memref<1x1x128xi32, #tpu.memory_space<vmem>>
          %dma_start3A_159 = tpu.memref_squeeze %dma_start3A_158 : memref<1x1x128xi32, #tpu.memory_space<vmem>> -> memref<128xi32, #tpu.memory_space<vmem>>
          %dma_start3A_160 = arith.constant 0 : i32
          %dma_start3A_161 = arith.constant 0 : i32
          %dma_start3A_162 = tpu.memref_slice %arg8[%dma_start3A_160, %dma_start3A_161] : memref<10016x64xf32, #tpu.memory_space<vmem_shared>> -> memref<10016x64xf32, #tpu.memory_space<vmem_shared>>
          tpu.enqueue_indirect_dma source(%dma_start3A_156 : memref<128x64xf32, #tpu.memory_space<vmem>>) target(%dma_start3A_162 : memref<10016x64xf32, #tpu.memory_space<vmem_shared>>) offsets(%dma_start3A_159 : memref<128xi32, #tpu.memory_space<vmem>>) semaphore(%run_scoped3A_152 : memref<!tpu.dma_semaphore, #tpu.memory_space<semaphore_mem>>) {add = true}
          %dma_wait3A_163 = arith.constant 0 : i32
          %dma_wait3A_164 = arith.constant 0 : i32
          %dma_wait3A_165 = tpu.memref_slice %arg7[%run_scoped3A_149, %dma_wait3A_163, %dma_wait3A_164] : memref<2x128x64xf32, #tpu.memory_space<vmem>> -> memref<1x128x64xf32, #tpu.memory_space<vmem>>
          %dma_wait3A_166 = tpu.memref_squeeze %dma_wait3A_165 : memref<1x128x64xf32, #tpu.memory_space<vmem>> -> memref<128x64xf32, #tpu.memory_space<vmem>>
          %dma_wait3A_167 = arith.constant 0 : i32
          %dma_wait3A_168 = tpu.memref_slice %arg6[%run_scoped3A_150, %run_scoped3A_151, %dma_wait3A_167] : memref<4x2x128xi32, #tpu.memory_space<vmem>> -> memref<1x1x128xi32, #tpu.memory_space<vmem>>
          %dma_wait3A_169 = tpu.memref_squeeze %dma_wait3A_168 : memref<1x1x128xi32, #tpu.memory_space<vmem>> -> memref<128xi32, #tpu.memory_space<vmem>>
          %dma_wait3A_170 = arith.constant 0 : i32
          %dma_wait3A_171 = arith.constant 0 : i32
          %dma_wait3A_172 = tpu.memref_slice %arg8[%dma_wait3A_170, %dma_wait3A_171] : memref<10016x64xf32, #tpu.memory_space<vmem_shared>> -> memref<10016x64xf32, #tpu.memory_space<vmem_shared>>
          tpu.wait_indirect_dma semaphore(%run_scoped3A_152 : memref<!tpu.dma_semaphore, #tpu.memory_space<semaphore_mem>>) src(%dma_wait3A_166 : memref<128x64xf32, #tpu.memory_space<vmem>>) dst(%dma_wait3A_172 : memref<10016x64xf32, #tpu.memory_space<vmem_shared>>)
          tpu.yield
        }) : () -> ()
      } else {
      }
      %add3A_85 = arith.constant 2 : i32
      %add3A_86 = arith.addi %add3A_36, %add3A_85 : i32
      %add3A_87 = arith.constant 1 : i32
      %add3A_88 = arith.addi %add3A_86, %add3A_87 : i32
      %mul3A_89 = arith.constant 32 : i32
      %mul3A_90 = arith.muli %add3A_88, %mul3A_89 : i32
      %add3A_91 = arith.addi %add3A, %mul3A_90 : i32
      %add3A_92 = arith.constant 1 : i32
      %add3A_93 = arith.addi %add3A_86, %add3A_92 : i32
      %lt3A_94 = arith.constant 80 : i32
      %lt3A_95 = arith.cmpi slt, %add3A_93, %lt3A_94 : i32
      %lt3A_96 = arith.constant 2500 : i32
      %lt3A_97 = arith.cmpi slt, %add3A_91, %lt3A_96 : i32
      %and3A_98 = arith.andi %lt3A_95, %lt3A_97 : i1
      %convert_element_type3A_99 = arith.extui %and3A_98 : i1 to i32
      %cond3A_100 = arith.constant 0 : i32
      %cond3A_101 = arith.cmpi ne, %convert_element_type3A_99, %cond3A_100 : i32
      scf.if %cond3A_101 {
        %mul3A_135 = arith.constant 128 : i32
        %mul3A_136 = arith.muli %add3A_91, %mul3A_135 : i32
        %run_scoped3A_137 = arith.constant 3 : i32
        "tpu.region"() ({
          %run_scoped3A_151 = tpu.sem_alloc : memref<!tpu.dma_semaphore, #tpu.memory_space<semaphore_mem>>
          %dma_start3A_152 = arith.constant 0 : i32
          %dma_start3A_153 = arith.constant 0 : i32
          %dma_start3A_154 = tpu.memref_slice %arg6[%run_scoped3A_137, %dma_start3A_152, %dma_start3A_153] : memref<4x2x128xi32, #tpu.memory_space<vmem>> -> memref<1x2x128xi32, #tpu.memory_space<vmem>>
          %dma_start3A_155 = tpu.memref_squeeze %dma_start3A_154 : memref<1x2x128xi32, #tpu.memory_space<vmem>> -> memref<2x128xi32, #tpu.memory_space<vmem>>
          %dma_start3A_156 = arith.constant 0 : i32
          %dma_start3A_157 = tpu.memref_slice %arg3[%dma_start3A_156, %mul3A_136] : memref<2x320000xi32, #tpu.memory_space<hbm>> -> memref<2x128xi32, #tpu.memory_space<hbm>>
          %dma_start3A_158 = arith.constant 0 : i32
          %dma_start3A_159 = arith.constant 0 : i32
          %dma_start3A_160 = tpu.memref_slice %arg6[%run_scoped3A_137, %dma_start3A_158, %dma_start3A_159] : memref<4x2x128xi32, #tpu.memory_space<vmem>> -> memref<1x2x128xi32, #tpu.memory_space<vmem>>
          %dma_start3A_161 = tpu.memref_squeeze %dma_start3A_160 : memref<1x2x128xi32, #tpu.memory_space<vmem>> -> memref<2x128xi32, #tpu.memory_space<vmem>>
          %dma_start3A_162 = arith.constant 0 : i32
          %dma_start3A_163 = tpu.memref_slice %arg3[%dma_start3A_162, %mul3A_136] : memref<2x320000xi32, #tpu.memory_space<hbm>> -> memref<2x128xi32, #tpu.memory_space<hbm>>
          tpu.enqueue_dma source(%dma_start3A_163 : memref<2x128xi32, #tpu.memory_space<hbm>>) target(%dma_start3A_161 : memref<2x128xi32, #tpu.memory_space<vmem>>) target_semaphore(%run_scoped3A_151 : memref<!tpu.dma_semaphore, #tpu.memory_space<semaphore_mem>>)
          %dma_wait3A = arith.constant 0 : i32
          %dma_wait3A_164 = arith.constant 0 : i32
          %dma_wait3A_165 = tpu.memref_slice %arg6[%run_scoped3A_137, %dma_wait3A, %dma_wait3A_164] : memref<4x2x128xi32, #tpu.memory_space<vmem>> -> memref<1x2x128xi32, #tpu.memory_space<vmem>>
          %dma_wait3A_166 = tpu.memref_squeeze %dma_wait3A_165 : memref<1x2x128xi32, #tpu.memory_space<vmem>> -> memref<2x128xi32, #tpu.memory_space<vmem>>
          %dma_wait3A_167 = arith.constant 0 : i32
          %dma_wait3A_168 = tpu.memref_slice %arg3[%dma_wait3A_167, %mul3A_136] : memref<2x320000xi32, #tpu.memory_space<hbm>> -> memref<2x128xi32, #tpu.memory_space<hbm>>
          %dma_wait3A_169 = arith.constant 0 : i32
          %dma_wait3A_170 = arith.constant 0 : i32
          %dma_wait3A_171 = tpu.memref_slice %arg6[%run_scoped3A_137, %dma_wait3A_169, %dma_wait3A_170] : memref<4x2x128xi32, #tpu.memory_space<vmem>> -> memref<1x2x128xi32, #tpu.memory_space<vmem>>
          %dma_wait3A_172 = tpu.memref_squeeze %dma_wait3A_171 : memref<1x2x128xi32, #tpu.memory_space<vmem>> -> memref<2x128xi32, #tpu.memory_space<vmem>>
          %dma_wait3A_173 = arith.constant 0 : i32
          %dma_wait3A_174 = tpu.memref_slice %arg3[%dma_wait3A_173, %mul3A_136] : memref<2x320000xi32, #tpu.memory_space<hbm>> -> memref<2x128xi32, #tpu.memory_space<hbm>>
          tpu.wait_dma2 semaphore(%run_scoped3A_151 : memref<!tpu.dma_semaphore, #tpu.memory_space<semaphore_mem>>) src(%dma_wait3A_174 : memref<2x128xi32, #tpu.memory_space<hbm>>) dst(%dma_wait3A_172 : memref<2x128xi32, #tpu.memory_space<vmem>>)
          tpu.yield
        }) : () -> ()
        %dma_start3A_138 = arith.constant 3 : i32
        %dma_start3A_139 = arith.constant 0 : i32
        %dma_start3A_140 = arith.constant 1 : i32
        %dma_start3A_141 = arith.constant 0 : i32
        %dma_start3A_142 = arith.constant 0 : i32
        %dma_start3A_143 = tpu.memref_slice %arg7[%dma_start3A_140, %dma_start3A_141, %dma_start3A_142] : memref<2x128x64xf32, #tpu.memory_space<vmem>> -> memref<1x128x64xf32, #tpu.memory_space<vmem>>
        %dma_start3A_144 = tpu.memref_squeeze %dma_start3A_143 : memref<1x128x64xf32, #tpu.memory_space<vmem>> -> memref<128x64xf32, #tpu.memory_space<vmem>>
        %dma_start3A_145 = arith.constant 0 : i32
        %dma_start3A_146 = tpu.memref_slice %arg6[%dma_start3A_138, %dma_start3A_139, %dma_start3A_145] : memref<4x2x128xi32, #tpu.memory_space<vmem>> -> memref<1x1x128xi32, #tpu.memory_space<vmem>>
        %dma_start3A_147 = tpu.memref_squeeze %dma_start3A_146 : memref<1x1x128xi32, #tpu.memory_space<vmem>> -> memref<128xi32, #tpu.memory_space<vmem>>
        %dma_start3A_148 = arith.constant 0 : i32
        %dma_start3A_149 = arith.constant 0 : i32
        %dma_start3A_150 = tpu.memref_slice %arg2[%dma_start3A_148, %dma_start3A_149] : memref<10000x64xf32, #tpu.memory_space<hbm>> -> memref<10000x64xf32, #tpu.memory_space<hbm>>
        tpu.enqueue_indirect_dma source(%dma_start3A_150 : memref<10000x64xf32, #tpu.memory_space<hbm>>) target(%dma_start3A_144 : memref<128x64xf32, #tpu.memory_space<vmem>>) offsets(%dma_start3A_147 : memref<128xi32, #tpu.memory_space<vmem>>) semaphore(%arg10 : memref<!tpu.dma_semaphore, #tpu.memory_space<semaphore_mem>>)
      } else {
      }
      %mul3A_102 = arith.constant 32 : i32
      %mul3A_103 = arith.muli %add3A_86, %mul3A_102 : i32
      %add3A_104 = arith.addi %add3A, %mul3A_103 : i32
      %lt3A_105 = arith.constant 2500 : i32
      %lt3A_106 = arith.cmpi slt, %add3A_104, %lt3A_105 : i32
      %convert_element_type3A_107 = arith.extui %lt3A_106 : i1 to i32
      %cond3A_108 = arith.constant 0 : i32
      %cond3A_109 = arith.cmpi ne, %convert_element_type3A_107, %cond3A_108 : i32
      scf.if %cond3A_109 {
        %dma_wait3A = arith.constant 0 : i32
        %dma_wait3A_135 = arith.constant 0 : i32
        %dma_wait3A_136 = arith.constant 0 : i32
        %dma_wait3A_137 = tpu.memref_slice %arg7[%dma_wait3A, %dma_wait3A_135, %dma_wait3A_136] : memref<2x128x64xf32, #tpu.memory_space<vmem>> -> memref<1x128x64xf32, #tpu.memory_space<vmem>>
        %dma_wait3A_138 = tpu.memref_squeeze %dma_wait3A_137 : memref<1x128x64xf32, #tpu.memory_space<vmem>> -> memref<128x64xf32, #tpu.memory_space<vmem>>
        %dma_wait3A_139 = arith.constant 0 : i32
        %dma_wait3A_140 = arith.constant 0 : i32
        %dma_wait3A_141 = tpu.memref_slice %arg2[%dma_wait3A_139, %dma_wait3A_140] : memref<10000x64xf32, #tpu.memory_space<hbm>> -> memref<128x64xf32, #tpu.memory_space<hbm>>
        %dma_wait3A_142 = arith.constant 0 : i32
        %dma_wait3A_143 = arith.constant 0 : i32
        %dma_wait3A_144 = tpu.memref_slice %arg7[%dma_wait3A, %dma_wait3A_142, %dma_wait3A_143] : memref<2x128x64xf32, #tpu.memory_space<vmem>> -> memref<1x128x64xf32, #tpu.memory_space<vmem>>
        %dma_wait3A_145 = tpu.memref_squeeze %dma_wait3A_144 : memref<1x128x64xf32, #tpu.memory_space<vmem>> -> memref<128x64xf32, #tpu.memory_space<vmem>>
        %dma_wait3A_146 = arith.constant 0 : i32
        %dma_wait3A_147 = arith.constant 0 : i32
        %dma_wait3A_148 = tpu.memref_slice %arg2[%dma_wait3A_146, %dma_wait3A_147] : memref<10000x64xf32, #tpu.memory_space<hbm>> -> memref<128x64xf32, #tpu.memory_space<hbm>>
        tpu.wait_dma2 semaphore(%arg9 : memref<!tpu.dma_semaphore, #tpu.memory_space<semaphore_mem>>) src(%dma_wait3A_148 : memref<128x64xf32, #tpu.memory_space<hbm>>) dst(%dma_wait3A_145 : memref<128x64xf32, #tpu.memory_space<vmem>>)
        %run_scoped3A_149 = arith.constant 0 : i32
        %run_scoped3A_150 = arith.constant 2 : i32
        %run_scoped3A_151 = arith.constant 1 : i32
        "tpu.region"() ({
          %run_scoped3A_152 = tpu.sem_alloc : memref<!tpu.dma_semaphore, #tpu.memory_space<semaphore_mem>>
          %dma_start3A_153 = arith.constant 0 : i32
          %dma_start3A_154 = arith.constant 0 : i32
          %dma_start3A_155 = tpu.memref_slice %arg7[%run_scoped3A_149, %dma_start3A_153, %dma_start3A_154] : memref<2x128x64xf32, #tpu.memory_space<vmem>> -> memref<1x128x64xf32, #tpu.memory_space<vmem>>
          %dma_start3A_156 = tpu.memref_squeeze %dma_start3A_155 : memref<1x128x64xf32, #tpu.memory_space<vmem>> -> memref<128x64xf32, #tpu.memory_space<vmem>>
          %dma_start3A_157 = arith.constant 0 : i32
          %dma_start3A_158 = tpu.memref_slice %arg6[%run_scoped3A_150, %run_scoped3A_151, %dma_start3A_157] : memref<4x2x128xi32, #tpu.memory_space<vmem>> -> memref<1x1x128xi32, #tpu.memory_space<vmem>>
          %dma_start3A_159 = tpu.memref_squeeze %dma_start3A_158 : memref<1x1x128xi32, #tpu.memory_space<vmem>> -> memref<128xi32, #tpu.memory_space<vmem>>
          %dma_start3A_160 = arith.constant 0 : i32
          %dma_start3A_161 = arith.constant 0 : i32
          %dma_start3A_162 = tpu.memref_slice %arg8[%dma_start3A_160, %dma_start3A_161] : memref<10016x64xf32, #tpu.memory_space<vmem_shared>> -> memref<10016x64xf32, #tpu.memory_space<vmem_shared>>
          tpu.enqueue_indirect_dma source(%dma_start3A_156 : memref<128x64xf32, #tpu.memory_space<vmem>>) target(%dma_start3A_162 : memref<10016x64xf32, #tpu.memory_space<vmem_shared>>) offsets(%dma_start3A_159 : memref<128xi32, #tpu.memory_space<vmem>>) semaphore(%run_scoped3A_152 : memref<!tpu.dma_semaphore, #tpu.memory_space<semaphore_mem>>) {add = true}
          %dma_wait3A_163 = arith.constant 0 : i32
          %dma_wait3A_164 = arith.constant 0 : i32
          %dma_wait3A_165 = tpu.memref_slice %arg7[%run_scoped3A_149, %dma_wait3A_163, %dma_wait3A_164] : memref<2x128x64xf32, #tpu.memory_space<vmem>> -> memref<1x128x64xf32, #tpu.memory_space<vmem>>
          %dma_wait3A_166 = tpu.memref_squeeze %dma_wait3A_165 : memref<1x128x64xf32, #tpu.memory_space<vmem>> -> memref<128x64xf32, #tpu.memory_space<vmem>>
          %dma_wait3A_167 = arith.constant 0 : i32
          %dma_wait3A_168 = tpu.memref_slice %arg6[%run_scoped3A_150, %run_scoped3A_151, %dma_wait3A_167] : memref<4x2x128xi32, #tpu.memory_space<vmem>> -> memref<1x1x128xi32, #tpu.memory_space<vmem>>
          %dma_wait3A_169 = tpu.memref_squeeze %dma_wait3A_168 : memref<1x1x128xi32, #tpu.memory_space<vmem>> -> memref<128xi32, #tpu.memory_space<vmem>>
          %dma_wait3A_170 = arith.constant 0 : i32
          %dma_wait3A_171 = arith.constant 0 : i32
          %dma_wait3A_172 = tpu.memref_slice %arg8[%dma_wait3A_170, %dma_wait3A_171] : memref<10016x64xf32, #tpu.memory_space<vmem_shared>> -> memref<10016x64xf32, #tpu.memory_space<vmem_shared>>
          tpu.wait_indirect_dma semaphore(%run_scoped3A_152 : memref<!tpu.dma_semaphore, #tpu.memory_space<semaphore_mem>>) src(%dma_wait3A_166 : memref<128x64xf32, #tpu.memory_space<vmem>>) dst(%dma_wait3A_172 : memref<10016x64xf32, #tpu.memory_space<vmem_shared>>)
          tpu.yield
        }) : () -> ()
      } else {
      }
      %add3A_110 = arith.constant 3 : i32
      %add3A_111 = arith.addi %add3A_36, %add3A_110 : i32
      %add3A_112 = arith.constant 1 : i32
      %add3A_113 = arith.addi %add3A_111, %add3A_112 : i32
      %mul3A_114 = arith.constant 32 : i32
      %mul3A_115 = arith.muli %add3A_113, %mul3A_114 : i32
      %add3A_116 = arith.addi %add3A, %mul3A_115 : i32
      %add3A_117 = arith.constant 1 : i32
      %add3A_118 = arith.addi %add3A_111, %add3A_117 : i32
      %lt3A_119 = arith.constant 80 : i32
      %lt3A_120 = arith.cmpi slt, %add3A_118, %lt3A_119 : i32
      %lt3A_121 = arith.constant 2500 : i32
      %lt3A_122 = arith.cmpi slt, %add3A_116, %lt3A_121 : i32
      %and3A_123 = arith.andi %lt3A_120, %lt3A_122 : i1
      %convert_element_type3A_124 = arith.extui %and3A_123 : i1 to i32
      %cond3A_125 = arith.constant 0 : i32
      %cond3A_126 = arith.cmpi ne, %convert_element_type3A_124, %cond3A_125 : i32
      scf.if %cond3A_126 {
        %mul3A_135 = arith.constant 128 : i32
        %mul3A_136 = arith.muli %add3A_116, %mul3A_135 : i32
        %run_scoped3A_137 = arith.constant 0 : i32
        "tpu.region"() ({
          %run_scoped3A_151 = tpu.sem_alloc : memref<!tpu.dma_semaphore, #tpu.memory_space<semaphore_mem>>
          %dma_start3A_152 = arith.constant 0 : i32
          %dma_start3A_153 = arith.constant 0 : i32
          %dma_start3A_154 = tpu.memref_slice %arg6[%run_scoped3A_137, %dma_start3A_152, %dma_start3A_153] : memref<4x2x128xi32, #tpu.memory_space<vmem>> -> memref<1x2x128xi32, #tpu.memory_space<vmem>>
          %dma_start3A_155 = tpu.memref_squeeze %dma_start3A_154 : memref<1x2x128xi32, #tpu.memory_space<vmem>> -> memref<2x128xi32, #tpu.memory_space<vmem>>
          %dma_start3A_156 = arith.constant 0 : i32
          %dma_start3A_157 = tpu.memref_slice %arg3[%dma_start3A_156, %mul3A_136] : memref<2x320000xi32, #tpu.memory_space<hbm>> -> memref<2x128xi32, #tpu.memory_space<hbm>>
          %dma_start3A_158 = arith.constant 0 : i32
          %dma_start3A_159 = arith.constant 0 : i32
          %dma_start3A_160 = tpu.memref_slice %arg6[%run_scoped3A_137, %dma_start3A_158, %dma_start3A_159] : memref<4x2x128xi32, #tpu.memory_space<vmem>> -> memref<1x2x128xi32, #tpu.memory_space<vmem>>
          %dma_start3A_161 = tpu.memref_squeeze %dma_start3A_160 : memref<1x2x128xi32, #tpu.memory_space<vmem>> -> memref<2x128xi32, #tpu.memory_space<vmem>>
          %dma_start3A_162 = arith.constant 0 : i32
          %dma_start3A_163 = tpu.memref_slice %arg3[%dma_start3A_162, %mul3A_136] : memref<2x320000xi32, #tpu.memory_space<hbm>> -> memref<2x128xi32, #tpu.memory_space<hbm>>
          tpu.enqueue_dma source(%dma_start3A_163 : memref<2x128xi32, #tpu.memory_space<hbm>>) target(%dma_start3A_161 : memref<2x128xi32, #tpu.memory_space<vmem>>) target_semaphore(%run_scoped3A_151 : memref<!tpu.dma_semaphore, #tpu.memory_space<semaphore_mem>>)
          %dma_wait3A = arith.constant 0 : i32
          %dma_wait3A_164 = arith.constant 0 : i32
          %dma_wait3A_165 = tpu.memref_slice %arg6[%run_scoped3A_137, %dma_wait3A, %dma_wait3A_164] : memref<4x2x128xi32, #tpu.memory_space<vmem>> -> memref<1x2x128xi32, #tpu.memory_space<vmem>>
          %dma_wait3A_166 = tpu.memref_squeeze %dma_wait3A_165 : memref<1x2x128xi32, #tpu.memory_space<vmem>> -> memref<2x128xi32, #tpu.memory_space<vmem>>
          %dma_wait3A_167 = arith.constant 0 : i32
          %dma_wait3A_168 = tpu.memref_slice %arg3[%dma_wait3A_167, %mul3A_136] : memref<2x320000xi32, #tpu.memory_space<hbm>> -> memref<2x128xi32, #tpu.memory_space<hbm>>
          %dma_wait3A_169 = arith.constant 0 : i32
          %dma_wait3A_170 = arith.constant 0 : i32
          %dma_wait3A_171 = tpu.memref_slice %arg6[%run_scoped3A_137, %dma_wait3A_169, %dma_wait3A_170] : memref<4x2x128xi32, #tpu.memory_space<vmem>> -> memref<1x2x128xi32, #tpu.memory_space<vmem>>
          %dma_wait3A_172 = tpu.memref_squeeze %dma_wait3A_171 : memref<1x2x128xi32, #tpu.memory_space<vmem>> -> memref<2x128xi32, #tpu.memory_space<vmem>>
          %dma_wait3A_173 = arith.constant 0 : i32
          %dma_wait3A_174 = tpu.memref_slice %arg3[%dma_wait3A_173, %mul3A_136] : memref<2x320000xi32, #tpu.memory_space<hbm>> -> memref<2x128xi32, #tpu.memory_space<hbm>>
          tpu.wait_dma2 semaphore(%run_scoped3A_151 : memref<!tpu.dma_semaphore, #tpu.memory_space<semaphore_mem>>) src(%dma_wait3A_174 : memref<2x128xi32, #tpu.memory_space<hbm>>) dst(%dma_wait3A_172 : memref<2x128xi32, #tpu.memory_space<vmem>>)
          tpu.yield
        }) : () -> ()
        %dma_start3A_138 = arith.constant 0 : i32
        %dma_start3A_139 = arith.constant 0 : i32
        %dma_start3A_140 = arith.constant 0 : i32
        %dma_start3A_141 = arith.constant 0 : i32
        %dma_start3A_142 = arith.constant 0 : i32
        %dma_start3A_143 = tpu.memref_slice %arg7[%dma_start3A_140, %dma_start3A_141, %dma_start3A_142] : memref<2x128x64xf32, #tpu.memory_space<vmem>> -> memref<1x128x64xf32, #tpu.memory_space<vmem>>
        %dma_start3A_144 = tpu.memref_squeeze %dma_start3A_143 : memref<1x128x64xf32, #tpu.memory_space<vmem>> -> memref<128x64xf32, #tpu.memory_space<vmem>>
        %dma_start3A_145 = arith.constant 0 : i32
        %dma_start3A_146 = tpu.memref_slice %arg6[%dma_start3A_138, %dma_start3A_139, %dma_start3A_145] : memref<4x2x128xi32, #tpu.memory_space<vmem>> -> memref<1x1x128xi32, #tpu.memory_space<vmem>>
        %dma_start3A_147 = tpu.memref_squeeze %dma_start3A_146 : memref<1x1x128xi32, #tpu.memory_space<vmem>> -> memref<128xi32, #tpu.memory_space<vmem>>
        %dma_start3A_148 = arith.constant 0 : i32
        %dma_start3A_149 = arith.constant 0 : i32
        %dma_start3A_150 = tpu.memref_slice %arg2[%dma_start3A_148, %dma_start3A_149] : memref<10000x64xf32, #tpu.memory_space<hbm>> -> memref<10000x64xf32, #tpu.memory_space<hbm>>
        tpu.enqueue_indirect_dma source(%dma_start3A_150 : memref<10000x64xf32, #tpu.memory_space<hbm>>) target(%dma_start3A_144 : memref<128x64xf32, #tpu.memory_space<vmem>>) offsets(%dma_start3A_147 : memref<128xi32, #tpu.memory_space<vmem>>) semaphore(%arg9 : memref<!tpu.dma_semaphore, #tpu.memory_space<semaphore_mem>>)
      } else {
      }
      %mul3A_127 = arith.constant 32 : i32
      %mul3A_128 = arith.muli %add3A_111, %mul3A_127 : i32
      %add3A_129 = arith.addi %add3A, %mul3A_128 : i32
      %lt3A_130 = arith.constant 2500 : i32
      %lt3A_131 = arith.cmpi slt, %add3A_129, %lt3A_130 : i32
      %convert_element_type3A_132 = arith.extui %lt3A_131 : i1 to i32
      %cond3A_133 = arith.constant 0 : i32
      %cond3A_134 = arith.cmpi ne, %convert_element_type3A_132, %cond3A_133 : i32
      scf.if %cond3A_134 {
        %dma_wait3A = arith.constant 1 : i32
        %dma_wait3A_135 = arith.constant 0 : i32
        %dma_wait3A_136 = arith.constant 0 : i32
        %dma_wait3A_137 = tpu.memref_slice %arg7[%dma_wait3A, %dma_wait3A_135, %dma_wait3A_136] : memref<2x128x64xf32, #tpu.memory_space<vmem>> -> memref<1x128x64xf32, #tpu.memory_space<vmem>>
        %dma_wait3A_138 = tpu.memref_squeeze %dma_wait3A_137 : memref<1x128x64xf32, #tpu.memory_space<vmem>> -> memref<128x64xf32, #tpu.memory_space<vmem>>
        %dma_wait3A_139 = arith.constant 0 : i32
        %dma_wait3A_140 = arith.constant 0 : i32
        %dma_wait3A_141 = tpu.memref_slice %arg2[%dma_wait3A_139, %dma_wait3A_140] : memref<10000x64xf32, #tpu.memory_space<hbm>> -> memref<128x64xf32, #tpu.memory_space<hbm>>
        %dma_wait3A_142 = arith.constant 0 : i32
        %dma_wait3A_143 = arith.constant 0 : i32
        %dma_wait3A_144 = tpu.memref_slice %arg7[%dma_wait3A, %dma_wait3A_142, %dma_wait3A_143] : memref<2x128x64xf32, #tpu.memory_space<vmem>> -> memref<1x128x64xf32, #tpu.memory_space<vmem>>
        %dma_wait3A_145 = tpu.memref_squeeze %dma_wait3A_144 : memref<1x128x64xf32, #tpu.memory_space<vmem>> -> memref<128x64xf32, #tpu.memory_space<vmem>>
        %dma_wait3A_146 = arith.constant 0 : i32
        %dma_wait3A_147 = arith.constant 0 : i32
        %dma_wait3A_148 = tpu.memref_slice %arg2[%dma_wait3A_146, %dma_wait3A_147] : memref<10000x64xf32, #tpu.memory_space<hbm>> -> memref<128x64xf32, #tpu.memory_space<hbm>>
        tpu.wait_dma2 semaphore(%arg10 : memref<!tpu.dma_semaphore, #tpu.memory_space<semaphore_mem>>) src(%dma_wait3A_148 : memref<128x64xf32, #tpu.memory_space<hbm>>) dst(%dma_wait3A_145 : memref<128x64xf32, #tpu.memory_space<vmem>>)
        %run_scoped3A_149 = arith.constant 1 : i32
        %run_scoped3A_150 = arith.constant 3 : i32
        %run_scoped3A_151 = arith.constant 1 : i32
        "tpu.region"() ({
          %run_scoped3A_152 = tpu.sem_alloc : memref<!tpu.dma_semaphore, #tpu.memory_space<semaphore_mem>>
          %dma_start3A_153 = arith.constant 0 : i32
          %dma_start3A_154 = arith.constant 0 : i32
          %dma_start3A_155 = tpu.memref_slice %arg7[%run_scoped3A_149, %dma_start3A_153, %dma_start3A_154] : memref<2x128x64xf32, #tpu.memory_space<vmem>> -> memref<1x128x64xf32, #tpu.memory_space<vmem>>
          %dma_start3A_156 = tpu.memref_squeeze %dma_start3A_155 : memref<1x128x64xf32, #tpu.memory_space<vmem>> -> memref<128x64xf32, #tpu.memory_space<vmem>>
          %dma_start3A_157 = arith.constant 0 : i32
          %dma_start3A_158 = tpu.memref_slice %arg6[%run_scoped3A_150, %run_scoped3A_151, %dma_start3A_157] : memref<4x2x128xi32, #tpu.memory_space<vmem>> -> memref<1x1x128xi32, #tpu.memory_space<vmem>>
          %dma_start3A_159 = tpu.memref_squeeze %dma_start3A_158 : memref<1x1x128xi32, #tpu.memory_space<vmem>> -> memref<128xi32, #tpu.memory_space<vmem>>
          %dma_start3A_160 = arith.constant 0 : i32
          %dma_start3A_161 = arith.constant 0 : i32
          %dma_start3A_162 = tpu.memref_slice %arg8[%dma_start3A_160, %dma_start3A_161] : memref<10016x64xf32, #tpu.memory_space<vmem_shared>> -> memref<10016x64xf32, #tpu.memory_space<vmem_shared>>
          tpu.enqueue_indirect_dma source(%dma_start3A_156 : memref<128x64xf32, #tpu.memory_space<vmem>>) target(%dma_start3A_162 : memref<10016x64xf32, #tpu.memory_space<vmem_shared>>) offsets(%dma_start3A_159 : memref<128xi32, #tpu.memory_space<vmem>>) semaphore(%run_scoped3A_152 : memref<!tpu.dma_semaphore, #tpu.memory_space<semaphore_mem>>) {add = true}
          %dma_wait3A_163 = arith.constant 0 : i32
          %dma_wait3A_164 = arith.constant 0 : i32
          %dma_wait3A_165 = tpu.memref_slice %arg7[%run_scoped3A_149, %dma_wait3A_163, %dma_wait3A_164] : memref<2x128x64xf32, #tpu.memory_space<vmem>> -> memref<1x128x64xf32, #tpu.memory_space<vmem>>
          %dma_wait3A_166 = tpu.memref_squeeze %dma_wait3A_165 : memref<1x128x64xf32, #tpu.memory_space<vmem>> -> memref<128x64xf32, #tpu.memory_space<vmem>>
          %dma_wait3A_167 = arith.constant 0 : i32
          %dma_wait3A_168 = tpu.memref_slice %arg6[%run_scoped3A_150, %run_scoped3A_151, %dma_wait3A_167] : memref<4x2x128xi32, #tpu.memory_space<vmem>> -> memref<1x1x128xi32, #tpu.memory_space<vmem>>
          %dma_wait3A_169 = tpu.memref_squeeze %dma_wait3A_168 : memref<1x1x128xi32, #tpu.memory_space<vmem>> -> memref<128xi32, #tpu.memory_space<vmem>>
          %dma_wait3A_170 = arith.constant 0 : i32
          %dma_wait3A_171 = arith.constant 0 : i32
          %dma_wait3A_172 = tpu.memref_slice %arg8[%dma_wait3A_170, %dma_wait3A_171] : memref<10016x64xf32, #tpu.memory_space<vmem_shared>> -> memref<10016x64xf32, #tpu.memory_space<vmem_shared>>
          tpu.wait_indirect_dma semaphore(%run_scoped3A_152 : memref<!tpu.dma_semaphore, #tpu.memory_space<semaphore_mem>>) src(%dma_wait3A_166 : memref<128x64xf32, #tpu.memory_space<vmem>>) dst(%dma_wait3A_172 : memref<10016x64xf32, #tpu.memory_space<vmem_shared>>)
          tpu.yield
        }) : () -> ()
      } else {
      }
    }
    %scan3A_22 = arith.constant 20 : i32
    %barrier3A_23 = arith.constant 0 : index
    tpu.barrier barrier_id(%barrier3A_23)
    %mul3A_24 = arith.constant 10000 : i32
    %mul3A_25 = arith.muli %arg0, %mul3A_24 : i32
    %add3A_26 = arith.addi %mul3A_25, %mul3A_2 : i32
    "tpu.region"() ({
      %run_scoped3A_32 = tpu.sem_alloc : memref<!tpu.dma_semaphore, #tpu.memory_space<semaphore_mem>>
      %dma_start3A_33 = arith.constant 0 : i32
      %dma_start3A_34 = tpu.memref_slice %arg5[%add3A_26, %dma_start3A_33] : memref<20000x64xf32, #tpu.memory_space<hbm>> -> memref<624x64xf32, #tpu.memory_space<hbm>>
      %dma_start3A_35 = arith.constant 0 : i32
      %dma_start3A_36 = tpu.memref_slice %arg8[%mul3A_2, %dma_start3A_35] : memref<10016x64xf32, #tpu.memory_space<vmem_shared>> -> memref<624x64xf32, #tpu.memory_space<vmem_shared>>
      tpu.enqueue_dma source(%dma_start3A_36 : memref<624x64xf32, #tpu.memory_space<vmem_shared>>) target(%dma_start3A_34 : memref<624x64xf32, #tpu.memory_space<hbm>>) target_semaphore(%run_scoped3A_32 : memref<!tpu.dma_semaphore, #tpu.memory_space<semaphore_mem>>)
      %dma_wait3A = arith.constant 0 : i32
      %dma_wait3A_37 = tpu.memref_slice %arg5[%add3A_26, %dma_wait3A] : memref<20000x64xf32, #tpu.memory_space<hbm>> -> memref<624x64xf32, #tpu.memory_space<hbm>>
      %dma_wait3A_38 = arith.constant 0 : i32
      %dma_wait3A_39 = tpu.memref_slice %arg8[%mul3A_2, %dma_wait3A_38] : memref<10016x64xf32, #tpu.memory_space<vmem_shared>> -> memref<624x64xf32, #tpu.memory_space<vmem_shared>>
      tpu.wait_dma2 semaphore(%run_scoped3A_32 : memref<!tpu.dma_semaphore, #tpu.memory_space<semaphore_mem>>) src(%dma_wait3A_39 : memref<624x64xf32, #tpu.memory_space<vmem_shared>>) dst(%dma_wait3A_37 : memref<624x64xf32, #tpu.memory_space<hbm>>)
      tpu.yield
    }) : () -> ()
    %eq3A_27 = arith.constant 0 : i32
    %eq3A_28 = arith.cmpi eq, %arg1, %eq3A_27 : i32
    %convert_element_type3A_29 = arith.extui %eq3A_28 : i1 to i32
    %cond3A_30 = arith.constant 0 : i32
    %cond3A_31 = arith.cmpi ne, %convert_element_type3A_29, %cond3A_30 : i32
    scf.if %cond3A_31 {
      %mul3A_32 = arith.constant 10000 : i32
      %mul3A_33 = arith.muli %arg0, %mul3A_32 : i32
      %add3A_34 = arith.constant 9984 : i32
      %add3A_35 = arith.addi %mul3A_33, %add3A_34 : i32
      "tpu.region"() ({
        %run_scoped3A_36 = tpu.sem_alloc : memref<!tpu.dma_semaphore, #tpu.memory_space<semaphore_mem>>
        %dma_start3A_37 = arith.constant 0 : i32
        %dma_start3A_38 = tpu.memref_slice %arg5[%add3A_35, %dma_start3A_37] : memref<20000x64xf32, #tpu.memory_space<hbm>> -> memref<16x64xf32, #tpu.memory_space<hbm>>
        %dma_start3A_39 = arith.constant 9984 : i32
        %dma_start3A_40 = arith.constant 0 : i32
        %dma_start3A_41 = tpu.memref_slice %arg8[%dma_start3A_39, %dma_start3A_40] : memref<10016x64xf32, #tpu.memory_space<vmem_shared>> -> memref<16x64xf32, #tpu.memory_space<vmem_shared>>
        tpu.enqueue_dma source(%dma_start3A_41 : memref<16x64xf32, #tpu.memory_space<vmem_shared>>) target(%dma_start3A_38 : memref<16x64xf32, #tpu.memory_space<hbm>>) target_semaphore(%run_scoped3A_36 : memref<!tpu.dma_semaphore, #tpu.memory_space<semaphore_mem>>)
        %dma_wait3A = arith.constant 0 : i32
        %dma_wait3A_42 = tpu.memref_slice %arg5[%add3A_35, %dma_wait3A] : memref<20000x64xf32, #tpu.memory_space<hbm>> -> memref<16x64xf32, #tpu.memory_space<hbm>>
        %dma_wait3A_43 = arith.constant 9984 : i32
        %dma_wait3A_44 = arith.constant 0 : i32
        %dma_wait3A_45 = tpu.memref_slice %arg8[%dma_wait3A_43, %dma_wait3A_44] : memref<10016x64xf32, #tpu.memory_space<vmem_shared>> -> memref<16x64xf32, #tpu.memory_space<vmem_shared>>
        tpu.wait_dma2 semaphore(%run_scoped3A_36 : memref<!tpu.dma_semaphore, #tpu.memory_space<semaphore_mem>>) src(%dma_wait3A_45 : memref<16x64xf32, #tpu.memory_space<vmem_shared>>) dst(%dma_wait3A_42 : memref<16x64xf32, #tpu.memory_space<hbm>>)
        tpu.yield
      }) : () -> ()
    } else {
    }
    return
  }
}

#map = affine_map<(d0, d1) -> (0, 0)>
module attributes {stable_mosaic.version = 14 : i64} {
  func.func @seg(%arg0: i32, %arg1: i32, %arg2: memref<10000x64xf32, #tpu.memory_space<hbm>>, %arg3: memref<2x320000xi32, #tpu.memory_space<hbm>>, %arg4: memref<624x64xf32, #tpu.memory_space<hbm>>, %arg5: memref<624x16xf32, #tpu.memory_space<hbm>>, %arg6: memref<128x16xf32, #tpu.memory_space<hbm>>, %arg7: memref<20000x64xf32, #tpu.memory_space<hbm>>, %arg8: memref<20000x16xf32, #tpu.memory_space<hbm>>, %arg9: memref<4x2x128xi32, #tpu.memory_space<vmem>>, %arg10: memref<2x128x64xf32, #tpu.memory_space<vmem>>, %arg11: memref<128x16xf32, #tpu.memory_space<vmem>>, %arg12: memref<10016x64xf32, #tpu.memory_space<vmem_shared>>, %arg13: memref<10016x16xf32, #tpu.memory_space<vmem_shared>>, %arg14: memref<!tpu.dma_semaphore, #tpu.memory_space<semaphore_mem>>, %arg15: memref<!tpu.dma_semaphore, #tpu.memory_space<semaphore_mem>>, %arg16: memref<!tpu.dma_semaphore, #tpu.memory_space<semaphore_mem>>) attributes {dimension_semantics = [#tpu.dimension_semantics<core_parallel>, #tpu.dimension_semantics<subcore_parallel>], iteration_bounds = array<i64: 2, 16>, scalar_prefetch = 0 : i64, scratch_operands = 8 : i64, tpu.core_type = #tpu.core_type<sc_vector_subcore>, window_params = [{transform_indices = #map}, {transform_indices = #map}, {transform_indices = #map}, {transform_indices = #map}, {transform_indices = #map}, {transform_indices = #map}, {transform_indices = #map}]} {
    %mul3A = arith.constant 2 : i32
    %mul3A_0 = arith.muli %arg1, %mul3A : i32
    %add3A = arith.addi %mul3A_0, %arg0 : i32
    %mul3A_1 = arith.constant 624 : i32
    %mul3A_2 = arith.muli %arg1, %mul3A_1 : i32
    "tpu.region"() ({
      %run_scoped3A_75 = tpu.sem_alloc : memref<!tpu.dma_semaphore, #tpu.memory_space<semaphore_mem>>
      %dma_start3A_76 = arith.constant 0 : i32
      %dma_start3A_77 = tpu.memref_slice %arg12[%mul3A_2, %dma_start3A_76] : memref<10016x64xf32, #tpu.memory_space<vmem_shared>> -> memref<624x64xf32, #tpu.memory_space<vmem_shared>>
      tpu.enqueue_dma source(%arg4 : memref<624x64xf32, #tpu.memory_space<hbm>>) target(%dma_start3A_77 : memref<624x64xf32, #tpu.memory_space<vmem_shared>>) target_semaphore(%run_scoped3A_75 : memref<!tpu.dma_semaphore, #tpu.memory_space<semaphore_mem>>)
      %dma_wait3A = arith.constant 0 : i32
      %dma_wait3A_78 = tpu.memref_slice %arg12[%mul3A_2, %dma_wait3A] : memref<10016x64xf32, #tpu.memory_space<vmem_shared>> -> memref<624x64xf32, #tpu.memory_space<vmem_shared>>
      tpu.wait_dma2 semaphore(%run_scoped3A_75 : memref<!tpu.dma_semaphore, #tpu.memory_space<semaphore_mem>>) src(%arg4 : memref<624x64xf32, #tpu.memory_space<hbm>>) dst(%dma_wait3A_78 : memref<624x64xf32, #tpu.memory_space<vmem_shared>>)
      tpu.yield
    }) : () -> ()
    "tpu.region"() ({
      %run_scoped3A_75 = tpu.sem_alloc : memref<!tpu.dma_semaphore, #tpu.memory_space<semaphore_mem>>
      %dma_start3A_76 = arith.constant 0 : i32
      %dma_start3A_77 = tpu.memref_slice %arg13[%mul3A_2, %dma_start3A_76] : memref<10016x16xf32, #tpu.memory_space<vmem_shared>> -> memref<624x16xf32, #tpu.memory_space<vmem_shared>>
      tpu.enqueue_dma source(%arg5 : memref<624x16xf32, #tpu.memory_space<hbm>>) target(%dma_start3A_77 : memref<624x16xf32, #tpu.memory_space<vmem_shared>>) target_semaphore(%run_scoped3A_75 : memref<!tpu.dma_semaphore, #tpu.memory_space<semaphore_mem>>)
      %dma_wait3A = arith.constant 0 : i32
      %dma_wait3A_78 = tpu.memref_slice %arg13[%mul3A_2, %dma_wait3A] : memref<10016x16xf32, #tpu.memory_space<vmem_shared>> -> memref<624x16xf32, #tpu.memory_space<vmem_shared>>
      tpu.wait_dma2 semaphore(%run_scoped3A_75 : memref<!tpu.dma_semaphore, #tpu.memory_space<semaphore_mem>>) src(%arg5 : memref<624x16xf32, #tpu.memory_space<hbm>>) dst(%dma_wait3A_78 : memref<624x16xf32, #tpu.memory_space<vmem_shared>>)
      tpu.yield
    }) : () -> ()
    "tpu.region"() ({
      %run_scoped3A_75 = tpu.sem_alloc : memref<!tpu.dma_semaphore, #tpu.memory_space<semaphore_mem>>
      tpu.enqueue_dma source(%arg6 : memref<128x16xf32, #tpu.memory_space<hbm>>) target(%arg11 : memref<128x16xf32, #tpu.memory_space<vmem>>) target_semaphore(%run_scoped3A_75 : memref<!tpu.dma_semaphore, #tpu.memory_space<semaphore_mem>>)
      tpu.wait_dma2 semaphore(%run_scoped3A_75 : memref<!tpu.dma_semaphore, #tpu.memory_space<semaphore_mem>>) src(%arg6 : memref<128x16xf32, #tpu.memory_space<hbm>>) dst(%arg11 : memref<128x16xf32, #tpu.memory_space<vmem>>)
      tpu.yield
    }) : () -> ()
    %eq3A = arith.constant 0 : i32
    %eq3A_3 = arith.cmpi eq, %arg1, %eq3A : i32
    %convert_element_type3A = arith.extui %eq3A_3 : i1 to i32
    %cond3A = arith.constant 0 : i32
    %cond3A_4 = arith.cmpi ne, %convert_element_type3A, %cond3A : i32
    scf.if %cond3A_4 {
      "tpu.region"() ({
        %run_scoped3A_75 = tpu.sem_alloc : memref<!tpu.dma_semaphore, #tpu.memory_space<semaphore_mem>>
        %dma_start3A_76 = arith.constant 9984 : i32
        %dma_start3A_77 = arith.constant 0 : i32
        %dma_start3A_78 = tpu.memref_slice %arg12[%dma_start3A_76, %dma_start3A_77] : memref<10016x64xf32, #tpu.memory_space<vmem_shared>> -> memref<32x64xf32, #tpu.memory_space<vmem_shared>>
        %dma_start3A_79 = arith.constant 0 : i32
        %dma_start3A_80 = arith.constant 0 : i32
        %dma_start3A_81 = tpu.memref_slice %arg4[%dma_start3A_79, %dma_start3A_80] : memref<624x64xf32, #tpu.memory_space<hbm>> -> memref<32x64xf32, #tpu.memory_space<hbm>>
        tpu.enqueue_dma source(%dma_start3A_81 : memref<32x64xf32, #tpu.memory_space<hbm>>) target(%dma_start3A_78 : memref<32x64xf32, #tpu.memory_space<vmem_shared>>) target_semaphore(%run_scoped3A_75 : memref<!tpu.dma_semaphore, #tpu.memory_space<semaphore_mem>>)
        %dma_wait3A = arith.constant 9984 : i32
        %dma_wait3A_82 = arith.constant 0 : i32
        %dma_wait3A_83 = tpu.memref_slice %arg12[%dma_wait3A, %dma_wait3A_82] : memref<10016x64xf32, #tpu.memory_space<vmem_shared>> -> memref<32x64xf32, #tpu.memory_space<vmem_shared>>
        %dma_wait3A_84 = arith.constant 0 : i32
        %dma_wait3A_85 = arith.constant 0 : i32
        %dma_wait3A_86 = tpu.memref_slice %arg4[%dma_wait3A_84, %dma_wait3A_85] : memref<624x64xf32, #tpu.memory_space<hbm>> -> memref<32x64xf32, #tpu.memory_space<hbm>>
        tpu.wait_dma2 semaphore(%run_scoped3A_75 : memref<!tpu.dma_semaphore, #tpu.memory_space<semaphore_mem>>) src(%dma_wait3A_86 : memref<32x64xf32, #tpu.memory_space<hbm>>) dst(%dma_wait3A_83 : memref<32x64xf32, #tpu.memory_space<vmem_shared>>)
        tpu.yield
      }) : () -> ()
      "tpu.region"() ({
        %run_scoped3A_75 = tpu.sem_alloc : memref<!tpu.dma_semaphore, #tpu.memory_space<semaphore_mem>>
        %dma_start3A_76 = arith.constant 9984 : i32
        %dma_start3A_77 = arith.constant 0 : i32
        %dma_start3A_78 = tpu.memref_slice %arg13[%dma_start3A_76, %dma_start3A_77] : memref<10016x16xf32, #tpu.memory_space<vmem_shared>> -> memref<32x16xf32, #tpu.memory_space<vmem_shared>>
        %dma_start3A_79 = arith.constant 0 : i32
        %dma_start3A_80 = arith.constant 0 : i32
        %dma_start3A_81 = tpu.memref_slice %arg5[%dma_start3A_79, %dma_start3A_80] : memref<624x16xf32, #tpu.memory_space<hbm>> -> memref<32x16xf32, #tpu.memory_space<hbm>>
        tpu.enqueue_dma source(%dma_start3A_81 : memref<32x16xf32, #tpu.memory_space<hbm>>) target(%dma_start3A_78 : memref<32x16xf32, #tpu.memory_space<vmem_shared>>) target_semaphore(%run_scoped3A_75 : memref<!tpu.dma_semaphore, #tpu.memory_space<semaphore_mem>>)
        %dma_wait3A = arith.constant 9984 : i32
        %dma_wait3A_82 = arith.constant 0 : i32
        %dma_wait3A_83 = tpu.memref_slice %arg13[%dma_wait3A, %dma_wait3A_82] : memref<10016x16xf32, #tpu.memory_space<vmem_shared>> -> memref<32x16xf32, #tpu.memory_space<vmem_shared>>
        %dma_wait3A_84 = arith.constant 0 : i32
        %dma_wait3A_85 = arith.constant 0 : i32
        %dma_wait3A_86 = tpu.memref_slice %arg5[%dma_wait3A_84, %dma_wait3A_85] : memref<624x16xf32, #tpu.memory_space<hbm>> -> memref<32x16xf32, #tpu.memory_space<hbm>>
        tpu.wait_dma2 semaphore(%run_scoped3A_75 : memref<!tpu.dma_semaphore, #tpu.memory_space<semaphore_mem>>) src(%dma_wait3A_86 : memref<32x16xf32, #tpu.memory_space<hbm>>) dst(%dma_wait3A_83 : memref<32x16xf32, #tpu.memory_space<vmem_shared>>)
        tpu.yield
      }) : () -> ()
    } else {
    }
    %barrier3A = arith.constant 0 : index
    tpu.barrier barrier_id(%barrier3A)
    %mul3A_5 = arith.constant 128 : i32
    %mul3A_6 = arith.muli %add3A, %mul3A_5 : i32
    %run_scoped3A = arith.constant 0 : i32
    "tpu.region"() ({
      %run_scoped3A_75 = tpu.sem_alloc : memref<!tpu.dma_semaphore, #tpu.memory_space<semaphore_mem>>
      %dma_start3A_76 = arith.constant 0 : i32
      %dma_start3A_77 = arith.constant 0 : i32
      %dma_start3A_78 = tpu.memref_slice %arg9[%run_scoped3A, %dma_start3A_76, %dma_start3A_77] : memref<4x2x128xi32, #tpu.memory_space<vmem>> -> memref<1x2x128xi32, #tpu.memory_space<vmem>>
      %dma_start3A_79 = tpu.memref_squeeze %dma_start3A_78 : memref<1x2x128xi32, #tpu.memory_space<vmem>> -> memref<2x128xi32, #tpu.memory_space<vmem>>
      %dma_start3A_80 = arith.constant 0 : i32
      %dma_start3A_81 = tpu.memref_slice %arg3[%dma_start3A_80, %mul3A_6] : memref<2x320000xi32, #tpu.memory_space<hbm>> -> memref<2x128xi32, #tpu.memory_space<hbm>>
      %dma_start3A_82 = arith.constant 0 : i32
      %dma_start3A_83 = arith.constant 0 : i32
      %dma_start3A_84 = tpu.memref_slice %arg9[%run_scoped3A, %dma_start3A_82, %dma_start3A_83] : memref<4x2x128xi32, #tpu.memory_space<vmem>> -> memref<1x2x128xi32, #tpu.memory_space<vmem>>
      %dma_start3A_85 = tpu.memref_squeeze %dma_start3A_84 : memref<1x2x128xi32, #tpu.memory_space<vmem>> -> memref<2x128xi32, #tpu.memory_space<vmem>>
      %dma_start3A_86 = arith.constant 0 : i32
      %dma_start3A_87 = tpu.memref_slice %arg3[%dma_start3A_86, %mul3A_6] : memref<2x320000xi32, #tpu.memory_space<hbm>> -> memref<2x128xi32, #tpu.memory_space<hbm>>
      tpu.enqueue_dma source(%dma_start3A_87 : memref<2x128xi32, #tpu.memory_space<hbm>>) target(%dma_start3A_85 : memref<2x128xi32, #tpu.memory_space<vmem>>) target_semaphore(%run_scoped3A_75 : memref<!tpu.dma_semaphore, #tpu.memory_space<semaphore_mem>>)
      %dma_wait3A = arith.constant 0 : i32
      %dma_wait3A_88 = arith.constant 0 : i32
      %dma_wait3A_89 = tpu.memref_slice %arg9[%run_scoped3A, %dma_wait3A, %dma_wait3A_88] : memref<4x2x128xi32, #tpu.memory_space<vmem>> -> memref<1x2x128xi32, #tpu.memory_space<vmem>>
      %dma_wait3A_90 = tpu.memref_squeeze %dma_wait3A_89 : memref<1x2x128xi32, #tpu.memory_space<vmem>> -> memref<2x128xi32, #tpu.memory_space<vmem>>
      %dma_wait3A_91 = arith.constant 0 : i32
      %dma_wait3A_92 = tpu.memref_slice %arg3[%dma_wait3A_91, %mul3A_6] : memref<2x320000xi32, #tpu.memory_space<hbm>> -> memref<2x128xi32, #tpu.memory_space<hbm>>
      %dma_wait3A_93 = arith.constant 0 : i32
      %dma_wait3A_94 = arith.constant 0 : i32
      %dma_wait3A_95 = tpu.memref_slice %arg9[%run_scoped3A, %dma_wait3A_93, %dma_wait3A_94] : memref<4x2x128xi32, #tpu.memory_space<vmem>> -> memref<1x2x128xi32, #tpu.memory_space<vmem>>
      %dma_wait3A_96 = tpu.memref_squeeze %dma_wait3A_95 : memref<1x2x128xi32, #tpu.memory_space<vmem>> -> memref<2x128xi32, #tpu.memory_space<vmem>>
      %dma_wait3A_97 = arith.constant 0 : i32
      %dma_wait3A_98 = tpu.memref_slice %arg3[%dma_wait3A_97, %mul3A_6] : memref<2x320000xi32, #tpu.memory_space<hbm>> -> memref<2x128xi32, #tpu.memory_space<hbm>>
      tpu.wait_dma2 semaphore(%run_scoped3A_75 : memref<!tpu.dma_semaphore, #tpu.memory_space<semaphore_mem>>) src(%dma_wait3A_98 : memref<2x128xi32, #tpu.memory_space<hbm>>) dst(%dma_wait3A_96 : memref<2x128xi32, #tpu.memory_space<vmem>>)
      tpu.yield
    }) : () -> ()
    %dma_start3A = arith.constant 0 : i32
    %dma_start3A_7 = arith.constant 0 : i32
    %dma_start3A_8 = arith.constant 0 : i32
    %dma_start3A_9 = arith.constant 0 : i32
    %dma_start3A_10 = arith.constant 0 : i32
    %dma_start3A_11 = tpu.memref_slice %arg10[%dma_start3A_8, %dma_start3A_9, %dma_start3A_10] : memref<2x128x64xf32, #tpu.memory_space<vmem>> -> memref<1x128x64xf32, #tpu.memory_space<vmem>>
    %dma_start3A_12 = tpu.memref_squeeze %dma_start3A_11 : memref<1x128x64xf32, #tpu.memory_space<vmem>> -> memref<128x64xf32, #tpu.memory_space<vmem>>
    %dma_start3A_13 = arith.constant 0 : i32
    %dma_start3A_14 = tpu.memref_slice %arg9[%dma_start3A, %dma_start3A_7, %dma_start3A_13] : memref<4x2x128xi32, #tpu.memory_space<vmem>> -> memref<1x1x128xi32, #tpu.memory_space<vmem>>
    %dma_start3A_15 = tpu.memref_squeeze %dma_start3A_14 : memref<1x1x128xi32, #tpu.memory_space<vmem>> -> memref<128xi32, #tpu.memory_space<vmem>>
    %dma_start3A_16 = arith.constant 0 : i32
    %dma_start3A_17 = arith.constant 0 : i32
    %dma_start3A_18 = tpu.memref_slice %arg2[%dma_start3A_16, %dma_start3A_17] : memref<10000x64xf32, #tpu.memory_space<hbm>> -> memref<10000x64xf32, #tpu.memory_space<hbm>>
    tpu.enqueue_indirect_dma source(%dma_start3A_18 : memref<10000x64xf32, #tpu.memory_space<hbm>>) target(%dma_start3A_12 : memref<128x64xf32, #tpu.memory_space<vmem>>) offsets(%dma_start3A_15 : memref<128xi32, #tpu.memory_space<vmem>>) semaphore(%arg14 : memref<!tpu.dma_semaphore, #tpu.memory_space<semaphore_mem>>)
    %scan3A = arith.constant 0 : i32
    %scan3A_19 = arith.constant 20 : i32
    %scan3A_20 = arith.addi %scan3A, %scan3A_19 : i32
    %scan3A_21 = arith.constant 1 : i32
    scf.for %scan3A_75 = %scan3A to %scan3A_20 step %scan3A_21  : i32 {
      %mul3A_76 = arith.constant 4 : i32
      %mul3A_77 = arith.muli %scan3A_75, %mul3A_76 : i32
      %add3A_78 = arith.constant 0 : i32
      %add3A_79 = arith.addi %add3A_78, %mul3A_77 : i32
      %add3A_80 = arith.constant 0 : i32
      %add3A_81 = arith.addi %add3A_79, %add3A_80 : i32
      %add3A_82 = arith.constant 1 : i32
      %add3A_83 = arith.addi %add3A_81, %add3A_82 : i32
      %mul3A_84 = arith.constant 32 : i32
      %mul3A_85 = arith.muli %add3A_83, %mul3A_84 : i32
      %add3A_86 = arith.addi %add3A, %mul3A_85 : i32
      %add3A_87 = arith.constant 1 : i32
      %add3A_88 = arith.addi %add3A_81, %add3A_87 : i32
      %lt3A = arith.constant 80 : i32
      %lt3A_89 = arith.cmpi slt, %add3A_88, %lt3A : i32
      %lt3A_90 = arith.constant 2500 : i32
      %lt3A_91 = arith.cmpi slt, %add3A_86, %lt3A_90 : i32
      %and3A_92 = arith.andi %lt3A_89, %lt3A_91 : i1
      %convert_element_type3A_93 = arith.extui %and3A_92 : i1 to i32
      %cond3A_94 = arith.constant 0 : i32
      %cond3A_95 = arith.cmpi ne, %convert_element_type3A_93, %cond3A_94 : i32
      scf.if %cond3A_95 {
        %mul3A_179 = arith.constant 128 : i32
        %mul3A_180 = arith.muli %add3A_86, %mul3A_179 : i32
        %run_scoped3A_181 = arith.constant 1 : i32
        "tpu.region"() ({
          %run_scoped3A_195 = tpu.sem_alloc : memref<!tpu.dma_semaphore, #tpu.memory_space<semaphore_mem>>
          %dma_start3A_196 = arith.constant 0 : i32
          %dma_start3A_197 = arith.constant 0 : i32
          %dma_start3A_198 = tpu.memref_slice %arg9[%run_scoped3A_181, %dma_start3A_196, %dma_start3A_197] : memref<4x2x128xi32, #tpu.memory_space<vmem>> -> memref<1x2x128xi32, #tpu.memory_space<vmem>>
          %dma_start3A_199 = tpu.memref_squeeze %dma_start3A_198 : memref<1x2x128xi32, #tpu.memory_space<vmem>> -> memref<2x128xi32, #tpu.memory_space<vmem>>
          %dma_start3A_200 = arith.constant 0 : i32
          %dma_start3A_201 = tpu.memref_slice %arg3[%dma_start3A_200, %mul3A_180] : memref<2x320000xi32, #tpu.memory_space<hbm>> -> memref<2x128xi32, #tpu.memory_space<hbm>>
          %dma_start3A_202 = arith.constant 0 : i32
          %dma_start3A_203 = arith.constant 0 : i32
          %dma_start3A_204 = tpu.memref_slice %arg9[%run_scoped3A_181, %dma_start3A_202, %dma_start3A_203] : memref<4x2x128xi32, #tpu.memory_space<vmem>> -> memref<1x2x128xi32, #tpu.memory_space<vmem>>
          %dma_start3A_205 = tpu.memref_squeeze %dma_start3A_204 : memref<1x2x128xi32, #tpu.memory_space<vmem>> -> memref<2x128xi32, #tpu.memory_space<vmem>>
          %dma_start3A_206 = arith.constant 0 : i32
          %dma_start3A_207 = tpu.memref_slice %arg3[%dma_start3A_206, %mul3A_180] : memref<2x320000xi32, #tpu.memory_space<hbm>> -> memref<2x128xi32, #tpu.memory_space<hbm>>
          tpu.enqueue_dma source(%dma_start3A_207 : memref<2x128xi32, #tpu.memory_space<hbm>>) target(%dma_start3A_205 : memref<2x128xi32, #tpu.memory_space<vmem>>) target_semaphore(%run_scoped3A_195 : memref<!tpu.dma_semaphore, #tpu.memory_space<semaphore_mem>>)
          %dma_wait3A = arith.constant 0 : i32
          %dma_wait3A_208 = arith.constant 0 : i32
          %dma_wait3A_209 = tpu.memref_slice %arg9[%run_scoped3A_181, %dma_wait3A, %dma_wait3A_208] : memref<4x2x128xi32, #tpu.memory_space<vmem>> -> memref<1x2x128xi32, #tpu.memory_space<vmem>>
          %dma_wait3A_210 = tpu.memref_squeeze %dma_wait3A_209 : memref<1x2x128xi32, #tpu.memory_space<vmem>> -> memref<2x128xi32, #tpu.memory_space<vmem>>
          %dma_wait3A_211 = arith.constant 0 : i32
          %dma_wait3A_212 = tpu.memref_slice %arg3[%dma_wait3A_211, %mul3A_180] : memref<2x320000xi32, #tpu.memory_space<hbm>> -> memref<2x128xi32, #tpu.memory_space<hbm>>
          %dma_wait3A_213 = arith.constant 0 : i32
          %dma_wait3A_214 = arith.constant 0 : i32
          %dma_wait3A_215 = tpu.memref_slice %arg9[%run_scoped3A_181, %dma_wait3A_213, %dma_wait3A_214] : memref<4x2x128xi32, #tpu.memory_space<vmem>> -> memref<1x2x128xi32, #tpu.memory_space<vmem>>
          %dma_wait3A_216 = tpu.memref_squeeze %dma_wait3A_215 : memref<1x2x128xi32, #tpu.memory_space<vmem>> -> memref<2x128xi32, #tpu.memory_space<vmem>>
          %dma_wait3A_217 = arith.constant 0 : i32
          %dma_wait3A_218 = tpu.memref_slice %arg3[%dma_wait3A_217, %mul3A_180] : memref<2x320000xi32, #tpu.memory_space<hbm>> -> memref<2x128xi32, #tpu.memory_space<hbm>>
          tpu.wait_dma2 semaphore(%run_scoped3A_195 : memref<!tpu.dma_semaphore, #tpu.memory_space<semaphore_mem>>) src(%dma_wait3A_218 : memref<2x128xi32, #tpu.memory_space<hbm>>) dst(%dma_wait3A_216 : memref<2x128xi32, #tpu.memory_space<vmem>>)
          tpu.yield
        }) : () -> ()
        %dma_start3A_182 = arith.constant 1 : i32
        %dma_start3A_183 = arith.constant 0 : i32
        %dma_start3A_184 = arith.constant 1 : i32
        %dma_start3A_185 = arith.constant 0 : i32
        %dma_start3A_186 = arith.constant 0 : i32
        %dma_start3A_187 = tpu.memref_slice %arg10[%dma_start3A_184, %dma_start3A_185, %dma_start3A_186] : memref<2x128x64xf32, #tpu.memory_space<vmem>> -> memref<1x128x64xf32, #tpu.memory_space<vmem>>
        %dma_start3A_188 = tpu.memref_squeeze %dma_start3A_187 : memref<1x128x64xf32, #tpu.memory_space<vmem>> -> memref<128x64xf32, #tpu.memory_space<vmem>>
        %dma_start3A_189 = arith.constant 0 : i32
        %dma_start3A_190 = tpu.memref_slice %arg9[%dma_start3A_182, %dma_start3A_183, %dma_start3A_189] : memref<4x2x128xi32, #tpu.memory_space<vmem>> -> memref<1x1x128xi32, #tpu.memory_space<vmem>>
        %dma_start3A_191 = tpu.memref_squeeze %dma_start3A_190 : memref<1x1x128xi32, #tpu.memory_space<vmem>> -> memref<128xi32, #tpu.memory_space<vmem>>
        %dma_start3A_192 = arith.constant 0 : i32
        %dma_start3A_193 = arith.constant 0 : i32
        %dma_start3A_194 = tpu.memref_slice %arg2[%dma_start3A_192, %dma_start3A_193] : memref<10000x64xf32, #tpu.memory_space<hbm>> -> memref<10000x64xf32, #tpu.memory_space<hbm>>
        tpu.enqueue_indirect_dma source(%dma_start3A_194 : memref<10000x64xf32, #tpu.memory_space<hbm>>) target(%dma_start3A_188 : memref<128x64xf32, #tpu.memory_space<vmem>>) offsets(%dma_start3A_191 : memref<128xi32, #tpu.memory_space<vmem>>) semaphore(%arg15 : memref<!tpu.dma_semaphore, #tpu.memory_space<semaphore_mem>>)
      } else {
      }
      %mul3A_96 = arith.constant 32 : i32
      %mul3A_97 = arith.muli %add3A_81, %mul3A_96 : i32
      %add3A_98 = arith.addi %add3A, %mul3A_97 : i32
      %lt3A_99 = arith.constant 2500 : i32
      %lt3A_100 = arith.cmpi slt, %add3A_98, %lt3A_99 : i32
      %convert_element_type3A_101 = arith.extui %lt3A_100 : i1 to i32
      %cond3A_102 = arith.constant 0 : i32
      %cond3A_103 = arith.cmpi ne, %convert_element_type3A_101, %cond3A_102 : i32
      scf.if %cond3A_103 {
        %dma_wait3A = arith.constant 0 : i32
        %dma_wait3A_179 = arith.constant 0 : i32
        %dma_wait3A_180 = arith.constant 0 : i32
        %dma_wait3A_181 = tpu.memref_slice %arg10[%dma_wait3A, %dma_wait3A_179, %dma_wait3A_180] : memref<2x128x64xf32, #tpu.memory_space<vmem>> -> memref<1x128x64xf32, #tpu.memory_space<vmem>>
        %dma_wait3A_182 = tpu.memref_squeeze %dma_wait3A_181 : memref<1x128x64xf32, #tpu.memory_space<vmem>> -> memref<128x64xf32, #tpu.memory_space<vmem>>
        %dma_wait3A_183 = arith.constant 0 : i32
        %dma_wait3A_184 = arith.constant 0 : i32
        %dma_wait3A_185 = tpu.memref_slice %arg2[%dma_wait3A_183, %dma_wait3A_184] : memref<10000x64xf32, #tpu.memory_space<hbm>> -> memref<128x64xf32, #tpu.memory_space<hbm>>
        %dma_wait3A_186 = arith.constant 0 : i32
        %dma_wait3A_187 = arith.constant 0 : i32
        %dma_wait3A_188 = tpu.memref_slice %arg10[%dma_wait3A, %dma_wait3A_186, %dma_wait3A_187] : memref<2x128x64xf32, #tpu.memory_space<vmem>> -> memref<1x128x64xf32, #tpu.memory_space<vmem>>
        %dma_wait3A_189 = tpu.memref_squeeze %dma_wait3A_188 : memref<1x128x64xf32, #tpu.memory_space<vmem>> -> memref<128x64xf32, #tpu.memory_space<vmem>>
        %dma_wait3A_190 = arith.constant 0 : i32
        %dma_wait3A_191 = arith.constant 0 : i32
        %dma_wait3A_192 = tpu.memref_slice %arg2[%dma_wait3A_190, %dma_wait3A_191] : memref<10000x64xf32, #tpu.memory_space<hbm>> -> memref<128x64xf32, #tpu.memory_space<hbm>>
        tpu.wait_dma2 semaphore(%arg14 : memref<!tpu.dma_semaphore, #tpu.memory_space<semaphore_mem>>) src(%dma_wait3A_192 : memref<128x64xf32, #tpu.memory_space<hbm>>) dst(%dma_wait3A_189 : memref<128x64xf32, #tpu.memory_space<vmem>>)
        %run_scoped3A_193 = arith.constant 0 : i32
        %run_scoped3A_194 = arith.constant 0 : i32
        %run_scoped3A_195 = arith.constant 1 : i32
        "tpu.region"() ({
          %run_scoped3A_204 = tpu.sem_alloc : memref<!tpu.dma_semaphore, #tpu.memory_space<semaphore_mem>>
          %dma_start3A_205 = arith.constant 0 : i32
          %dma_start3A_206 = arith.constant 0 : i32
          %dma_start3A_207 = tpu.memref_slice %arg10[%run_scoped3A_193, %dma_start3A_205, %dma_start3A_206] : memref<2x128x64xf32, #tpu.memory_space<vmem>> -> memref<1x128x64xf32, #tpu.memory_space<vmem>>
          %dma_start3A_208 = tpu.memref_squeeze %dma_start3A_207 : memref<1x128x64xf32, #tpu.memory_space<vmem>> -> memref<128x64xf32, #tpu.memory_space<vmem>>
          %dma_start3A_209 = arith.constant 0 : i32
          %dma_start3A_210 = tpu.memref_slice %arg9[%run_scoped3A_194, %run_scoped3A_195, %dma_start3A_209] : memref<4x2x128xi32, #tpu.memory_space<vmem>> -> memref<1x1x128xi32, #tpu.memory_space<vmem>>
          %dma_start3A_211 = tpu.memref_squeeze %dma_start3A_210 : memref<1x1x128xi32, #tpu.memory_space<vmem>> -> memref<128xi32, #tpu.memory_space<vmem>>
          %dma_start3A_212 = arith.constant 0 : i32
          %dma_start3A_213 = arith.constant 0 : i32
          %dma_start3A_214 = tpu.memref_slice %arg12[%dma_start3A_212, %dma_start3A_213] : memref<10016x64xf32, #tpu.memory_space<vmem_shared>> -> memref<10016x64xf32, #tpu.memory_space<vmem_shared>>
          tpu.enqueue_indirect_dma source(%dma_start3A_208 : memref<128x64xf32, #tpu.memory_space<vmem>>) target(%dma_start3A_214 : memref<10016x64xf32, #tpu.memory_space<vmem_shared>>) offsets(%dma_start3A_211 : memref<128xi32, #tpu.memory_space<vmem>>) semaphore(%run_scoped3A_204 : memref<!tpu.dma_semaphore, #tpu.memory_space<semaphore_mem>>) {add = true}
          %dma_wait3A_215 = arith.constant 0 : i32
          %dma_wait3A_216 = arith.constant 0 : i32
          %dma_wait3A_217 = tpu.memref_slice %arg10[%run_scoped3A_193, %dma_wait3A_215, %dma_wait3A_216] : memref<2x128x64xf32, #tpu.memory_space<vmem>> -> memref<1x128x64xf32, #tpu.memory_space<vmem>>
          %dma_wait3A_218 = tpu.memref_squeeze %dma_wait3A_217 : memref<1x128x64xf32, #tpu.memory_space<vmem>> -> memref<128x64xf32, #tpu.memory_space<vmem>>
          %dma_wait3A_219 = arith.constant 0 : i32
          %dma_wait3A_220 = tpu.memref_slice %arg9[%run_scoped3A_194, %run_scoped3A_195, %dma_wait3A_219] : memref<4x2x128xi32, #tpu.memory_space<vmem>> -> memref<1x1x128xi32, #tpu.memory_space<vmem>>
          %dma_wait3A_221 = tpu.memref_squeeze %dma_wait3A_220 : memref<1x1x128xi32, #tpu.memory_space<vmem>> -> memref<128xi32, #tpu.memory_space<vmem>>
          %dma_wait3A_222 = arith.constant 0 : i32
          %dma_wait3A_223 = arith.constant 0 : i32
          %dma_wait3A_224 = tpu.memref_slice %arg12[%dma_wait3A_222, %dma_wait3A_223] : memref<10016x64xf32, #tpu.memory_space<vmem_shared>> -> memref<10016x64xf32, #tpu.memory_space<vmem_shared>>
          tpu.wait_indirect_dma semaphore(%run_scoped3A_204 : memref<!tpu.dma_semaphore, #tpu.memory_space<semaphore_mem>>) src(%dma_wait3A_218 : memref<128x64xf32, #tpu.memory_space<vmem>>) dst(%dma_wait3A_224 : memref<10016x64xf32, #tpu.memory_space<vmem_shared>>)
          tpu.yield
        }) : () -> ()
        %dma_start3A_196 = arith.constant 0 : i32
        %dma_start3A_197 = arith.constant 1 : i32
        %dma_start3A_198 = arith.constant 0 : i32
        %dma_start3A_199 = tpu.memref_slice %arg9[%dma_start3A_196, %dma_start3A_197, %dma_start3A_198] : memref<4x2x128xi32, #tpu.memory_space<vmem>> -> memref<1x1x128xi32, #tpu.memory_space<vmem>>
        %dma_start3A_200 = tpu.memref_squeeze %dma_start3A_199 : memref<1x1x128xi32, #tpu.memory_space<vmem>> -> memref<128xi32, #tpu.memory_space<vmem>>
        %dma_start3A_201 = arith.constant 0 : i32
        %dma_start3A_202 = arith.constant 0 : i32
        %dma_start3A_203 = tpu.memref_slice %arg13[%dma_start3A_201, %dma_start3A_202] : memref<10016x16xf32, #tpu.memory_space<vmem_shared>> -> memref<10016x16xf32, #tpu.memory_space<vmem_shared>>
        tpu.enqueue_indirect_dma source(%arg11 : memref<128x16xf32, #tpu.memory_space<vmem>>) target(%dma_start3A_203 : memref<10016x16xf32, #tpu.memory_space<vmem_shared>>) offsets(%dma_start3A_200 : memref<128xi32, #tpu.memory_space<vmem>>) semaphore(%arg16 : memref<!tpu.dma_semaphore, #tpu.memory_space<semaphore_mem>>) {add = true}
      } else {
      }
      %add3A_104 = arith.constant 1 : i32
      %add3A_105 = arith.addi %add3A_79, %add3A_104 : i32
      %add3A_106 = arith.constant 1 : i32
      %add3A_107 = arith.addi %add3A_105, %add3A_106 : i32
      %mul3A_108 = arith.constant 32 : i32
      %mul3A_109 = arith.muli %add3A_107, %mul3A_108 : i32
      %add3A_110 = arith.addi %add3A, %mul3A_109 : i32
      %add3A_111 = arith.constant 1 : i32
      %add3A_112 = arith.addi %add3A_105, %add3A_111 : i32
      %lt3A_113 = arith.constant 80 : i32
      %lt3A_114 = arith.cmpi slt, %add3A_112, %lt3A_113 : i32
      %lt3A_115 = arith.constant 2500 : i32
      %lt3A_116 = arith.cmpi slt, %add3A_110, %lt3A_115 : i32
      %and3A_117 = arith.andi %lt3A_114, %lt3A_116 : i1
      %convert_element_type3A_118 = arith.extui %and3A_117 : i1 to i32
      %cond3A_119 = arith.constant 0 : i32
      %cond3A_120 = arith.cmpi ne, %convert_element_type3A_118, %cond3A_119 : i32
      scf.if %cond3A_120 {
        %mul3A_179 = arith.constant 128 : i32
        %mul3A_180 = arith.muli %add3A_110, %mul3A_179 : i32
        %run_scoped3A_181 = arith.constant 2 : i32
        "tpu.region"() ({
          %run_scoped3A_195 = tpu.sem_alloc : memref<!tpu.dma_semaphore, #tpu.memory_space<semaphore_mem>>
          %dma_start3A_196 = arith.constant 0 : i32
          %dma_start3A_197 = arith.constant 0 : i32
          %dma_start3A_198 = tpu.memref_slice %arg9[%run_scoped3A_181, %dma_start3A_196, %dma_start3A_197] : memref<4x2x128xi32, #tpu.memory_space<vmem>> -> memref<1x2x128xi32, #tpu.memory_space<vmem>>
          %dma_start3A_199 = tpu.memref_squeeze %dma_start3A_198 : memref<1x2x128xi32, #tpu.memory_space<vmem>> -> memref<2x128xi32, #tpu.memory_space<vmem>>
          %dma_start3A_200 = arith.constant 0 : i32
          %dma_start3A_201 = tpu.memref_slice %arg3[%dma_start3A_200, %mul3A_180] : memref<2x320000xi32, #tpu.memory_space<hbm>> -> memref<2x128xi32, #tpu.memory_space<hbm>>
          %dma_start3A_202 = arith.constant 0 : i32
          %dma_start3A_203 = arith.constant 0 : i32
          %dma_start3A_204 = tpu.memref_slice %arg9[%run_scoped3A_181, %dma_start3A_202, %dma_start3A_203] : memref<4x2x128xi32, #tpu.memory_space<vmem>> -> memref<1x2x128xi32, #tpu.memory_space<vmem>>
          %dma_start3A_205 = tpu.memref_squeeze %dma_start3A_204 : memref<1x2x128xi32, #tpu.memory_space<vmem>> -> memref<2x128xi32, #tpu.memory_space<vmem>>
          %dma_start3A_206 = arith.constant 0 : i32
          %dma_start3A_207 = tpu.memref_slice %arg3[%dma_start3A_206, %mul3A_180] : memref<2x320000xi32, #tpu.memory_space<hbm>> -> memref<2x128xi32, #tpu.memory_space<hbm>>
          tpu.enqueue_dma source(%dma_start3A_207 : memref<2x128xi32, #tpu.memory_space<hbm>>) target(%dma_start3A_205 : memref<2x128xi32, #tpu.memory_space<vmem>>) target_semaphore(%run_scoped3A_195 : memref<!tpu.dma_semaphore, #tpu.memory_space<semaphore_mem>>)
          %dma_wait3A = arith.constant 0 : i32
          %dma_wait3A_208 = arith.constant 0 : i32
          %dma_wait3A_209 = tpu.memref_slice %arg9[%run_scoped3A_181, %dma_wait3A, %dma_wait3A_208] : memref<4x2x128xi32, #tpu.memory_space<vmem>> -> memref<1x2x128xi32, #tpu.memory_space<vmem>>
          %dma_wait3A_210 = tpu.memref_squeeze %dma_wait3A_209 : memref<1x2x128xi32, #tpu.memory_space<vmem>> -> memref<2x128xi32, #tpu.memory_space<vmem>>
          %dma_wait3A_211 = arith.constant 0 : i32
          %dma_wait3A_212 = tpu.memref_slice %arg3[%dma_wait3A_211, %mul3A_180] : memref<2x320000xi32, #tpu.memory_space<hbm>> -> memref<2x128xi32, #tpu.memory_space<hbm>>
          %dma_wait3A_213 = arith.constant 0 : i32
          %dma_wait3A_214 = arith.constant 0 : i32
          %dma_wait3A_215 = tpu.memref_slice %arg9[%run_scoped3A_181, %dma_wait3A_213, %dma_wait3A_214] : memref<4x2x128xi32, #tpu.memory_space<vmem>> -> memref<1x2x128xi32, #tpu.memory_space<vmem>>
          %dma_wait3A_216 = tpu.memref_squeeze %dma_wait3A_215 : memref<1x2x128xi32, #tpu.memory_space<vmem>> -> memref<2x128xi32, #tpu.memory_space<vmem>>
          %dma_wait3A_217 = arith.constant 0 : i32
          %dma_wait3A_218 = tpu.memref_slice %arg3[%dma_wait3A_217, %mul3A_180] : memref<2x320000xi32, #tpu.memory_space<hbm>> -> memref<2x128xi32, #tpu.memory_space<hbm>>
          tpu.wait_dma2 semaphore(%run_scoped3A_195 : memref<!tpu.dma_semaphore, #tpu.memory_space<semaphore_mem>>) src(%dma_wait3A_218 : memref<2x128xi32, #tpu.memory_space<hbm>>) dst(%dma_wait3A_216 : memref<2x128xi32, #tpu.memory_space<vmem>>)
          tpu.yield
        }) : () -> ()
        %dma_start3A_182 = arith.constant 2 : i32
        %dma_start3A_183 = arith.constant 0 : i32
        %dma_start3A_184 = arith.constant 0 : i32
        %dma_start3A_185 = arith.constant 0 : i32
        %dma_start3A_186 = arith.constant 0 : i32
        %dma_start3A_187 = tpu.memref_slice %arg10[%dma_start3A_184, %dma_start3A_185, %dma_start3A_186] : memref<2x128x64xf32, #tpu.memory_space<vmem>> -> memref<1x128x64xf32, #tpu.memory_space<vmem>>
        %dma_start3A_188 = tpu.memref_squeeze %dma_start3A_187 : memref<1x128x64xf32, #tpu.memory_space<vmem>> -> memref<128x64xf32, #tpu.memory_space<vmem>>
        %dma_start3A_189 = arith.constant 0 : i32
        %dma_start3A_190 = tpu.memref_slice %arg9[%dma_start3A_182, %dma_start3A_183, %dma_start3A_189] : memref<4x2x128xi32, #tpu.memory_space<vmem>> -> memref<1x1x128xi32, #tpu.memory_space<vmem>>
        %dma_start3A_191 = tpu.memref_squeeze %dma_start3A_190 : memref<1x1x128xi32, #tpu.memory_space<vmem>> -> memref<128xi32, #tpu.memory_space<vmem>>
        %dma_start3A_192 = arith.constant 0 : i32
        %dma_start3A_193 = arith.constant 0 : i32
        %dma_start3A_194 = tpu.memref_slice %arg2[%dma_start3A_192, %dma_start3A_193] : memref<10000x64xf32, #tpu.memory_space<hbm>> -> memref<10000x64xf32, #tpu.memory_space<hbm>>
        tpu.enqueue_indirect_dma source(%dma_start3A_194 : memref<10000x64xf32, #tpu.memory_space<hbm>>) target(%dma_start3A_188 : memref<128x64xf32, #tpu.memory_space<vmem>>) offsets(%dma_start3A_191 : memref<128xi32, #tpu.memory_space<vmem>>) semaphore(%arg14 : memref<!tpu.dma_semaphore, #tpu.memory_space<semaphore_mem>>)
      } else {
      }
      %mul3A_121 = arith.constant 32 : i32
      %mul3A_122 = arith.muli %add3A_105, %mul3A_121 : i32
      %add3A_123 = arith.addi %add3A, %mul3A_122 : i32
      %lt3A_124 = arith.constant 2500 : i32
      %lt3A_125 = arith.cmpi slt, %add3A_123, %lt3A_124 : i32
      %convert_element_type3A_126 = arith.extui %lt3A_125 : i1 to i32
      %cond3A_127 = arith.constant 0 : i32
      %cond3A_128 = arith.cmpi ne, %convert_element_type3A_126, %cond3A_127 : i32
      scf.if %cond3A_128 {
        %dma_wait3A = arith.constant 1 : i32
        %dma_wait3A_179 = arith.constant 0 : i32
        %dma_wait3A_180 = arith.constant 0 : i32
        %dma_wait3A_181 = tpu.memref_slice %arg10[%dma_wait3A, %dma_wait3A_179, %dma_wait3A_180] : memref<2x128x64xf32, #tpu.memory_space<vmem>> -> memref<1x128x64xf32, #tpu.memory_space<vmem>>
        %dma_wait3A_182 = tpu.memref_squeeze %dma_wait3A_181 : memref<1x128x64xf32, #tpu.memory_space<vmem>> -> memref<128x64xf32, #tpu.memory_space<vmem>>
        %dma_wait3A_183 = arith.constant 0 : i32
        %dma_wait3A_184 = arith.constant 0 : i32
        %dma_wait3A_185 = tpu.memref_slice %arg2[%dma_wait3A_183, %dma_wait3A_184] : memref<10000x64xf32, #tpu.memory_space<hbm>> -> memref<128x64xf32, #tpu.memory_space<hbm>>
        %dma_wait3A_186 = arith.constant 0 : i32
        %dma_wait3A_187 = arith.constant 0 : i32
        %dma_wait3A_188 = tpu.memref_slice %arg10[%dma_wait3A, %dma_wait3A_186, %dma_wait3A_187] : memref<2x128x64xf32, #tpu.memory_space<vmem>> -> memref<1x128x64xf32, #tpu.memory_space<vmem>>
        %dma_wait3A_189 = tpu.memref_squeeze %dma_wait3A_188 : memref<1x128x64xf32, #tpu.memory_space<vmem>> -> memref<128x64xf32, #tpu.memory_space<vmem>>
        %dma_wait3A_190 = arith.constant 0 : i32
        %dma_wait3A_191 = arith.constant 0 : i32
        %dma_wait3A_192 = tpu.memref_slice %arg2[%dma_wait3A_190, %dma_wait3A_191] : memref<10000x64xf32, #tpu.memory_space<hbm>> -> memref<128x64xf32, #tpu.memory_space<hbm>>
        tpu.wait_dma2 semaphore(%arg15 : memref<!tpu.dma_semaphore, #tpu.memory_space<semaphore_mem>>) src(%dma_wait3A_192 : memref<128x64xf32, #tpu.memory_space<hbm>>) dst(%dma_wait3A_189 : memref<128x64xf32, #tpu.memory_space<vmem>>)
        %run_scoped3A_193 = arith.constant 1 : i32
        %run_scoped3A_194 = arith.constant 1 : i32
        %run_scoped3A_195 = arith.constant 1 : i32
        "tpu.region"() ({
          %run_scoped3A_204 = tpu.sem_alloc : memref<!tpu.dma_semaphore, #tpu.memory_space<semaphore_mem>>
          %dma_start3A_205 = arith.constant 0 : i32
          %dma_start3A_206 = arith.constant 0 : i32
          %dma_start3A_207 = tpu.memref_slice %arg10[%run_scoped3A_193, %dma_start3A_205, %dma_start3A_206] : memref<2x128x64xf32, #tpu.memory_space<vmem>> -> memref<1x128x64xf32, #tpu.memory_space<vmem>>
          %dma_start3A_208 = tpu.memref_squeeze %dma_start3A_207 : memref<1x128x64xf32, #tpu.memory_space<vmem>> -> memref<128x64xf32, #tpu.memory_space<vmem>>
          %dma_start3A_209 = arith.constant 0 : i32
          %dma_start3A_210 = tpu.memref_slice %arg9[%run_scoped3A_194, %run_scoped3A_195, %dma_start3A_209] : memref<4x2x128xi32, #tpu.memory_space<vmem>> -> memref<1x1x128xi32, #tpu.memory_space<vmem>>
          %dma_start3A_211 = tpu.memref_squeeze %dma_start3A_210 : memref<1x1x128xi32, #tpu.memory_space<vmem>> -> memref<128xi32, #tpu.memory_space<vmem>>
          %dma_start3A_212 = arith.constant 0 : i32
          %dma_start3A_213 = arith.constant 0 : i32
          %dma_start3A_214 = tpu.memref_slice %arg12[%dma_start3A_212, %dma_start3A_213] : memref<10016x64xf32, #tpu.memory_space<vmem_shared>> -> memref<10016x64xf32, #tpu.memory_space<vmem_shared>>
          tpu.enqueue_indirect_dma source(%dma_start3A_208 : memref<128x64xf32, #tpu.memory_space<vmem>>) target(%dma_start3A_214 : memref<10016x64xf32, #tpu.memory_space<vmem_shared>>) offsets(%dma_start3A_211 : memref<128xi32, #tpu.memory_space<vmem>>) semaphore(%run_scoped3A_204 : memref<!tpu.dma_semaphore, #tpu.memory_space<semaphore_mem>>) {add = true}
          %dma_wait3A_215 = arith.constant 0 : i32
          %dma_wait3A_216 = arith.constant 0 : i32
          %dma_wait3A_217 = tpu.memref_slice %arg10[%run_scoped3A_193, %dma_wait3A_215, %dma_wait3A_216] : memref<2x128x64xf32, #tpu.memory_space<vmem>> -> memref<1x128x64xf32, #tpu.memory_space<vmem>>
          %dma_wait3A_218 = tpu.memref_squeeze %dma_wait3A_217 : memref<1x128x64xf32, #tpu.memory_space<vmem>> -> memref<128x64xf32, #tpu.memory_space<vmem>>
          %dma_wait3A_219 = arith.constant 0 : i32
          %dma_wait3A_220 = tpu.memref_slice %arg9[%run_scoped3A_194, %run_scoped3A_195, %dma_wait3A_219] : memref<4x2x128xi32, #tpu.memory_space<vmem>> -> memref<1x1x128xi32, #tpu.memory_space<vmem>>
          %dma_wait3A_221 = tpu.memref_squeeze %dma_wait3A_220 : memref<1x1x128xi32, #tpu.memory_space<vmem>> -> memref<128xi32, #tpu.memory_space<vmem>>
          %dma_wait3A_222 = arith.constant 0 : i32
          %dma_wait3A_223 = arith.constant 0 : i32
          %dma_wait3A_224 = tpu.memref_slice %arg12[%dma_wait3A_222, %dma_wait3A_223] : memref<10016x64xf32, #tpu.memory_space<vmem_shared>> -> memref<10016x64xf32, #tpu.memory_space<vmem_shared>>
          tpu.wait_indirect_dma semaphore(%run_scoped3A_204 : memref<!tpu.dma_semaphore, #tpu.memory_space<semaphore_mem>>) src(%dma_wait3A_218 : memref<128x64xf32, #tpu.memory_space<vmem>>) dst(%dma_wait3A_224 : memref<10016x64xf32, #tpu.memory_space<vmem_shared>>)
          tpu.yield
        }) : () -> ()
        %dma_start3A_196 = arith.constant 1 : i32
        %dma_start3A_197 = arith.constant 1 : i32
        %dma_start3A_198 = arith.constant 0 : i32
        %dma_start3A_199 = tpu.memref_slice %arg9[%dma_start3A_196, %dma_start3A_197, %dma_start3A_198] : memref<4x2x128xi32, #tpu.memory_space<vmem>> -> memref<1x1x128xi32, #tpu.memory_space<vmem>>
        %dma_start3A_200 = tpu.memref_squeeze %dma_start3A_199 : memref<1x1x128xi32, #tpu.memory_space<vmem>> -> memref<128xi32, #tpu.memory_space<vmem>>
        %dma_start3A_201 = arith.constant 0 : i32
        %dma_start3A_202 = arith.constant 0 : i32
        %dma_start3A_203 = tpu.memref_slice %arg13[%dma_start3A_201, %dma_start3A_202] : memref<10016x16xf32, #tpu.memory_space<vmem_shared>> -> memref<10016x16xf32, #tpu.memory_space<vmem_shared>>
        tpu.enqueue_indirect_dma source(%arg11 : memref<128x16xf32, #tpu.memory_space<vmem>>) target(%dma_start3A_203 : memref<10016x16xf32, #tpu.memory_space<vmem_shared>>) offsets(%dma_start3A_200 : memref<128xi32, #tpu.memory_space<vmem>>) semaphore(%arg16 : memref<!tpu.dma_semaphore, #tpu.memory_space<semaphore_mem>>) {add = true}
      } else {
      }
      %add3A_129 = arith.constant 2 : i32
      %add3A_130 = arith.addi %add3A_79, %add3A_129 : i32
      %add3A_131 = arith.constant 1 : i32
      %add3A_132 = arith.addi %add3A_130, %add3A_131 : i32
      %mul3A_133 = arith.constant 32 : i32
      %mul3A_134 = arith.muli %add3A_132, %mul3A_133 : i32
      %add3A_135 = arith.addi %add3A, %mul3A_134 : i32
      %add3A_136 = arith.constant 1 : i32
      %add3A_137 = arith.addi %add3A_130, %add3A_136 : i32
      %lt3A_138 = arith.constant 80 : i32
      %lt3A_139 = arith.cmpi slt, %add3A_137, %lt3A_138 : i32
      %lt3A_140 = arith.constant 2500 : i32
      %lt3A_141 = arith.cmpi slt, %add3A_135, %lt3A_140 : i32
      %and3A_142 = arith.andi %lt3A_139, %lt3A_141 : i1
      %convert_element_type3A_143 = arith.extui %and3A_142 : i1 to i32
      %cond3A_144 = arith.constant 0 : i32
      %cond3A_145 = arith.cmpi ne, %convert_element_type3A_143, %cond3A_144 : i32
      scf.if %cond3A_145 {
        %mul3A_179 = arith.constant 128 : i32
        %mul3A_180 = arith.muli %add3A_135, %mul3A_179 : i32
        %run_scoped3A_181 = arith.constant 3 : i32
        "tpu.region"() ({
          %run_scoped3A_195 = tpu.sem_alloc : memref<!tpu.dma_semaphore, #tpu.memory_space<semaphore_mem>>
          %dma_start3A_196 = arith.constant 0 : i32
          %dma_start3A_197 = arith.constant 0 : i32
          %dma_start3A_198 = tpu.memref_slice %arg9[%run_scoped3A_181, %dma_start3A_196, %dma_start3A_197] : memref<4x2x128xi32, #tpu.memory_space<vmem>> -> memref<1x2x128xi32, #tpu.memory_space<vmem>>
          %dma_start3A_199 = tpu.memref_squeeze %dma_start3A_198 : memref<1x2x128xi32, #tpu.memory_space<vmem>> -> memref<2x128xi32, #tpu.memory_space<vmem>>
          %dma_start3A_200 = arith.constant 0 : i32
          %dma_start3A_201 = tpu.memref_slice %arg3[%dma_start3A_200, %mul3A_180] : memref<2x320000xi32, #tpu.memory_space<hbm>> -> memref<2x128xi32, #tpu.memory_space<hbm>>
          %dma_start3A_202 = arith.constant 0 : i32
          %dma_start3A_203 = arith.constant 0 : i32
          %dma_start3A_204 = tpu.memref_slice %arg9[%run_scoped3A_181, %dma_start3A_202, %dma_start3A_203] : memref<4x2x128xi32, #tpu.memory_space<vmem>> -> memref<1x2x128xi32, #tpu.memory_space<vmem>>
          %dma_start3A_205 = tpu.memref_squeeze %dma_start3A_204 : memref<1x2x128xi32, #tpu.memory_space<vmem>> -> memref<2x128xi32, #tpu.memory_space<vmem>>
          %dma_start3A_206 = arith.constant 0 : i32
          %dma_start3A_207 = tpu.memref_slice %arg3[%dma_start3A_206, %mul3A_180] : memref<2x320000xi32, #tpu.memory_space<hbm>> -> memref<2x128xi32, #tpu.memory_space<hbm>>
          tpu.enqueue_dma source(%dma_start3A_207 : memref<2x128xi32, #tpu.memory_space<hbm>>) target(%dma_start3A_205 : memref<2x128xi32, #tpu.memory_space<vmem>>) target_semaphore(%run_scoped3A_195 : memref<!tpu.dma_semaphore, #tpu.memory_space<semaphore_mem>>)
          %dma_wait3A = arith.constant 0 : i32
          %dma_wait3A_208 = arith.constant 0 : i32
          %dma_wait3A_209 = tpu.memref_slice %arg9[%run_scoped3A_181, %dma_wait3A, %dma_wait3A_208] : memref<4x2x128xi32, #tpu.memory_space<vmem>> -> memref<1x2x128xi32, #tpu.memory_space<vmem>>
          %dma_wait3A_210 = tpu.memref_squeeze %dma_wait3A_209 : memref<1x2x128xi32, #tpu.memory_space<vmem>> -> memref<2x128xi32, #tpu.memory_space<vmem>>
          %dma_wait3A_211 = arith.constant 0 : i32
          %dma_wait3A_212 = tpu.memref_slice %arg3[%dma_wait3A_211, %mul3A_180] : memref<2x320000xi32, #tpu.memory_space<hbm>> -> memref<2x128xi32, #tpu.memory_space<hbm>>
          %dma_wait3A_213 = arith.constant 0 : i32
          %dma_wait3A_214 = arith.constant 0 : i32
          %dma_wait3A_215 = tpu.memref_slice %arg9[%run_scoped3A_181, %dma_wait3A_213, %dma_wait3A_214] : memref<4x2x128xi32, #tpu.memory_space<vmem>> -> memref<1x2x128xi32, #tpu.memory_space<vmem>>
          %dma_wait3A_216 = tpu.memref_squeeze %dma_wait3A_215 : memref<1x2x128xi32, #tpu.memory_space<vmem>> -> memref<2x128xi32, #tpu.memory_space<vmem>>
          %dma_wait3A_217 = arith.constant 0 : i32
          %dma_wait3A_218 = tpu.memref_slice %arg3[%dma_wait3A_217, %mul3A_180] : memref<2x320000xi32, #tpu.memory_space<hbm>> -> memref<2x128xi32, #tpu.memory_space<hbm>>
          tpu.wait_dma2 semaphore(%run_scoped3A_195 : memref<!tpu.dma_semaphore, #tpu.memory_space<semaphore_mem>>) src(%dma_wait3A_218 : memref<2x128xi32, #tpu.memory_space<hbm>>) dst(%dma_wait3A_216 : memref<2x128xi32, #tpu.memory_space<vmem>>)
          tpu.yield
        }) : () -> ()
        %dma_start3A_182 = arith.constant 3 : i32
        %dma_start3A_183 = arith.constant 0 : i32
        %dma_start3A_184 = arith.constant 1 : i32
        %dma_start3A_185 = arith.constant 0 : i32
        %dma_start3A_186 = arith.constant 0 : i32
        %dma_start3A_187 = tpu.memref_slice %arg10[%dma_start3A_184, %dma_start3A_185, %dma_start3A_186] : memref<2x128x64xf32, #tpu.memory_space<vmem>> -> memref<1x128x64xf32, #tpu.memory_space<vmem>>
        %dma_start3A_188 = tpu.memref_squeeze %dma_start3A_187 : memref<1x128x64xf32, #tpu.memory_space<vmem>> -> memref<128x64xf32, #tpu.memory_space<vmem>>
        %dma_start3A_189 = arith.constant 0 : i32
        %dma_start3A_190 = tpu.memref_slice %arg9[%dma_start3A_182, %dma_start3A_183, %dma_start3A_189] : memref<4x2x128xi32, #tpu.memory_space<vmem>> -> memref<1x1x128xi32, #tpu.memory_space<vmem>>
        %dma_start3A_191 = tpu.memref_squeeze %dma_start3A_190 : memref<1x1x128xi32, #tpu.memory_space<vmem>> -> memref<128xi32, #tpu.memory_space<vmem>>
        %dma_start3A_192 = arith.constant 0 : i32
        %dma_start3A_193 = arith.constant 0 : i32
        %dma_start3A_194 = tpu.memref_slice %arg2[%dma_start3A_192, %dma_start3A_193] : memref<10000x64xf32, #tpu.memory_space<hbm>> -> memref<10000x64xf32, #tpu.memory_space<hbm>>
        tpu.enqueue_indirect_dma source(%dma_start3A_194 : memref<10000x64xf32, #tpu.memory_space<hbm>>) target(%dma_start3A_188 : memref<128x64xf32, #tpu.memory_space<vmem>>) offsets(%dma_start3A_191 : memref<128xi32, #tpu.memory_space<vmem>>) semaphore(%arg15 : memref<!tpu.dma_semaphore, #tpu.memory_space<semaphore_mem>>)
      } else {
      }
      %mul3A_146 = arith.constant 32 : i32
      %mul3A_147 = arith.muli %add3A_130, %mul3A_146 : i32
      %add3A_148 = arith.addi %add3A, %mul3A_147 : i32
      %lt3A_149 = arith.constant 2500 : i32
      %lt3A_150 = arith.cmpi slt, %add3A_148, %lt3A_149 : i32
      %convert_element_type3A_151 = arith.extui %lt3A_150 : i1 to i32
      %cond3A_152 = arith.constant 0 : i32
      %cond3A_153 = arith.cmpi ne, %convert_element_type3A_151, %cond3A_152 : i32
      scf.if %cond3A_153 {
        %dma_wait3A = arith.constant 0 : i32
        %dma_wait3A_179 = arith.constant 0 : i32
        %dma_wait3A_180 = arith.constant 0 : i32
        %dma_wait3A_181 = tpu.memref_slice %arg10[%dma_wait3A, %dma_wait3A_179, %dma_wait3A_180] : memref<2x128x64xf32, #tpu.memory_space<vmem>> -> memref<1x128x64xf32, #tpu.memory_space<vmem>>
        %dma_wait3A_182 = tpu.memref_squeeze %dma_wait3A_181 : memref<1x128x64xf32, #tpu.memory_space<vmem>> -> memref<128x64xf32, #tpu.memory_space<vmem>>
        %dma_wait3A_183 = arith.constant 0 : i32
        %dma_wait3A_184 = arith.constant 0 : i32
        %dma_wait3A_185 = tpu.memref_slice %arg2[%dma_wait3A_183, %dma_wait3A_184] : memref<10000x64xf32, #tpu.memory_space<hbm>> -> memref<128x64xf32, #tpu.memory_space<hbm>>
        %dma_wait3A_186 = arith.constant 0 : i32
        %dma_wait3A_187 = arith.constant 0 : i32
        %dma_wait3A_188 = tpu.memref_slice %arg10[%dma_wait3A, %dma_wait3A_186, %dma_wait3A_187] : memref<2x128x64xf32, #tpu.memory_space<vmem>> -> memref<1x128x64xf32, #tpu.memory_space<vmem>>
        %dma_wait3A_189 = tpu.memref_squeeze %dma_wait3A_188 : memref<1x128x64xf32, #tpu.memory_space<vmem>> -> memref<128x64xf32, #tpu.memory_space<vmem>>
        %dma_wait3A_190 = arith.constant 0 : i32
        %dma_wait3A_191 = arith.constant 0 : i32
        %dma_wait3A_192 = tpu.memref_slice %arg2[%dma_wait3A_190, %dma_wait3A_191] : memref<10000x64xf32, #tpu.memory_space<hbm>> -> memref<128x64xf32, #tpu.memory_space<hbm>>
        tpu.wait_dma2 semaphore(%arg14 : memref<!tpu.dma_semaphore, #tpu.memory_space<semaphore_mem>>) src(%dma_wait3A_192 : memref<128x64xf32, #tpu.memory_space<hbm>>) dst(%dma_wait3A_189 : memref<128x64xf32, #tpu.memory_space<vmem>>)
        %run_scoped3A_193 = arith.constant 0 : i32
        %run_scoped3A_194 = arith.constant 2 : i32
        %run_scoped3A_195 = arith.constant 1 : i32
        "tpu.region"() ({
          %run_scoped3A_204 = tpu.sem_alloc : memref<!tpu.dma_semaphore, #tpu.memory_space<semaphore_mem>>
          %dma_start3A_205 = arith.constant 0 : i32
          %dma_start3A_206 = arith.constant 0 : i32
          %dma_start3A_207 = tpu.memref_slice %arg10[%run_scoped3A_193, %dma_start3A_205, %dma_start3A_206] : memref<2x128x64xf32, #tpu.memory_space<vmem>> -> memref<1x128x64xf32, #tpu.memory_space<vmem>>
          %dma_start3A_208 = tpu.memref_squeeze %dma_start3A_207 : memref<1x128x64xf32, #tpu.memory_space<vmem>> -> memref<128x64xf32, #tpu.memory_space<vmem>>
          %dma_start3A_209 = arith.constant 0 : i32
          %dma_start3A_210 = tpu.memref_slice %arg9[%run_scoped3A_194, %run_scoped3A_195, %dma_start3A_209] : memref<4x2x128xi32, #tpu.memory_space<vmem>> -> memref<1x1x128xi32, #tpu.memory_space<vmem>>
          %dma_start3A_211 = tpu.memref_squeeze %dma_start3A_210 : memref<1x1x128xi32, #tpu.memory_space<vmem>> -> memref<128xi32, #tpu.memory_space<vmem>>
          %dma_start3A_212 = arith.constant 0 : i32
          %dma_start3A_213 = arith.constant 0 : i32
          %dma_start3A_214 = tpu.memref_slice %arg12[%dma_start3A_212, %dma_start3A_213] : memref<10016x64xf32, #tpu.memory_space<vmem_shared>> -> memref<10016x64xf32, #tpu.memory_space<vmem_shared>>
          tpu.enqueue_indirect_dma source(%dma_start3A_208 : memref<128x64xf32, #tpu.memory_space<vmem>>) target(%dma_start3A_214 : memref<10016x64xf32, #tpu.memory_space<vmem_shared>>) offsets(%dma_start3A_211 : memref<128xi32, #tpu.memory_space<vmem>>) semaphore(%run_scoped3A_204 : memref<!tpu.dma_semaphore, #tpu.memory_space<semaphore_mem>>) {add = true}
          %dma_wait3A_215 = arith.constant 0 : i32
          %dma_wait3A_216 = arith.constant 0 : i32
          %dma_wait3A_217 = tpu.memref_slice %arg10[%run_scoped3A_193, %dma_wait3A_215, %dma_wait3A_216] : memref<2x128x64xf32, #tpu.memory_space<vmem>> -> memref<1x128x64xf32, #tpu.memory_space<vmem>>
          %dma_wait3A_218 = tpu.memref_squeeze %dma_wait3A_217 : memref<1x128x64xf32, #tpu.memory_space<vmem>> -> memref<128x64xf32, #tpu.memory_space<vmem>>
          %dma_wait3A_219 = arith.constant 0 : i32
          %dma_wait3A_220 = tpu.memref_slice %arg9[%run_scoped3A_194, %run_scoped3A_195, %dma_wait3A_219] : memref<4x2x128xi32, #tpu.memory_space<vmem>> -> memref<1x1x128xi32, #tpu.memory_space<vmem>>
          %dma_wait3A_221 = tpu.memref_squeeze %dma_wait3A_220 : memref<1x1x128xi32, #tpu.memory_space<vmem>> -> memref<128xi32, #tpu.memory_space<vmem>>
          %dma_wait3A_222 = arith.constant 0 : i32
          %dma_wait3A_223 = arith.constant 0 : i32
          %dma_wait3A_224 = tpu.memref_slice %arg12[%dma_wait3A_222, %dma_wait3A_223] : memref<10016x64xf32, #tpu.memory_space<vmem_shared>> -> memref<10016x64xf32, #tpu.memory_space<vmem_shared>>
          tpu.wait_indirect_dma semaphore(%run_scoped3A_204 : memref<!tpu.dma_semaphore, #tpu.memory_space<semaphore_mem>>) src(%dma_wait3A_218 : memref<128x64xf32, #tpu.memory_space<vmem>>) dst(%dma_wait3A_224 : memref<10016x64xf32, #tpu.memory_space<vmem_shared>>)
          tpu.yield
        }) : () -> ()
        %dma_start3A_196 = arith.constant 2 : i32
        %dma_start3A_197 = arith.constant 1 : i32
        %dma_start3A_198 = arith.constant 0 : i32
        %dma_start3A_199 = tpu.memref_slice %arg9[%dma_start3A_196, %dma_start3A_197, %dma_start3A_198] : memref<4x2x128xi32, #tpu.memory_space<vmem>> -> memref<1x1x128xi32, #tpu.memory_space<vmem>>
        %dma_start3A_200 = tpu.memref_squeeze %dma_start3A_199 : memref<1x1x128xi32, #tpu.memory_space<vmem>> -> memref<128xi32, #tpu.memory_space<vmem>>
        %dma_start3A_201 = arith.constant 0 : i32
        %dma_start3A_202 = arith.constant 0 : i32
        %dma_start3A_203 = tpu.memref_slice %arg13[%dma_start3A_201, %dma_start3A_202] : memref<10016x16xf32, #tpu.memory_space<vmem_shared>> -> memref<10016x16xf32, #tpu.memory_space<vmem_shared>>
        tpu.enqueue_indirect_dma source(%arg11 : memref<128x16xf32, #tpu.memory_space<vmem>>) target(%dma_start3A_203 : memref<10016x16xf32, #tpu.memory_space<vmem_shared>>) offsets(%dma_start3A_200 : memref<128xi32, #tpu.memory_space<vmem>>) semaphore(%arg16 : memref<!tpu.dma_semaphore, #tpu.memory_space<semaphore_mem>>) {add = true}
      } else {
      }
      %add3A_154 = arith.constant 3 : i32
      %add3A_155 = arith.addi %add3A_79, %add3A_154 : i32
      %add3A_156 = arith.constant 1 : i32
      %add3A_157 = arith.addi %add3A_155, %add3A_156 : i32
      %mul3A_158 = arith.constant 32 : i32
      %mul3A_159 = arith.muli %add3A_157, %mul3A_158 : i32
      %add3A_160 = arith.addi %add3A, %mul3A_159 : i32
      %add3A_161 = arith.constant 1 : i32
      %add3A_162 = arith.addi %add3A_155, %add3A_161 : i32
      %lt3A_163 = arith.constant 80 : i32
      %lt3A_164 = arith.cmpi slt, %add3A_162, %lt3A_163 : i32
      %lt3A_165 = arith.constant 2500 : i32
      %lt3A_166 = arith.cmpi slt, %add3A_160, %lt3A_165 : i32
      %and3A_167 = arith.andi %lt3A_164, %lt3A_166 : i1
      %convert_element_type3A_168 = arith.extui %and3A_167 : i1 to i32
      %cond3A_169 = arith.constant 0 : i32
      %cond3A_170 = arith.cmpi ne, %convert_element_type3A_168, %cond3A_169 : i32
      scf.if %cond3A_170 {
        %mul3A_179 = arith.constant 128 : i32
        %mul3A_180 = arith.muli %add3A_160, %mul3A_179 : i32
        %run_scoped3A_181 = arith.constant 0 : i32
        "tpu.region"() ({
          %run_scoped3A_195 = tpu.sem_alloc : memref<!tpu.dma_semaphore, #tpu.memory_space<semaphore_mem>>
          %dma_start3A_196 = arith.constant 0 : i32
          %dma_start3A_197 = arith.constant 0 : i32
          %dma_start3A_198 = tpu.memref_slice %arg9[%run_scoped3A_181, %dma_start3A_196, %dma_start3A_197] : memref<4x2x128xi32, #tpu.memory_space<vmem>> -> memref<1x2x128xi32, #tpu.memory_space<vmem>>
          %dma_start3A_199 = tpu.memref_squeeze %dma_start3A_198 : memref<1x2x128xi32, #tpu.memory_space<vmem>> -> memref<2x128xi32, #tpu.memory_space<vmem>>
          %dma_start3A_200 = arith.constant 0 : i32
          %dma_start3A_201 = tpu.memref_slice %arg3[%dma_start3A_200, %mul3A_180] : memref<2x320000xi32, #tpu.memory_space<hbm>> -> memref<2x128xi32, #tpu.memory_space<hbm>>
          %dma_start3A_202 = arith.constant 0 : i32
          %dma_start3A_203 = arith.constant 0 : i32
          %dma_start3A_204 = tpu.memref_slice %arg9[%run_scoped3A_181, %dma_start3A_202, %dma_start3A_203] : memref<4x2x128xi32, #tpu.memory_space<vmem>> -> memref<1x2x128xi32, #tpu.memory_space<vmem>>
          %dma_start3A_205 = tpu.memref_squeeze %dma_start3A_204 : memref<1x2x128xi32, #tpu.memory_space<vmem>> -> memref<2x128xi32, #tpu.memory_space<vmem>>
          %dma_start3A_206 = arith.constant 0 : i32
          %dma_start3A_207 = tpu.memref_slice %arg3[%dma_start3A_206, %mul3A_180] : memref<2x320000xi32, #tpu.memory_space<hbm>> -> memref<2x128xi32, #tpu.memory_space<hbm>>
          tpu.enqueue_dma source(%dma_start3A_207 : memref<2x128xi32, #tpu.memory_space<hbm>>) target(%dma_start3A_205 : memref<2x128xi32, #tpu.memory_space<vmem>>) target_semaphore(%run_scoped3A_195 : memref<!tpu.dma_semaphore, #tpu.memory_space<semaphore_mem>>)
          %dma_wait3A = arith.constant 0 : i32
          %dma_wait3A_208 = arith.constant 0 : i32
          %dma_wait3A_209 = tpu.memref_slice %arg9[%run_scoped3A_181, %dma_wait3A, %dma_wait3A_208] : memref<4x2x128xi32, #tpu.memory_space<vmem>> -> memref<1x2x128xi32, #tpu.memory_space<vmem>>
          %dma_wait3A_210 = tpu.memref_squeeze %dma_wait3A_209 : memref<1x2x128xi32, #tpu.memory_space<vmem>> -> memref<2x128xi32, #tpu.memory_space<vmem>>
          %dma_wait3A_211 = arith.constant 0 : i32
          %dma_wait3A_212 = tpu.memref_slice %arg3[%dma_wait3A_211, %mul3A_180] : memref<2x320000xi32, #tpu.memory_space<hbm>> -> memref<2x128xi32, #tpu.memory_space<hbm>>
          %dma_wait3A_213 = arith.constant 0 : i32
          %dma_wait3A_214 = arith.constant 0 : i32
          %dma_wait3A_215 = tpu.memref_slice %arg9[%run_scoped3A_181, %dma_wait3A_213, %dma_wait3A_214] : memref<4x2x128xi32, #tpu.memory_space<vmem>> -> memref<1x2x128xi32, #tpu.memory_space<vmem>>
          %dma_wait3A_216 = tpu.memref_squeeze %dma_wait3A_215 : memref<1x2x128xi32, #tpu.memory_space<vmem>> -> memref<2x128xi32, #tpu.memory_space<vmem>>
          %dma_wait3A_217 = arith.constant 0 : i32
          %dma_wait3A_218 = tpu.memref_slice %arg3[%dma_wait3A_217, %mul3A_180] : memref<2x320000xi32, #tpu.memory_space<hbm>> -> memref<2x128xi32, #tpu.memory_space<hbm>>
          tpu.wait_dma2 semaphore(%run_scoped3A_195 : memref<!tpu.dma_semaphore, #tpu.memory_space<semaphore_mem>>) src(%dma_wait3A_218 : memref<2x128xi32, #tpu.memory_space<hbm>>) dst(%dma_wait3A_216 : memref<2x128xi32, #tpu.memory_space<vmem>>)
          tpu.yield
        }) : () -> ()
        %dma_start3A_182 = arith.constant 0 : i32
        %dma_start3A_183 = arith.constant 0 : i32
        %dma_start3A_184 = arith.constant 0 : i32
        %dma_start3A_185 = arith.constant 0 : i32
        %dma_start3A_186 = arith.constant 0 : i32
        %dma_start3A_187 = tpu.memref_slice %arg10[%dma_start3A_184, %dma_start3A_185, %dma_start3A_186] : memref<2x128x64xf32, #tpu.memory_space<vmem>> -> memref<1x128x64xf32, #tpu.memory_space<vmem>>
        %dma_start3A_188 = tpu.memref_squeeze %dma_start3A_187 : memref<1x128x64xf32, #tpu.memory_space<vmem>> -> memref<128x64xf32, #tpu.memory_space<vmem>>
        %dma_start3A_189 = arith.constant 0 : i32
        %dma_start3A_190 = tpu.memref_slice %arg9[%dma_start3A_182, %dma_start3A_183, %dma_start3A_189] : memref<4x2x128xi32, #tpu.memory_space<vmem>> -> memref<1x1x128xi32, #tpu.memory_space<vmem>>
        %dma_start3A_191 = tpu.memref_squeeze %dma_start3A_190 : memref<1x1x128xi32, #tpu.memory_space<vmem>> -> memref<128xi32, #tpu.memory_space<vmem>>
        %dma_start3A_192 = arith.constant 0 : i32
        %dma_start3A_193 = arith.constant 0 : i32
        %dma_start3A_194 = tpu.memref_slice %arg2[%dma_start3A_192, %dma_start3A_193] : memref<10000x64xf32, #tpu.memory_space<hbm>> -> memref<10000x64xf32, #tpu.memory_space<hbm>>
        tpu.enqueue_indirect_dma source(%dma_start3A_194 : memref<10000x64xf32, #tpu.memory_space<hbm>>) target(%dma_start3A_188 : memref<128x64xf32, #tpu.memory_space<vmem>>) offsets(%dma_start3A_191 : memref<128xi32, #tpu.memory_space<vmem>>) semaphore(%arg14 : memref<!tpu.dma_semaphore, #tpu.memory_space<semaphore_mem>>)
      } else {
      }
      %mul3A_171 = arith.constant 32 : i32
      %mul3A_172 = arith.muli %add3A_155, %mul3A_171 : i32
      %add3A_173 = arith.addi %add3A, %mul3A_172 : i32
      %lt3A_174 = arith.constant 2500 : i32
      %lt3A_175 = arith.cmpi slt, %add3A_173, %lt3A_174 : i32
      %convert_element_type3A_176 = arith.extui %lt3A_175 : i1 to i32
      %cond3A_177 = arith.constant 0 : i32
      %cond3A_178 = arith.cmpi ne, %convert_element_type3A_176, %cond3A_177 : i32
      scf.if %cond3A_178 {
        %dma_wait3A = arith.constant 1 : i32
        %dma_wait3A_179 = arith.constant 0 : i32
        %dma_wait3A_180 = arith.constant 0 : i32
        %dma_wait3A_181 = tpu.memref_slice %arg10[%dma_wait3A, %dma_wait3A_179, %dma_wait3A_180] : memref<2x128x64xf32, #tpu.memory_space<vmem>> -> memref<1x128x64xf32, #tpu.memory_space<vmem>>
        %dma_wait3A_182 = tpu.memref_squeeze %dma_wait3A_181 : memref<1x128x64xf32, #tpu.memory_space<vmem>> -> memref<128x64xf32, #tpu.memory_space<vmem>>
        %dma_wait3A_183 = arith.constant 0 : i32
        %dma_wait3A_184 = arith.constant 0 : i32
        %dma_wait3A_185 = tpu.memref_slice %arg2[%dma_wait3A_183, %dma_wait3A_184] : memref<10000x64xf32, #tpu.memory_space<hbm>> -> memref<128x64xf32, #tpu.memory_space<hbm>>
        %dma_wait3A_186 = arith.constant 0 : i32
        %dma_wait3A_187 = arith.constant 0 : i32
        %dma_wait3A_188 = tpu.memref_slice %arg10[%dma_wait3A, %dma_wait3A_186, %dma_wait3A_187] : memref<2x128x64xf32, #tpu.memory_space<vmem>> -> memref<1x128x64xf32, #tpu.memory_space<vmem>>
        %dma_wait3A_189 = tpu.memref_squeeze %dma_wait3A_188 : memref<1x128x64xf32, #tpu.memory_space<vmem>> -> memref<128x64xf32, #tpu.memory_space<vmem>>
        %dma_wait3A_190 = arith.constant 0 : i32
        %dma_wait3A_191 = arith.constant 0 : i32
        %dma_wait3A_192 = tpu.memref_slice %arg2[%dma_wait3A_190, %dma_wait3A_191] : memref<10000x64xf32, #tpu.memory_space<hbm>> -> memref<128x64xf32, #tpu.memory_space<hbm>>
        tpu.wait_dma2 semaphore(%arg15 : memref<!tpu.dma_semaphore, #tpu.memory_space<semaphore_mem>>) src(%dma_wait3A_192 : memref<128x64xf32, #tpu.memory_space<hbm>>) dst(%dma_wait3A_189 : memref<128x64xf32, #tpu.memory_space<vmem>>)
        %run_scoped3A_193 = arith.constant 1 : i32
        %run_scoped3A_194 = arith.constant 3 : i32
        %run_scoped3A_195 = arith.constant 1 : i32
        "tpu.region"() ({
          %run_scoped3A_204 = tpu.sem_alloc : memref<!tpu.dma_semaphore, #tpu.memory_space<semaphore_mem>>
          %dma_start3A_205 = arith.constant 0 : i32
          %dma_start3A_206 = arith.constant 0 : i32
          %dma_start3A_207 = tpu.memref_slice %arg10[%run_scoped3A_193, %dma_start3A_205, %dma_start3A_206] : memref<2x128x64xf32, #tpu.memory_space<vmem>> -> memref<1x128x64xf32, #tpu.memory_space<vmem>>
          %dma_start3A_208 = tpu.memref_squeeze %dma_start3A_207 : memref<1x128x64xf32, #tpu.memory_space<vmem>> -> memref<128x64xf32, #tpu.memory_space<vmem>>
          %dma_start3A_209 = arith.constant 0 : i32
          %dma_start3A_210 = tpu.memref_slice %arg9[%run_scoped3A_194, %run_scoped3A_195, %dma_start3A_209] : memref<4x2x128xi32, #tpu.memory_space<vmem>> -> memref<1x1x128xi32, #tpu.memory_space<vmem>>
          %dma_start3A_211 = tpu.memref_squeeze %dma_start3A_210 : memref<1x1x128xi32, #tpu.memory_space<vmem>> -> memref<128xi32, #tpu.memory_space<vmem>>
          %dma_start3A_212 = arith.constant 0 : i32
          %dma_start3A_213 = arith.constant 0 : i32
          %dma_start3A_214 = tpu.memref_slice %arg12[%dma_start3A_212, %dma_start3A_213] : memref<10016x64xf32, #tpu.memory_space<vmem_shared>> -> memref<10016x64xf32, #tpu.memory_space<vmem_shared>>
          tpu.enqueue_indirect_dma source(%dma_start3A_208 : memref<128x64xf32, #tpu.memory_space<vmem>>) target(%dma_start3A_214 : memref<10016x64xf32, #tpu.memory_space<vmem_shared>>) offsets(%dma_start3A_211 : memref<128xi32, #tpu.memory_space<vmem>>) semaphore(%run_scoped3A_204 : memref<!tpu.dma_semaphore, #tpu.memory_space<semaphore_mem>>) {add = true}
          %dma_wait3A_215 = arith.constant 0 : i32
          %dma_wait3A_216 = arith.constant 0 : i32
          %dma_wait3A_217 = tpu.memref_slice %arg10[%run_scoped3A_193, %dma_wait3A_215, %dma_wait3A_216] : memref<2x128x64xf32, #tpu.memory_space<vmem>> -> memref<1x128x64xf32, #tpu.memory_space<vmem>>
          %dma_wait3A_218 = tpu.memref_squeeze %dma_wait3A_217 : memref<1x128x64xf32, #tpu.memory_space<vmem>> -> memref<128x64xf32, #tpu.memory_space<vmem>>
          %dma_wait3A_219 = arith.constant 0 : i32
          %dma_wait3A_220 = tpu.memref_slice %arg9[%run_scoped3A_194, %run_scoped3A_195, %dma_wait3A_219] : memref<4x2x128xi32, #tpu.memory_space<vmem>> -> memref<1x1x128xi32, #tpu.memory_space<vmem>>
          %dma_wait3A_221 = tpu.memref_squeeze %dma_wait3A_220 : memref<1x1x128xi32, #tpu.memory_space<vmem>> -> memref<128xi32, #tpu.memory_space<vmem>>
          %dma_wait3A_222 = arith.constant 0 : i32
          %dma_wait3A_223 = arith.constant 0 : i32
          %dma_wait3A_224 = tpu.memref_slice %arg12[%dma_wait3A_222, %dma_wait3A_223] : memref<10016x64xf32, #tpu.memory_space<vmem_shared>> -> memref<10016x64xf32, #tpu.memory_space<vmem_shared>>
          tpu.wait_indirect_dma semaphore(%run_scoped3A_204 : memref<!tpu.dma_semaphore, #tpu.memory_space<semaphore_mem>>) src(%dma_wait3A_218 : memref<128x64xf32, #tpu.memory_space<vmem>>) dst(%dma_wait3A_224 : memref<10016x64xf32, #tpu.memory_space<vmem_shared>>)
          tpu.yield
        }) : () -> ()
        %dma_start3A_196 = arith.constant 3 : i32
        %dma_start3A_197 = arith.constant 1 : i32
        %dma_start3A_198 = arith.constant 0 : i32
        %dma_start3A_199 = tpu.memref_slice %arg9[%dma_start3A_196, %dma_start3A_197, %dma_start3A_198] : memref<4x2x128xi32, #tpu.memory_space<vmem>> -> memref<1x1x128xi32, #tpu.memory_space<vmem>>
        %dma_start3A_200 = tpu.memref_squeeze %dma_start3A_199 : memref<1x1x128xi32, #tpu.memory_space<vmem>> -> memref<128xi32, #tpu.memory_space<vmem>>
        %dma_start3A_201 = arith.constant 0 : i32
        %dma_start3A_202 = arith.constant 0 : i32
        %dma_start3A_203 = tpu.memref_slice %arg13[%dma_start3A_201, %dma_start3A_202] : memref<10016x16xf32, #tpu.memory_space<vmem_shared>> -> memref<10016x16xf32, #tpu.memory_space<vmem_shared>>
        tpu.enqueue_indirect_dma source(%arg11 : memref<128x16xf32, #tpu.memory_space<vmem>>) target(%dma_start3A_203 : memref<10016x16xf32, #tpu.memory_space<vmem_shared>>) offsets(%dma_start3A_200 : memref<128xi32, #tpu.memory_space<vmem>>) semaphore(%arg16 : memref<!tpu.dma_semaphore, #tpu.memory_space<semaphore_mem>>) {add = true}
      } else {
      }
    }
    %scan3A_22 = arith.constant 20 : i32
    %sub3A = arith.constant 2500 : i32
    %sub3A_23 = arith.subi %sub3A, %add3A : i32
    %add3A_24 = arith.constant 32 : i32
    %add3A_25 = arith.addi %sub3A_23, %add3A_24 : i32
    %sub3A_26 = arith.constant 1 : i32
    %sub3A_27 = arith.subi %add3A_25, %sub3A_26 : i32
    %jit3A = arith.constant 32 : i32
    %div3A = arith.divsi %sub3A_27, %jit3A : i32
    %sign3A = arith.constant 0 : i32
    %sign3A_28 = arith.cmpi sgt, %sub3A_27, %sign3A : i32
    %sign3A_29 = arith.extui %sign3A_28 : i1 to i32
    %sign3A_30 = arith.constant 0 : i32
    %sign3A_31 = arith.cmpi slt, %sub3A_27, %sign3A_30 : i32
    %sign3A_32 = arith.extui %sign3A_31 : i1 to i32
    %sign3A_33 = arith.subi %sign3A_29, %sign3A_32 : i32
    %sign3A_34 = arith.constant 0 : i32
    %sign3A_35 = arith.cmpi sgt, %jit3A, %sign3A_34 : i32
    %sign3A_36 = arith.extui %sign3A_35 : i1 to i32
    %sign3A_37 = arith.constant 0 : i32
    %sign3A_38 = arith.cmpi slt, %jit3A, %sign3A_37 : i32
    %sign3A_39 = arith.extui %sign3A_38 : i1 to i32
    %sign3A_40 = arith.subi %sign3A_36, %sign3A_39 : i32
    %ne3A = arith.cmpi ne, %sign3A_33, %sign3A_40 : i32
    %rem3A = arith.remsi %sub3A_27, %jit3A : i32
    %ne3A_41 = arith.constant 0 : i32
    %ne3A_42 = arith.cmpi ne, %rem3A, %ne3A_41 : i32
    %and3A = arith.andi %ne3A, %ne3A_42 : i1
    %sub3A_43 = arith.constant 1 : i32
    %sub3A_44 = arith.subi %div3A, %sub3A_43 : i32
    %select_n3A = arith.select %and3A, %sub3A_44, %div3A : i32
    %sub3A_45 = arith.constant 0 : i32
    %sub3A_46 = arith.subi %select_n3A, %sub3A_45 : i32
    %sub3A_47 = arith.constant 1 : i32
    %sub3A_48 = arith.constant 1 : i32
    %sub3A_49 = arith.subi %sub3A_47, %sub3A_48 : i32
    %add3A_50 = arith.addi %sub3A_46, %sub3A_49 : i32
    %div3A_51 = arith.constant 1 : i32
    %div3A_52 = arith.divsi %add3A_50, %div3A_51 : i32
    %while3A = arith.constant 1 : i32
    %while3A_53 = arith.constant 0 : i32
    %while3A_54 = arith.constant 0 : i32
    %while3A_55 = arith.subi %div3A_52, %while3A_54 : i32
    %while3A_56 = arith.addi %while3A_54, %while3A_55 : i32
    %while3A_57 = arith.constant 1 : i32
    %while3A_58 = arith.divsi %while3A_55, %while3A_57 : i32
    %while3A_59 = arith.muli %while3A_58, %while3A_57 : i32
    %while3A_60 = arith.addi %while3A_54, %while3A_59 : i32
    %while3A_61 = arith.constant 1 : i32
    scf.for %while3A_75 = %while3A_54 to %while3A_60 step %while3A_61  : i32 {
      %mul3A_76 = arith.muli %while3A_75, %while3A : i32
      %add3A_77 = arith.addi %while3A_53, %mul3A_76 : i32
      %dma_wait3A = arith.constant 0 : i32
      %dma_wait3A_78 = arith.constant 0 : i32
      %dma_wait3A_79 = tpu.memref_slice %arg13[%dma_wait3A, %dma_wait3A_78] : memref<10016x16xf32, #tpu.memory_space<vmem_shared>> -> memref<128x16xf32, #tpu.memory_space<vmem_shared>>
      %dma_wait3A_80 = arith.constant 0 : i32
      %dma_wait3A_81 = arith.constant 0 : i32
      %dma_wait3A_82 = tpu.memref_slice %arg13[%dma_wait3A_80, %dma_wait3A_81] : memref<10016x16xf32, #tpu.memory_space<vmem_shared>> -> memref<128x16xf32, #tpu.memory_space<vmem_shared>>
      tpu.wait_dma2 semaphore(%arg16 : memref<!tpu.dma_semaphore, #tpu.memory_space<semaphore_mem>>) src(%arg11 : memref<128x16xf32, #tpu.memory_space<vmem>>) dst(%dma_wait3A_82 : memref<128x16xf32, #tpu.memory_space<vmem_shared>>)
    }
    %while3A_62 = arith.constant 1 : i32
    scf.for %while3A_75 = %while3A_60 to %while3A_56 step %while3A_62  : i32 {
      %mul3A_76 = arith.muli %while3A_75, %while3A : i32
      %add3A_77 = arith.addi %while3A_53, %mul3A_76 : i32
      %dma_wait3A = arith.constant 0 : i32
      %dma_wait3A_78 = arith.constant 0 : i32
      %dma_wait3A_79 = tpu.memref_slice %arg13[%dma_wait3A, %dma_wait3A_78] : memref<10016x16xf32, #tpu.memory_space<vmem_shared>> -> memref<128x16xf32, #tpu.memory_space<vmem_shared>>
      %dma_wait3A_80 = arith.constant 0 : i32
      %dma_wait3A_81 = arith.constant 0 : i32
      %dma_wait3A_82 = tpu.memref_slice %arg13[%dma_wait3A_80, %dma_wait3A_81] : memref<10016x16xf32, #tpu.memory_space<vmem_shared>> -> memref<128x16xf32, #tpu.memory_space<vmem_shared>>
      tpu.wait_dma2 semaphore(%arg16 : memref<!tpu.dma_semaphore, #tpu.memory_space<semaphore_mem>>) src(%arg11 : memref<128x16xf32, #tpu.memory_space<vmem>>) dst(%dma_wait3A_82 : memref<128x16xf32, #tpu.memory_space<vmem_shared>>)
    }
    %barrier3A_63 = arith.constant 0 : index
    tpu.barrier barrier_id(%barrier3A_63)
    %mul3A_64 = arith.constant 10000 : i32
    %mul3A_65 = arith.muli %arg0, %mul3A_64 : i32
    %add3A_66 = arith.addi %mul3A_65, %mul3A_2 : i32
    "tpu.region"() ({
      %run_scoped3A_75 = tpu.sem_alloc : memref<!tpu.dma_semaphore, #tpu.memory_space<semaphore_mem>>
      %dma_start3A_76 = arith.constant 0 : i32
      %dma_start3A_77 = tpu.memref_slice %arg7[%add3A_66, %dma_start3A_76] : memref<20000x64xf32, #tpu.memory_space<hbm>> -> memref<624x64xf32, #tpu.memory_space<hbm>>
      %dma_start3A_78 = arith.constant 0 : i32
      %dma_start3A_79 = tpu.memref_slice %arg12[%mul3A_2, %dma_start3A_78] : memref<10016x64xf32, #tpu.memory_space<vmem_shared>> -> memref<624x64xf32, #tpu.memory_space<vmem_shared>>
      tpu.enqueue_dma source(%dma_start3A_79 : memref<624x64xf32, #tpu.memory_space<vmem_shared>>) target(%dma_start3A_77 : memref<624x64xf32, #tpu.memory_space<hbm>>) target_semaphore(%run_scoped3A_75 : memref<!tpu.dma_semaphore, #tpu.memory_space<semaphore_mem>>)
      %dma_wait3A = arith.constant 0 : i32
      %dma_wait3A_80 = tpu.memref_slice %arg7[%add3A_66, %dma_wait3A] : memref<20000x64xf32, #tpu.memory_space<hbm>> -> memref<624x64xf32, #tpu.memory_space<hbm>>
      %dma_wait3A_81 = arith.constant 0 : i32
      %dma_wait3A_82 = tpu.memref_slice %arg12[%mul3A_2, %dma_wait3A_81] : memref<10016x64xf32, #tpu.memory_space<vmem_shared>> -> memref<624x64xf32, #tpu.memory_space<vmem_shared>>
      tpu.wait_dma2 semaphore(%run_scoped3A_75 : memref<!tpu.dma_semaphore, #tpu.memory_space<semaphore_mem>>) src(%dma_wait3A_82 : memref<624x64xf32, #tpu.memory_space<vmem_shared>>) dst(%dma_wait3A_80 : memref<624x64xf32, #tpu.memory_space<hbm>>)
      tpu.yield
    }) : () -> ()
    %mul3A_67 = arith.constant 10000 : i32
    %mul3A_68 = arith.muli %arg0, %mul3A_67 : i32
    %add3A_69 = arith.addi %mul3A_68, %mul3A_2 : i32
    "tpu.region"() ({
      %run_scoped3A_75 = tpu.sem_alloc : memref<!tpu.dma_semaphore, #tpu.memory_space<semaphore_mem>>
      %dma_start3A_76 = arith.constant 0 : i32
      %dma_start3A_77 = tpu.memref_slice %arg8[%add3A_69, %dma_start3A_76] : memref<20000x16xf32, #tpu.memory_space<hbm>> -> memref<624x16xf32, #tpu.memory_space<hbm>>
      %dma_start3A_78 = arith.constant 0 : i32
      %dma_start3A_79 = tpu.memref_slice %arg13[%mul3A_2, %dma_start3A_78] : memref<10016x16xf32, #tpu.memory_space<vmem_shared>> -> memref<624x16xf32, #tpu.memory_space<vmem_shared>>
      tpu.enqueue_dma source(%dma_start3A_79 : memref<624x16xf32, #tpu.memory_space<vmem_shared>>) target(%dma_start3A_77 : memref<624x16xf32, #tpu.memory_space<hbm>>) target_semaphore(%run_scoped3A_75 : memref<!tpu.dma_semaphore, #tpu.memory_space<semaphore_mem>>)
      %dma_wait3A = arith.constant 0 : i32
      %dma_wait3A_80 = tpu.memref_slice %arg8[%add3A_69, %dma_wait3A] : memref<20000x16xf32, #tpu.memory_space<hbm>> -> memref<624x16xf32, #tpu.memory_space<hbm>>
      %dma_wait3A_81 = arith.constant 0 : i32
      %dma_wait3A_82 = tpu.memref_slice %arg13[%mul3A_2, %dma_wait3A_81] : memref<10016x16xf32, #tpu.memory_space<vmem_shared>> -> memref<624x16xf32, #tpu.memory_space<vmem_shared>>
      tpu.wait_dma2 semaphore(%run_scoped3A_75 : memref<!tpu.dma_semaphore, #tpu.memory_space<semaphore_mem>>) src(%dma_wait3A_82 : memref<624x16xf32, #tpu.memory_space<vmem_shared>>) dst(%dma_wait3A_80 : memref<624x16xf32, #tpu.memory_space<hbm>>)
      tpu.yield
    }) : () -> ()
    %eq3A_70 = arith.constant 0 : i32
    %eq3A_71 = arith.cmpi eq, %arg1, %eq3A_70 : i32
    %convert_element_type3A_72 = arith.extui %eq3A_71 : i1 to i32
    %cond3A_73 = arith.constant 0 : i32
    %cond3A_74 = arith.cmpi ne, %convert_element_type3A_72, %cond3A_73 : i32
    scf.if %cond3A_74 {
      %mul3A_75 = arith.constant 10000 : i32
      %mul3A_76 = arith.muli %arg0, %mul3A_75 : i32
      %add3A_77 = arith.constant 9984 : i32
      %add3A_78 = arith.addi %mul3A_76, %add3A_77 : i32
      "tpu.region"() ({
        %run_scoped3A_83 = tpu.sem_alloc : memref<!tpu.dma_semaphore, #tpu.memory_space<semaphore_mem>>
        %dma_start3A_84 = arith.constant 0 : i32
        %dma_start3A_85 = tpu.memref_slice %arg7[%add3A_78, %dma_start3A_84] : memref<20000x64xf32, #tpu.memory_space<hbm>> -> memref<16x64xf32, #tpu.memory_space<hbm>>
        %dma_start3A_86 = arith.constant 9984 : i32
        %dma_start3A_87 = arith.constant 0 : i32
        %dma_start3A_88 = tpu.memref_slice %arg12[%dma_start3A_86, %dma_start3A_87] : memref<10016x64xf32, #tpu.memory_space<vmem_shared>> -> memref<16x64xf32, #tpu.memory_space<vmem_shared>>
        tpu.enqueue_dma source(%dma_start3A_88 : memref<16x64xf32, #tpu.memory_space<vmem_shared>>) target(%dma_start3A_85 : memref<16x64xf32, #tpu.memory_space<hbm>>) target_semaphore(%run_scoped3A_83 : memref<!tpu.dma_semaphore, #tpu.memory_space<semaphore_mem>>)
        %dma_wait3A = arith.constant 0 : i32
        %dma_wait3A_89 = tpu.memref_slice %arg7[%add3A_78, %dma_wait3A] : memref<20000x64xf32, #tpu.memory_space<hbm>> -> memref<16x64xf32, #tpu.memory_space<hbm>>
        %dma_wait3A_90 = arith.constant 9984 : i32
        %dma_wait3A_91 = arith.constant 0 : i32
        %dma_wait3A_92 = tpu.memref_slice %arg12[%dma_wait3A_90, %dma_wait3A_91] : memref<10016x64xf32, #tpu.memory_space<vmem_shared>> -> memref<16x64xf32, #tpu.memory_space<vmem_shared>>
        tpu.wait_dma2 semaphore(%run_scoped3A_83 : memref<!tpu.dma_semaphore, #tpu.memory_space<semaphore_mem>>) src(%dma_wait3A_92 : memref<16x64xf32, #tpu.memory_space<vmem_shared>>) dst(%dma_wait3A_89 : memref<16x64xf32, #tpu.memory_space<hbm>>)
        tpu.yield
      }) : () -> ()
      %mul3A_79 = arith.constant 10000 : i32
      %mul3A_80 = arith.muli %arg0, %mul3A_79 : i32
      %add3A_81 = arith.constant 9984 : i32
      %add3A_82 = arith.addi %mul3A_80, %add3A_81 : i32
      "tpu.region"() ({
        %run_scoped3A_83 = tpu.sem_alloc : memref<!tpu.dma_semaphore, #tpu.memory_space<semaphore_mem>>
        %dma_start3A_84 = arith.constant 0 : i32
        %dma_start3A_85 = tpu.memref_slice %arg8[%add3A_82, %dma_start3A_84] : memref<20000x16xf32, #tpu.memory_space<hbm>> -> memref<16x16xf32, #tpu.memory_space<hbm>>
        %dma_start3A_86 = arith.constant 9984 : i32
        %dma_start3A_87 = arith.constant 0 : i32
        %dma_start3A_88 = tpu.memref_slice %arg13[%dma_start3A_86, %dma_start3A_87] : memref<10016x16xf32, #tpu.memory_space<vmem_shared>> -> memref<16x16xf32, #tpu.memory_space<vmem_shared>>
        tpu.enqueue_dma source(%dma_start3A_88 : memref<16x16xf32, #tpu.memory_space<vmem_shared>>) target(%dma_start3A_85 : memref<16x16xf32, #tpu.memory_space<hbm>>) target_semaphore(%run_scoped3A_83 : memref<!tpu.dma_semaphore, #tpu.memory_space<semaphore_mem>>)
        %dma_wait3A = arith.constant 0 : i32
        %dma_wait3A_89 = tpu.memref_slice %arg8[%add3A_82, %dma_wait3A] : memref<20000x16xf32, #tpu.memory_space<hbm>> -> memref<16x16xf32, #tpu.memory_space<hbm>>
        %dma_wait3A_90 = arith.constant 9984 : i32
        %dma_wait3A_91 = arith.constant 0 : i32
        %dma_wait3A_92 = tpu.memref_slice %arg13[%dma_wait3A_90, %dma_wait3A_91] : memref<10016x16xf32, #tpu.memory_space<vmem_shared>> -> memref<16x16xf32, #tpu.memory_space<vmem_shared>>
        tpu.wait_dma2 semaphore(%run_scoped3A_83 : memref<!tpu.dma_semaphore, #tpu.memory_space<semaphore_mem>>) src(%dma_wait3A_92 : memref<16x16xf32, #tpu.memory_space<vmem_shared>>) dst(%dma_wait3A_89 : memref<16x16xf32, #tpu.memory_space<hbm>>)
        tpu.yield
      }) : () -> ()
    } else {
    }
    return
  }
}

module attributes {stable_mosaic.version = 14 : i64} {
  func.func @_mm_body(%arg0: memref<10000x128xf32, #tpu.memory_space<vmem>>, %arg1: memref<128x64xf32, #tpu.memory_space<vmem>>, %arg2: memref<128x64xf32, #tpu.memory_space<vmem>>, %arg3: memref<10000x64xf32, #tpu.memory_space<vmem>>, %arg4: memref<10000x64xf32, #tpu.memory_space<vmem>>) attributes {dimension_semantics = [], scalar_prefetch = 0 : i64, scratch_operands = 0 : i64, tpu.core_type = #tpu.core_type<tc>} {
    %get3A = arith.constant 0 : index
    %get3A_0 = arith.constant 0 : index
    %get3A_1 = vector.load %arg0[%get3A, %get3A_0] : memref<10000x128xf32, #tpu.memory_space<vmem>>, vector<10000x128xf32>
    %get3A_2 = arith.constant 0 : index
    %get3A_3 = arith.constant 0 : index
    %get3A_4 = vector.load %arg1[%get3A_2, %get3A_3] : memref<128x64xf32, #tpu.memory_space<vmem>>, vector<128x64xf32>
    %dot_general3A = arith.constant dense<0.000000e+00> : vector<10000x64xf32>
    %dot_general3A_5 = tpu.matmul %get3A_1, %get3A_4, %dot_general3A {dimension_numbers = #tpu.dot_dimension_numbers<[1], [0], [0], [1], [0, 0, 1, 1], [], []>, transpose_lhs_hint = false} : vector<10000x128xf32>, vector<128x64xf32>, vector<10000x64xf32> -> vector<10000x64xf32>
    %swap3A = arith.constant 0 : index
    %swap3A_6 = arith.constant 0 : index
    %swap3A_7 = vector.load %arg3[%swap3A, %swap3A_6] : memref<10000x64xf32, #tpu.memory_space<vmem>>, vector<10000x64xf32>
    tpu.vector_store %arg3[%swap3A, %swap3A_6], %dot_general3A_5 {strides = array<i32>} : memref<10000x64xf32, #tpu.memory_space<vmem>>, vector<10000x64xf32>,
    %get3A_8 = arith.constant 0 : index
    %get3A_9 = arith.constant 0 : index
    %get3A_10 = vector.load %arg2[%get3A_8, %get3A_9] : memref<128x64xf32, #tpu.memory_space<vmem>>, vector<128x64xf32>
    %dot_general3A_11 = arith.constant dense<0.000000e+00> : vector<10000x64xf32>
    %dot_general3A_12 = tpu.matmul %get3A_1, %get3A_10, %dot_general3A_11 {dimension_numbers = #tpu.dot_dimension_numbers<[1], [0], [0], [1], [0, 0, 1, 1], [], []>, transpose_lhs_hint = false} : vector<10000x128xf32>, vector<128x64xf32>, vector<10000x64xf32> -> vector<10000x64xf32>
    %swap3A_13 = arith.constant 0 : index
    %swap3A_14 = arith.constant 0 : index
    %swap3A_15 = vector.load %arg4[%swap3A_13, %swap3A_14] : memref<10000x64xf32, #tpu.memory_space<vmem>>, vector<10000x64xf32>
    tpu.vector_store %arg4[%swap3A_13, %swap3A_14], %dot_general3A_12 {strides = array<i32>} : memref<10000x64xf32, #tpu.memory_space<vmem>>, vector<10000x64xf32>,
    return
  }
}

module attributes {stable_mosaic.version = 14 : i64} {
  func.func @body(%arg0: memref<20000x64xf32, #tpu.memory_space<vmem>>, %arg1: memref<20000x16xf32, #tpu.memory_space<vmem>>, %arg2: memref<10000x64xf32, #tpu.memory_space<vmem>>, %arg3: memref<1x64xf32, #tpu.memory_space<vmem>>, %arg4: memref<10000x64xf32, #tpu.memory_space<vmem>>) attributes {dimension_semantics = [], scalar_prefetch = 0 : i64, scratch_operands = 0 : i64, tpu.core_type = #tpu.core_type<tc>} {
    %get3A = arith.constant 0 : index
    %get3A_0 = arith.constant 0 : index
    %get3A_1 = vector.load %arg0[%get3A, %get3A_0] : memref<20000x64xf32, #tpu.memory_space<vmem>>, vector<20000x64xf32>
    %get3A_2 = arith.constant 0 : index
    %get3A_3 = arith.constant 0 : index
    %get3A_4 = vector.load %arg1[%get3A_2, %get3A_3] : memref<20000x16xf32, #tpu.memory_space<vmem>>, vector<20000x16xf32>
    %slice3A = vector.extract_strided_slice %get3A_1 {offsets = [0, 0], sizes = [10000, 64], strides = [1, 1]} : vector<20000x64xf32> to vector<10000x64xf32>
    %slice3A_5 = vector.extract_strided_slice %get3A_1 {offsets = [10000, 0], sizes = [10000, 64], strides = [1, 1]} : vector<20000x64xf32> to vector<10000x64xf32>
    %add3A = arith.addf %slice3A, %slice3A_5 : vector<10000x64xf32>
    %slice3A_6 = vector.extract_strided_slice %get3A_4 {offsets = [0, 0], sizes = [10000, 1], strides = [1, 1]} : vector<20000x16xf32> to vector<10000x1xf32>
    %slice3A_7 = vector.extract_strided_slice %get3A_4 {offsets = [10000, 0], sizes = [10000, 1], strides = [1, 1]} : vector<20000x16xf32> to vector<10000x1xf32>
    %add3A_8 = arith.addf %slice3A_6, %slice3A_7 : vector<10000x1xf32>
    %max3A = arith.constant 1.000000e+00 : f32
    %max3A_9 = vector.broadcast %max3A : f32 to vector<10000x1xf32>
    %max3A_10 = arith.maximumf %add3A_8, %max3A_9 : vector<10000x1xf32>
    %div3A = vector.broadcast %max3A_10 : vector<10000x1xf32> to vector<10000x64xf32>
    %div3A_11 = arith.divf %add3A, %div3A : vector<10000x64xf32>
    %get3A_12 = arith.constant 0 : index
    %get3A_13 = arith.constant 0 : index
    %get3A_14 = vector.load %arg3[%get3A_12, %get3A_13] : memref<1x64xf32, #tpu.memory_space<vmem>>, vector<1x64xf32>
    %add3A_15 = vector.broadcast %get3A_14 : vector<1x64xf32> to vector<10000x64xf32>
    %add3A_16 = arith.addf %div3A_11, %add3A_15 : vector<10000x64xf32>
    %get3A_17 = arith.constant 0 : index
    %get3A_18 = arith.constant 0 : index
    %get3A_19 = vector.load %arg2[%get3A_17, %get3A_18] : memref<10000x64xf32, #tpu.memory_space<vmem>>, vector<10000x64xf32>
    %add3A_20 = arith.addf %add3A_16, %get3A_19 : vector<10000x64xf32>
    %max3A_21 = arith.constant 0.000000e+00 : f32
    %max3A_22 = vector.broadcast %max3A_21 : f32 to vector<10000x64xf32>
    %max3A_23 = arith.maximumf %add3A_20, %max3A_22 : vector<10000x64xf32>
    %swap3A = arith.constant 0 : index
    %swap3A_24 = arith.constant 0 : index
    %swap3A_25 = vector.load %arg4[%swap3A, %swap3A_24] : memref<10000x64xf32, #tpu.memory_space<vmem>>, vector<10000x64xf32>
    tpu.vector_store %arg4[%swap3A, %swap3A_24], %max3A_23 {strides = array<i32>} : memref<10000x64xf32, #tpu.memory_space<vmem>>, vector<10000x64xf32>,
    return
  }
}

module attributes {stable_mosaic.version = 14 : i64} {
  func.func @body(%arg0: memref<20000x64xf32, #tpu.memory_space<vmem>>, %arg1: memref<20000x16xf32, #tpu.memory_space<vmem>>, %arg2: memref<10000x64xf32, #tpu.memory_space<vmem>>, %arg3: memref<64x128xf32, #tpu.memory_space<vmem>>, %arg4: memref<64x128xf32, #tpu.memory_space<vmem>>, %arg5: memref<1x128xf32, #tpu.memory_space<vmem>>, %arg6: memref<10000x128xf32, #tpu.memory_space<vmem>>) attributes {dimension_semantics = [], scalar_prefetch = 0 : i64, scratch_operands = 0 : i64, tpu.core_type = #tpu.core_type<tc>} {
    %get3A = arith.constant 0 : index
    %get3A_0 = arith.constant 0 : index
    %get3A_1 = vector.load %arg0[%get3A, %get3A_0] : memref<20000x64xf32, #tpu.memory_space<vmem>>, vector<20000x64xf32>
    %get3A_2 = arith.constant 0 : index
    %get3A_3 = arith.constant 0 : index
    %get3A_4 = vector.load %arg1[%get3A_2, %get3A_3] : memref<20000x16xf32, #tpu.memory_space<vmem>>, vector<20000x16xf32>
    %slice3A = vector.extract_strided_slice %get3A_1 {offsets = [0, 0], sizes = [10000, 64], strides = [1, 1]} : vector<20000x64xf32> to vector<10000x64xf32>
    %slice3A_5 = vector.extract_strided_slice %get3A_1 {offsets = [10000, 0], sizes = [10000, 64], strides = [1, 1]} : vector<20000x64xf32> to vector<10000x64xf32>
    %add3A = arith.addf %slice3A, %slice3A_5 : vector<10000x64xf32>
    %slice3A_6 = vector.extract_strided_slice %get3A_4 {offsets = [0, 0], sizes = [10000, 1], strides = [1, 1]} : vector<20000x16xf32> to vector<10000x1xf32>
    %slice3A_7 = vector.extract_strided_slice %get3A_4 {offsets = [10000, 0], sizes = [10000, 1], strides = [1, 1]} : vector<20000x16xf32> to vector<10000x1xf32>
    %add3A_8 = arith.addf %slice3A_6, %slice3A_7 : vector<10000x1xf32>
    %max3A = arith.constant 1.000000e+00 : f32
    %max3A_9 = vector.broadcast %max3A : f32 to vector<10000x1xf32>
    %max3A_10 = arith.maximumf %add3A_8, %max3A_9 : vector<10000x1xf32>
    %div3A = vector.broadcast %max3A_10 : vector<10000x1xf32> to vector<10000x64xf32>
    %div3A_11 = arith.divf %add3A, %div3A : vector<10000x64xf32>
    %get3A_12 = arith.constant 0 : index
    %get3A_13 = arith.constant 0 : index
    %get3A_14 = vector.load %arg3[%get3A_12, %get3A_13] : memref<64x128xf32, #tpu.memory_space<vmem>>, vector<64x128xf32>
    %dot_general3A = arith.constant dense<0.000000e+00> : vector<10000x128xf32>
    %dot_general3A_15 = tpu.matmul %div3A_11, %get3A_14, %dot_general3A {dimension_numbers = #tpu.dot_dimension_numbers<[1], [0], [0], [1], [0, 0, 1, 1], [], []>, transpose_lhs_hint = false} : vector<10000x64xf32>, vector<64x128xf32>, vector<10000x128xf32> -> vector<10000x128xf32>
    %get3A_16 = arith.constant 0 : index
    %get3A_17 = arith.constant 0 : index
    %get3A_18 = vector.load %arg2[%get3A_16, %get3A_17] : memref<10000x64xf32, #tpu.memory_space<vmem>>, vector<10000x64xf32>
    %get3A_19 = arith.constant 0 : index
    %get3A_20 = arith.constant 0 : index
    %get3A_21 = vector.load %arg4[%get3A_19, %get3A_20] : memref<64x128xf32, #tpu.memory_space<vmem>>, vector<64x128xf32>
    %dot_general3A_22 = arith.constant dense<0.000000e+00> : vector<10000x128xf32>
    %dot_general3A_23 = tpu.matmul %get3A_18, %get3A_21, %dot_general3A_22 {dimension_numbers = #tpu.dot_dimension_numbers<[1], [0], [0], [1], [0, 0, 1, 1], [], []>, transpose_lhs_hint = false} : vector<10000x64xf32>, vector<64x128xf32>, vector<10000x128xf32> -> vector<10000x128xf32>
    %add3A_24 = arith.addf %dot_general3A_15, %dot_general3A_23 : vector<10000x128xf32>
    %get3A_25 = arith.constant 0 : index
    %get3A_26 = arith.constant 0 : index
    %get3A_27 = vector.load %arg5[%get3A_25, %get3A_26] : memref<1x128xf32, #tpu.memory_space<vmem>>, vector<1x128xf32>
    %add3A_28 = vector.broadcast %get3A_27 : vector<1x128xf32> to vector<10000x128xf32>
    %add3A_29 = arith.addf %add3A_24, %add3A_28 : vector<10000x128xf32>
    %reduce_max3A = arith.constant dense<0xFF800000> : vector<10000xf32>
    %reduce_max3A_30 = vector.multi_reduction <maximumf>, %add3A_29, %reduce_max3A [1] : vector<10000x128xf32> to vector<10000xf32>
    %broadcast_in_dim3A = vector.shape_cast %reduce_max3A_30 : vector<10000xf32> to vector<10000x1xf32>
    %sub3A = vector.broadcast %broadcast_in_dim3A : vector<10000x1xf32> to vector<10000x128xf32>
    %sub3A_31 = arith.subf %add3A_29, %sub3A : vector<10000x128xf32>
    %exp3A = math.exp %sub3A_31 : vector<10000x128xf32>
    %reduce_sum3A = arith.constant dense<0.000000e+00> : vector<10000xf32>
    %reduce_sum3A_32 = vector.multi_reduction <add>, %exp3A, %reduce_sum3A [1] : vector<10000x128xf32> to vector<10000xf32>
    %broadcast_in_dim3A_33 = vector.shape_cast %reduce_sum3A_32 : vector<10000xf32> to vector<10000x1xf32>
    %log3A = math.log %broadcast_in_dim3A_33 : vector<10000x1xf32>
    %add3A_34 = arith.addf %log3A, %broadcast_in_dim3A : vector<10000x1xf32>
    %sub3A_35 = vector.broadcast %add3A_34 : vector<10000x1xf32> to vector<10000x128xf32>
    %sub3A_36 = arith.subf %add3A_29, %sub3A_35 : vector<10000x128xf32>
    %swap3A = arith.constant 0 : index
    %swap3A_37 = arith.constant 0 : index
    %swap3A_38 = vector.load %arg6[%swap3A, %swap3A_37] : memref<10000x128xf32, #tpu.memory_space<vmem>>, vector<10000x128xf32>
    tpu.vector_store %arg6[%swap3A, %swap3A_37], %sub3A_36 {strides = array<i32>} : memref<10000x128xf32, #tpu.memory_space<vmem>>, vector<10000x128xf32>,
    return
  }
}

</mosaic_0001>

<sc_bundles>
// kernel: kernel.10.cloned.1.call-start
scs
__scs_entry_jumppad:
0x0: {  	(pc) =	sbr.rel $0x88, $3  }
0x1: {  	(tag) =	ssettag $0x0;
	lr =	simm.s32 $0x1  }
0x2: {  	[smem:$0x3F99] =	sst lr;
	_ =	strace $0xD0000000  }
0x3: {  	_ = 	snop  }
0x4: {  	_ = 	snop  }
0x5: {  	_ = 	snop  }
0x6: {  	_ = 	snop  }
0x7: {  	_ = 	snop  }
__scs_overlays_trampoline_lowered:
0x8: {  	[smem:$0x3FA8] =	sst s0  }
0x9: {  	[smem:$0x3FA9] =	sst s1  }
0xa: {  	[smem:$0x3FAA] =	sst s2  }
0xb: {  	[smem:$0x3FAB] =	sst s3  }
0xc: {  	[smem:$0x3FAC] =	sst s4  }
0xd: {  	[smem:$0x3FAD] =	sst s5  }
0xe: {  	[smem:$0x3FAE] =	sst s6  }
0xf: {  	[smem:$0x3FAF] =	sst s7  }
0x10: {  	[smem:$0x3FB0] =	sst s8  }
0x11: {  	[smem:$0x3FB1] =	sst s9;
	s0 =	simm.s32 @!p0 $0x0  }
0x12: {  	s1 =	sld [smem:$0x3F97];
	s0 =	simm.s32 @p0 $0x1  }
0x13: {  	[smem:$0x3FB2] =	sst s0;
	s0 =	simm.s32 @!p1 $0x0  }
0x14: {  	s2 =	sld [smem:$0x3F96];
	s0 =	simm.s32 @p1 $0x1  }
0x15: {  	[smem:$0x3FB3] =	sst s0;
	s0 =	simm.s32 @!p2 $0x0  }
0x16: {  	s3 =	sld [smem:$0x3FDB];
	s0 =	simm.s32 @p2 $0x1  }
0x17: {  	s4 =	simm.s32 $0x1BF5;
	[smem:$0x3FB5] =	sst s0  }
0x18: {  	s0 =	sld [smem:$0x3F98];
	_ =	swait.ge [sflag:s4], $0x0  }
0x19: {  	s7 =	sld [smem:$0x3F99]  }
0x1a: {  	s8 =	sadd.s32 $0xFFFFE003, lr  }
0x1b: {  	s9 =	sadd.s32 $0xFFFFFEF7, lr;
	s5 =	simm.s32 $0xFFFFFFFF;
	p2 =	slt.u32 s8, $0xFFFFF086  }
0x1c: {  	p1 =	slt.u32 s9, $0xF7A;
	s5 =	simm.s32 @!p2 $0x0  }
0x1d: {  	s5 =	simm.s32 @p1 $0x1;
	p0 =	seq.s32 s7, s2  }
0x1e: {  	s7 =	smul.u32 @!p0 $0xF7A, s2;
	p2 =	seq.s32 @!p0 s5, $0x0  }
0x1f: {  	s9 =	smul.u32 $0xF7A, s1;
	s8 =	simm.s32 @!p0 $0x1BF5;
	p2 =	por !p2, p0  }
0x20: {  	[sflag:s8] =	ssyncset.s32 @!p0 $0xFFFFF086;
	s6 =	sadd.s32 @!p0 s3, s7;
	s7 =	simm.s32 @!p0 $0x108  }
0x21: {  	s3 =	sadd.s32 s3, s9;
	s6 =	sadd.s32 @!p0 $0x88, s6;
	s7 =	simm.s32 @p2 $0x1082  }
0x22: {  	[simem:s7], [sflag:s8] =	dma.local @!p0 [hbm:s6], $0xF7A  }
0x23: {  	s9 =	sor.u32 $0xD0000000, s2;
	s6 =	simm.s32 $0x108;
	_ =	swait.ge @!p0 [sflag:s8], $0x0  }
0x24: {  	s3 =	sadd.s32 $0x88, s3;
	s6 =	simm.s32 @!p1 $0x1082;
	[sflag:s4] =	ssyncset.s32 $0xFFFFF086  }
0x25: {  	[simem:s6], [sflag:s4] =	dma.local [hbm:s3], $0xF7A  }
0x26: {  	[smem:$0x3F99] =	sst s1;
	(tag) =	ssettag s2;
	_ =	strace s9  }
0x27: {  	s1 =	sld [smem:$0x3FA9]  }
0x28: {  	s2 =	sld [smem:$0x3FAA]  }
0x29: {  	s4 =	sld [smem:$0x3FAC]  }
0x2a: {  	p0 =	seq.s32 s5, $0x0;
	s5 =	sld [smem:$0x3FAD]  }
0x2b: {  	s6 =	sld [smem:$0x3FAE]  }
0x2c: {  	s7 =	sld [smem:$0x3FAF]  }
0x2d: {  	s3 =	simm.s32 $0x108;
	s8 =	sld [smem:$0x3FB0]  }
0x2e: {  	s3 =	simm.s32 @!p0 $0x1082;
	s9 =	sld [smem:$0x3FB1]  }
0x2f: {  	lr =	sadd.s32 s0, s3;
	s0 =	sld [smem:$0x3FA8]  }
0x30: {  	s3 =	sld [smem:$0x3FAB]  }
0x31: {  	[smem:$0x3FB4] =	sst s10  }
0x32: {  	s10 =	sld [smem:$0x3FB2];
	_ =	sdelay $0x3  }
0x33: {  	p0 =	seq.s32 s10, $0x1;
	s10 =	sld [smem:$0x3FB4];
	_ =	sdelay $0x3  }
0x34: {  	[smem:$0x3FB4] =	sst s10  }
0x35: {  	s10 =	sld [smem:$0x3FB3];
	_ =	sdelay $0x3  }
0x36: {  	p1 =	seq.s32 s10, $0x1;
	s10 =	sld [smem:$0x3FB4];
	_ =	sdelay $0x3  }
0x37: {  	[smem:$0x3FB4] =	sst s10  }
0x38: {  	s10 =	sld [smem:$0x3FB5]  }
0x39: {  	_ = 	snop;
	(pc) =	sbr.ind lr, $3  }
0x3a: {  	_ = 	snop  }
0x3b: {  	_ = 	snop  }
0x3c: {  	p2 =	seq.s32 s10, $0x1;
	s10 =	sld [smem:$0x3FB4]  }
0x3d: {  	_ =	shalt  }
0x3e: {  	_ =	shalt  }
0x3f: {  	_ =	shalt  }
0x40: {  	_ =	shalt  }
0x41: {  	_ =	shalt  }
0x42: {  	_ =	shalt  }
0x43: {  	_ =	shalt  }
0x44: {  	_ =	shalt  }
0x45: {  	_ =	shalt  }
0x46: {  	_ =	shalt  }
0x47: {  	_ =	shalt  }
0x48: {  	_ =	shalt  }
0x49: {  	_ =	shalt  }
0x4a: {  	_ =	shalt  }
0x4b: {  	_ =	shalt  }
0x4c: {  	_ =	shalt  }
0x4d: {  	_ =	shalt  }
0x4e: {  	_ =	shalt  }
0x4f: {  	_ =	shalt  }
0x50: {  	_ =	shalt  }
0x51: {  	_ =	shalt  }
0x52: {  	_ =	shalt  }
0x53: {  	_ =	shalt  }
0x54: {  	_ =	shalt  }
0x55: {  	_ =	shalt  }
0x56: {  	_ =	shalt  }
0x57: {  	_ =	shalt  }
0x58: {  	_ =	shalt  }
0x59: {  	_ =	shalt  }
0x5a: {  	_ =	shalt  }
0x5b: {  	_ =	shalt  }
0x5c: {  	_ =	shalt  }
0x5d: {  	_ =	shalt  }
0x5e: {  	_ =	shalt  }
0x5f: {  	_ =	shalt  }
0x60: {  	_ =	shalt  }
0x61: {  	_ =	shalt  }
0x62: {  	_ =	shalt  }
0x63: {  	_ =	shalt  }
0x64: {  	_ =	shalt  }
0x65: {  	_ =	shalt  }
0x66: {  	_ =	shalt  }
0x67: {  	_ =	shalt  }
0x68: {  	_ =	shalt  }
0x69: {  	_ =	shalt  }
0x6a: {  	_ =	shalt  }
0x6b: {  	_ =	shalt  }
0x6c: {  	_ =	shalt  }
0x6d: {  	_ =	shalt  }
0x6e: {  	_ =	shalt  }
0x6f: {  	_ =	shalt  }
0x70: {  	_ =	shalt  }
0x71: {  	_ =	shalt  }
0x72: {  	_ =	shalt  }
0x73: {  	_ =	shalt  }
0x74: {  	_ =	shalt  }
0x75: {  	_ =	shalt  }
0x76: {  	_ =	shalt  }
0x77: {  	_ =	shalt  }
0x78: {  	_ =	shalt  }
0x79: {  	_ =	shalt  }
0x7a: {  	_ =	shalt  }
0x7b: {  	_ =	shalt  }
0x7c: {  	_ =	shalt  }
0x7d: {  	_ =	shalt  }
0x7e: {  	_ =	shalt  }
0x7f: {  	_ =	shalt  }
0x80: {  	_ =	shalt  }
0x81: {  	_ =	shalt  }
0x82: {  	_ =	shalt  }
0x83: {  	_ =	shalt  }
0x84: {  	_ =	shalt  }
0x85: {  	_ =	shalt  }
0x86: {  	_ =	shalt  }
0x87: {  	_ =	shalt  }
.Lfunc_end0:
.L_simem_size_0:
called_computation.1_lowered:
.L_overlay_start_0:
0x88: {  	s2 =	sld [smem:$0x3FD9]  }
0x89: {  	s3 =	sld [smem:$0x3FFE];
	_ =	sdelay $0x1  }
0x8a: {  	s1 =	srdreg.scid  }
0x8b: {  	s0 =	sand.u32 $0x1, s1  }
0x8c: {  	s17 =	sshll.u32 s0, $0xA;
	s2 =	sadd.s32 s3, s2  }
0x8d: {  	s2 =	sadd.s32 s2, s17  }
0x8e: {  	[smem:$0x3FC0] =	sst s2  }
0x8f: {  	_ = 	snop  }
0x90: {  	s2 =	sld [smem:$0x3FD0];
	(tm) =	ssettm $0x1  }
0x91: {  	s18 =	sld [smem:$0x3FFB];
	_ =	sdelay $0x3  }
0x92: {  	_ =	strace s18  }
0x93: {  	s3 =	sld [smem:$0x3FFC];
	_ =	sdelay $0x3  }
0x94: {  	_ =	strace s3  }
0x95: {  	s3 =	sld [smem:$0x3FFD];
	_ =	sdelay $0x3  }
0x96: {  	_ =	strace s3  }
0x97: {  	_ =	strace $0x8FFFFFFF  }
0x98: {  	s19 =	sld [smem:$0x3FDB];
	_ =	sdelay $0x1  }
0x99: {  	s4 =	simm.s32 $_scs_section_size  }
0x9a: {  	s5 =	simm.s32 $_size__tile_overlayer_lowered;
	s6 =	simm.s32 $_tile_overlayer_lowered  }
0x9b: {  	s22 =	simm.s32 $0x1BFF;
	s21 =	sshll.u32 s6, $0x1;
	s3 =	sadd.s32 s4, s19  }
0x9c: {  	s7 =	simm.s32 $0x0;
	s20 =	sshll.u32 s5, $0x1;
	s5 =	sadd.s32 s21, s3  }
0x9d: {  	[timem:s7], [sflag:s22] =	dma.local [hbm:s5], s20  }
0x9e: {  	_ =	swait.ge [sflag:s22], s20  }
0x9f: {  	s4 =	ssub.s32 $0x0, s20;
	[sflag:s22] =	ssyncset.done $0x0  }
0xa0: {  	[sflag:s22] =	ssyncadd.s32 s4;
	_ =	sdelay $0x1  }
0xa1: {  	s23 =	simm.s32 $0x1B8B  }
0xa2: {  	_ =	swait.ge [sflag:s23], $0x1  }
0xa3: {  	[sflag:s23] =	ssyncset.done $0x0  }
0xa4: {  	s25 =	simm.s32 $0x1B8E;
	s24 =	sld [smem:$0x3FFE];
	[sflag:s23] =	ssyncadd.s32 $0xFFFFFFFF  }
0xa5: {  	s26 =	simm.s32 $execute0_lowered;
	[smem:$0x3FD2] =	sst s25  }
0xa6: {  	s5 =	sshll.u32 s26, $0x1;
	_ =	strace $0x80000049;
	[dreg:$0x1] =	wrdreg $0xFFFFFFFF  }
0xa7: {  	s28 =	simm.s32 $_size_execute0_lowered;
	s3 =	sadd.s32 s3, s5;
	[dreg:$0x0] =	wrdreg $0x0  }
0xa8: {  	s5 =	sshll.u32 s28, $0x1;
	[dreg:$0x2] =	wrdreg s3  }
0xa9: {  	[dreg:$0x3] =	wrdreg s5  }
0xaa: {  	[dreg:$0x4] =	wrdreg $0xC0  }
0xab: {  	_ =	task [dreg:s7], $0x5FFFF  }
0xac: {  	[dreg:$0x1] =	wrdreg $0xFFFFFFFF  }
0xad: {  	[dreg:$0x0] =	wrdreg $0x60  }
0xae: {  	[dreg:$0x2] =	wrdreg s24  }
0xaf: {  	[dreg:$0x3] =	wrdreg s2  }
0xb0: {  	[dreg:$0x4] =	wrdreg $0x44000  }
0xb1: {  	[dreg:$0x5] =	wrdreg $0x9  }
0xb2: {  	_ =	task.clear_ibuf [dreg:s7], $0x6FFFF;
	_ =	strace $0x90000049  }
0xb3: {  	s29 =	simm.s32 $0x9;
	_ =	strace $0x8000004B  }
0xb4: {  	_ =	swait.ge [sflag:s29], $0x1  }
0xb5: {  	[sflag:s29] =	ssyncadd.s32 $0xFFFFFFFF  }
0xb6: {  	_ =	strace $0x9000004B  }
0xb7: {  	_ =	sfence  }
0xb8: {  	s30 =	sld [smem:$0x0];
	_ =	sdelay $0x2  }
0xb9: {  	s31 =	sshll.u32 s1, $0xD;
	s1 =	sshrl.u32 s1, $0x2  }
0xba: {  	s3 =	sand.u32 $0x4000, s31;
	s1 =	sadd.s32 s1, s30  }
0xbb: {  	s0 =	sor.u32 s3, s0;
	s1 =	sshll.u32 s1, $0x11  }
0xbc: {  	s0 =	sor.u32 s1, s0  }
0xbd: {  	s0 =	sadd.s32 $0x8F2B, s0  }
0xbe: {  	[sflag:s0] =	ssyncadd.remote.s32 $0x1  }
0xbf: {  	_ =	sfence.sel $0xFFFF  }
0xc0: {  	[dreg:$0x0] =	wrdreg $0xFFFFFFFF;
	(pc) =	sbr.abs _section_cstart, $3  }
0xc1: {  	[dreg:$0x1] =	wrdreg $0xFFFFFFFF  }
0xc2: {  	_ =	task.clear_ibuf [dreg:s7], $0x2FFFF;
	_ =	strace $0x9FFFFFFF  }
0xc3: {  	(tm) =	ssettm $0x7FFFFFFF  }
tec
execute0_lowered:
.L_overlay_start_1:
0x0: {  	(tag) =	ssettag $0x1  }
0x1: {  	s0 =	rddreg [dreg:$0x0]  }
0x2: {  	s8 =	rddreg [dreg:$0x1]  }
0x3: {  	s1 =	rddreg [dreg:$0x2];
	s2 =	simm.s32 $0x0  }
0x4: {  	s4 =	srdreg.scid;
	s12 =	stileid.u32;
	s17 =	simm.s32 $0x400  }
0x5: {  	s18 =	simm.s32 $0x100;
	s31 =	simm.s32 $0x180;
	[smem:$0x7FF] =	sst s2  }
0x6: {  	s3 =	sadd.s32 $0x15400, s0;
	s9 =	sand.u32 $0x1, s4;
	s10 =	sadd.s32 $0x1A00, s0  }
0x7: {  	s4 =	sadd.s32 $0x29600, s0;
	s6 =	smul.u32 $0x27000, s12;
	s20 =	sshll.u32 s12, $0x1  }
0x8: {  	s7 =	smul.u32 $0x1380, s12;
	s22 =	sshll.u32 s12, $0x6;
	s16 =	sadd.s32 $0x9C000, s1  }
0x9: {  	s28 =	sshll.u32 s12, $0x5;
	p0 =	sne.s32 s12, $0x0;
	_ =	strace $0x8000004A  }
0xa: {  	s5 =	ssub.s32 $0x2, s9;
	s11 =	sor.u32 s9, s20;
	s13 =	smul.u32 $0x13880, s9  }
0xb: {  	s15 =	smul.u32 $0x9C400, s9;
	s30 =	sshll.u32 s9, $0x4;
	s20 =	simm.s32 $0x2400  }
0xc: {  	[dreg:$0x4] =	wrdreg s31;
	s19 =	sshrl.u32 s5, $0x1;
	s21 =	sshrl.u32 s6, $0x2  }
0xd: {  	s23 =	sshll.u32 s11, $0x4;
	s11 =	sor.u32 $0x40, s11;
	s0 =	ssub.s32 s5, s19  }
0xe: {  	s14 =	sadd.s32 s21, s1;
	s5 =	sor.u32 $0x1C03, s22;
	s24 =	sadd.s32 s10, s23  }
0xf: {  	s7 =	sadd.s32 s7, s13;
	s25 =	sshrl.u32 s15, $0x3;
	s10 =	sadd.s32 s28, s10  }
0x10: {  	s13 =	simm.s32 $0x3;
	s15 =	simm.s32 $0x80;
	s19 =	simm.s32 $0x4  }
0x11: {  	s21 =	simm.s32 $0x1;
	s22 =	simm.s32 $0x2;
	s23 =	simm.s32 $0x0  }
0x12: {  	[dreg:$0x5] =	wrdreg s24;
	s26 =	sadd.s32 s8, s7;
	s8 =	sadd.s32 s8, s25  }
0x13: {  	s0 =	smax.u32 s0, $0x1;
	s10 =	sadd.s32 s30, s10;
	[dreg:$0x6] =	wrdreg s26  }
0x14: {  	s12 =	sshrl.u32 s14, $0x3;
	s29 =	sadd.s32 $0x13800, s8;
	[dreg:$0x8] =	wrdreg s0  }
0x15: {  	s14 =	sshrl.u32 @!p0 s16, $0x3;
	s16 =	simm.s32 $0x4E200;
	[dreg:$0x7] =	wrdreg s29  }
.LBB2_1:
0x16: {  	[spmem:s12], [sflag:s5] =	dma.local [hbm:s4], $0x1380  }
0x17: {  	_ =	swait.ge [sflag:s13], $0x1380  }
0x18: {  	[sflag:s13] =	ssyncset.done $0x0  }
0x19: {  	s0 =	simm.s32 @!p0 $0x3;
	[sflag:s13] =	ssyncadd.s32 $0xFFFFEC80  }
0x1a: {  	[spmem:s14], [sflag:s5] =	dma.local @!p0 [hbm:s4], $0x100  }
0x1b: {  	_ =	swait.ge @!p0 [sflag:s0], $0x100  }
0x1c: {  	[sflag:s0] =	ssyncset.done @!p0 $0x0  }
0x1d: {  	[sflag:s0] =	ssyncadd.s32 @!p0 $0xFFFFFF00  }
0x1e: {  	[bflag:$0x0] =	sbarrier.arrive $0xFFFF  }
0x1f: {  	s6 =	simm.s32 $0x0;
	s2 =	rddreg [dreg:$0x5]  }
0x20: {  	[tilespmem:s6], [sflag:$0x3] =	stream.strided.gather [hbm4b:s2+s15], $0x100, s16, s15, $0x38;
	[tilespmem:$0xE080] =	vst v63  }
0x21: {  	_ =	swait.ge [sflag:s13], $0x100  }
0x22: {  	[sflag:s13] =	ssyncset.done $0x0  }
0x23: {  	s7 =	sadd.s32 $0x0, s10;
	[sflag:s13] =	ssyncadd.s32 $0xFFFFFF00  }
0x24: {  	[tilespmem:s17], [sflag:$0x1] =	stream.indirect.gather [hbm4b:s3+s15], $0x40, s6, s15, $0xb8;
	[tilespmem:$0xE080] =	vst v63  }
0x25: {  	s0 =	sadd.s32 $0x200, s7  }
0x26: {  	[tilespmem:s18], [sflag:$0x4] =	stream.strided.gather [hbm4b:s0+s15], $0x100, s16, s15, $0x38;
	[tilespmem:$0xE080] =	vst v63  }
0x27: {  	_ =	swait.ge [sflag:s19], $0x100  }
0x28: {  	[sflag:s19] =	ssyncset.done $0x0  }
0x29: {  	[sflag:s19] =	ssyncadd.s32 $0xFFFFFF00  }
0x2a: {  	[tilespmem:s20], [sflag:$0x2] =	stream.indirect.gather [hbm4b:s3+s15], $0x40, s18, s15, $0xb8;
	[tilespmem:$0xE080] =	vst v63  }
0x2b: {  	_ =	swait.ge [sflag:s21], $0x2000  }
0x2c: {  	[sflag:s21] =	ssyncset.done $0x0  }
0x2d: {  	p2 =	sgt.u32 s11, $0x9C3;
	[sflag:s21] =	ssyncadd.s32 $0xFFFFE000  }
0x2e: {  	[spmem:s1] =	stream.indirect.scatter.add.f32 [tilespmem:s17], [sflag:$0x4], $0x40, s15, s15, $0xb8;
	[tilespmem:$0xE080] =	vst v63  }
0x2f: {  	s24 =	simm.s32 @!p2 $0x4E200;
	s25 =	simm.s32 @!p2 $0x200;
	_ =	swait.ge [sflag:s19], $0x2000  }
0x30: {  	s26 =	simm.s32 @!p2 $0x4;
	s0 =	sadd.s32 @!p2 $0x0, s10;
	[sflag:s19] =	ssyncset.done $0x0  }
0x31: {  	s28 =	simm.s32 @!p2 $0x80;
	s0 =	sadd.s32 @!p2 $0x400, s0;
	[sflag:s19] =	ssyncadd.s32 $0xFFFFE000  }
0x32: {  	[tilespmem:s25], [sflag:$0x4] =	stream.strided.gather @!p2 [hbm4b:s0+s28], $0x100, s24, s28, $0x38;
	[tilespmem:$0xE080] =	vst v63  }
0x33: {  	_ =	swait.ge @!p2 [sflag:s26], $0x100  }
0x34: {  	[sflag:s26] =	ssyncset.done @!p2 $0x0  }
0x35: {  	s0 =	simm.s32 @!p2 $0x400;
	[sflag:s26] =	ssyncadd.s32 @!p2 $0xFFFFFF00  }
0x36: {  	[tilespmem:s0], [sflag:$0x1] =	stream.indirect.gather @!p2 [hbm4b:s3+s28], $0x40, s25, s28, $0xb8;
	[tilespmem:$0xE080] =	vst v63  }
0x37: {  	_ =	swait.ge [sflag:s22], $0x2000  }
0x38: {  	s9 =	sadd.s32 $0x20, s11;
	[sflag:s22] =	ssyncset.done $0x0  }
0x39: {  	p1 =	sgt.u32 s9, $0x9C3;
	s8 =	rddreg [dreg:$0x4];
	[sflag:s22] =	ssyncadd.s32 $0xFFFFE000  }
0x3a: {  	[spmem:s1] =	stream.indirect.scatter.add.f32 [tilespmem:s20], [sflag:$0x4], $0x40, s8, s15, $0xb8;
	[tilespmem:$0xE080] =	vst v63  }
0x3b: {  	s29 =	simm.s32 @!p1 $0x80;
	s30 =	simm.s32 @!p1 $0x4E200;
	_ =	swait.ge [sflag:s19], $0x2000  }
0x3c: {  	s2 =	simm.s32 @!p1 $0x4;
	s24 =	sadd.s32 @!p1 $0x0, s10;
	[sflag:s19] =	ssyncset.done $0x0  }
0x3d: {  	s24 =	sadd.s32 @!p1 $0x600, s24;
	s25 =	simm.s32 @!p1 $0x300;
	[sflag:s19] =	ssyncadd.s32 $0xFFFFE000  }
0x3e: {  	[tilespmem:s25], [sflag:$0x4] =	stream.strided.gather @!p1 [hbm4b:s24+s29], $0x100, s30, s29, $0x38;
	[tilespmem:$0xE080] =	vst v63  }
0x3f: {  	_ =	swait.ge @!p1 [sflag:s2], $0x100  }
0x40: {  	[sflag:s2] =	ssyncset.done @!p1 $0x0  }
0x41: {  	s31 =	simm.s32 @!p1 $0x2400;
	s24 =	simm.s32 @!p2 $0x1;
	[sflag:s2] =	ssyncadd.s32 @!p1 $0xFFFFFF00  }
0x42: {  	[tilespmem:s31], [sflag:$0x2] =	stream.indirect.gather @!p1 [hbm4b:s3+s29], $0x40, s25, s29, $0xb8;
	[tilespmem:$0xE080] =	vst v63  }
0x43: {  	_ =	swait.ge @!p2 [sflag:s24], $0x2000  }
0x44: {  	s25 =	sadd.s32 $0x40, s11;
	[sflag:s24] =	ssyncset.done @!p2 $0x0  }
0x45: {  	s2 =	simm.s32 @!p2 $0x280;
	p3 =	sgt.u32 s25, $0x9C3;
	[sflag:s24] =	ssyncadd.s32 @!p2 $0xFFFFE000  }
0x46: {  	[spmem:s1] =	stream.indirect.scatter.add.f32 @!p2 [tilespmem:s0], [sflag:$0x4], $0x40, s2, s28, $0xb8;
	[tilespmem:$0xE080] =	vst v63  }
0x47: {  	s25 =	simm.s32 @!p3 $0x4E200;
	s24 =	simm.s32 @!p3 $0x0;
	_ =	swait.ge @!p2 [sflag:s26], $0x2000  }
0x48: {  	s0 =	sadd.s32 @!p3 $0x0, s10;
	s2 =	simm.s32 @!p3 $0x80;
	[sflag:s26] =	ssyncset.done @!p2 $0x0  }
0x49: {  	s0 =	sadd.s32 @!p3 $0x800, s0;
	[sflag:s26] =	ssyncadd.s32 @!p2 $0xFFFFE000;
	s26 =	simm.s32 @!p3 $0x4  }
0x4a: {  	[tilespmem:s24], [sflag:$0x4] =	stream.strided.gather @!p3 [hbm4b:s0+s2], $0x100, s25, s2, $0x38;
	[tilespmem:$0xE080] =	vst v63  }
0x4b: {  	_ =	swait.ge @!p3 [sflag:s26], $0x100  }
0x4c: {  	[sflag:s26] =	ssyncset.done @!p3 $0x0  }
0x4d: {  	s0 =	simm.s32 @!p3 $0x400;
	s25 =	simm.s32 @!p1 $0x2;
	[sflag:s26] =	ssyncadd.s32 @!p3 $0xFFFFFF00  }
0x4e: {  	[tilespmem:s0], [sflag:$0x1] =	stream.indirect.gather @!p3 [hbm4b:s3+s2], $0x40, s24, s2, $0xb8;
	[tilespmem:$0xE080] =	vst v63  }
0x4f: {  	s30 =	simm.s32 @!p1 $0x380;
	s28 =	simm.s32 $0x1000;
	_ =	swait.ge @!p1 [sflag:s25], $0x2000  }
0x50: {  	s26 =	sadd.s32 $0x800, s10;
	s24 =	simm.s32 $0x800;
	[sflag:s25] =	ssyncset.done @!p1 $0x0  }
0x51: {  	s0 =	simm.s32 @!p1 $0x3;
	[sflag:s25] =	ssyncadd.s32 @!p1 $0xFFFFE000;
	s25 =	sadd.s32 $0x80, s11  }
.LBB2_2:
0x52: {  	[spmem:s1] =	stream.indirect.scatter.add.f32 @!p1 [tilespmem:s31], [sflag:$0x3], $0x40, s30, s29, $0xb8;
	[tilespmem:$0xE080] =	vst v63  }
0x53: {  	_ =	swait.ge @!p1 [sflag:s0], $0x2000  }
0x54: {  	[sflag:s0] =	ssyncset.done @!p1 $0x0  }
0x55: {  	s2 =	sadd.s32 $0x200, s26;
	[sflag:s0] =	ssyncadd.s32 @!p1 $0xFFFFE000  }
0x56: {  	[tilespmem:s18], [sflag:$0x4] =	stream.strided.gather [hbm4b:s2+s15], $0x100, s16, s15, $0x38;
	[tilespmem:$0xE080] =	vst v63  }
0x57: {  	_ =	swait.ge [sflag:s19], $0x100  }
0x58: {  	[sflag:s19] =	ssyncset.done $0x0  }
0x59: {  	[sflag:s19] =	ssyncadd.s32 $0xFFFFFF00  }
0x5a: {  	[tilespmem:s20], [sflag:$0x2] =	stream.indirect.gather [hbm4b:s3+s15], $0x40, s18, s15, $0xb8;
	[tilespmem:$0xE080] =	vst v63  }
0x5b: {  	_ =	swait.ge [sflag:s21], $0x2000  }
0x5c: {  	[sflag:s21] =	ssyncset.done $0x0  }
0x5d: {  	p3 =	sgt.u32 s25, $0x9C3;
	[sflag:s21] =	ssyncadd.s32 $0xFFFFE000  }
0x5e: {  	[spmem:s1] =	stream.indirect.scatter.add.f32 [tilespmem:s17], [sflag:$0x4], $0x40, s15, s15, $0xb8;
	[tilespmem:$0xE080] =	vst v63  }
0x5f: {  	s29 =	simm.s32 @!p3 $0x4E200;
	s31 =	simm.s32 @!p3 $0x200;
	_ =	swait.ge [sflag:s19], $0x2000  }
0x60: {  	s6 =	simm.s32 @!p3 $0x80;
	s0 =	sadd.s32 @!p3 s24, s10;
	[sflag:s19] =	ssyncset.done $0x0  }
0x61: {  	s2 =	sadd.s32 @!p3 $0x400, s0;
	s0 =	simm.s32 @!p3 $0x4;
	[sflag:s19] =	ssyncadd.s32 $0xFFFFE000  }
0x62: {  	[tilespmem:s31], [sflag:$0x4] =	stream.strided.gather @!p3 [hbm4b:s2+s6], $0x100, s29, s6, $0x38;
	[tilespmem:$0xE080] =	vst v63  }
0x63: {  	_ =	swait.ge @!p3 [sflag:s0], $0x100  }
0x64: {  	[sflag:s0] =	ssyncset.done @!p3 $0x0  }
0x65: {  	s2 =	simm.s32 @!p3 $0x400;
	[sflag:s0] =	ssyncadd.s32 @!p3 $0xFFFFFF00  }
0x66: {  	[tilespmem:s2], [sflag:$0x1] =	stream.indirect.gather @!p3 [hbm4b:s3+s6], $0x40, s31, s6, $0xb8;
	[tilespmem:$0xE080] =	vst v63  }
0x67: {  	_ =	swait.ge [sflag:s22], $0x2000  }
0x68: {  	s31 =	sadd.s32 $0x20, s25;
	[sflag:s22] =	ssyncset.done $0x0  }
0x69: {  	p1 =	sgt.u32 s31, $0x9C3;
	s29 =	rddreg [dreg:$0x4];
	[sflag:s22] =	ssyncadd.s32 $0xFFFFE000  }
0x6a: {  	[spmem:s1] =	stream.indirect.scatter.add.f32 [tilespmem:s20], [sflag:$0x4], $0x40, s29, s15, $0xb8;
	[tilespmem:$0xE080] =	vst v63  }
0x6b: {  	s31 =	sadd.s32 @!p1 s24, s10;
	s7 =	simm.s32 @!p1 $0x300;
	_ =	swait.ge [sflag:s19], $0x2000  }
0x6c: {  	s8 =	simm.s32 @!p1 $0x4E200;
	s9 =	simm.s32 @!p1 $0x4;
	[sflag:s19] =	ssyncset.done $0x0  }
0x6d: {  	s31 =	sadd.s32 @!p1 $0x600, s31;
	s29 =	simm.s32 @!p1 $0x80;
	[sflag:s19] =	ssyncadd.s32 $0xFFFFE000  }
0x6e: {  	[tilespmem:s7], [sflag:$0x4] =	stream.strided.gather @!p1 [hbm4b:s31+s29], $0x100, s8, s29, $0x38;
	[tilespmem:$0xE080] =	vst v63  }
0x6f: {  	_ =	swait.ge @!p1 [sflag:s9], $0x100  }
0x70: {  	[sflag:s9] =	ssyncset.done @!p1 $0x0  }
0x71: {  	s31 =	simm.s32 @!p1 $0x2400;
	s8 =	simm.s32 @!p3 $0x1;
	[sflag:s9] =	ssyncadd.s32 @!p1 $0xFFFFFF00  }
0x72: {  	[tilespmem:s31], [sflag:$0x2] =	stream.indirect.gather @!p1 [hbm4b:s3+s29], $0x40, s7, s29, $0xb8;
	[tilespmem:$0xE080] =	vst v63  }
0x73: {  	_ =	swait.ge @!p3 [sflag:s8], $0x2000  }
0x74: {  	s26 =	sadd.s32 s28, s10;
	s9 =	sadd.s32 $0x40, s25;
	[sflag:s8] =	ssyncset.done @!p3 $0x0  }
0x75: {  	s7 =	simm.s32 @!p3 $0x280;
	p4 =	sgt.u32 s9, $0x9C3;
	[sflag:s8] =	ssyncadd.s32 @!p3 $0xFFFFE000  }
0x76: {  	[spmem:s1] =	stream.indirect.scatter.add.f32 @!p3 [tilespmem:s2], [sflag:$0x4], $0x40, s7, s6, $0xb8;
	[tilespmem:$0xE080] =	vst v63  }
0x77: {  	s8 =	simm.s32 @!p4 $0x4;
	s2 =	sadd.s32 @!p4 s24, s10;
	_ =	swait.ge @!p3 [sflag:s0], $0x2000  }
0x78: {  	s6 =	simm.s32 @!p4 $0x80;
	s7 =	simm.s32 @!p4 $0x4E200;
	[sflag:s0] =	ssyncset.done @!p3 $0x0  }
0x79: {  	[sflag:s0] =	ssyncadd.s32 @!p3 $0xFFFFE000;
	s0 =	sadd.s32 @!p4 $0x800, s2;
	s2 =	simm.s32 @!p4 $0x0  }
0x7a: {  	[tilespmem:s2], [sflag:$0x4] =	stream.strided.gather @!p4 [hbm4b:s0+s6], $0x100, s7, s6, $0x38;
	[tilespmem:$0xE080] =	vst v63  }
0x7b: {  	s30 =	smov.u32 s28;
	s28 =	sadd.s32 $0x800, s28;
	_ =	swait.ge @!p4 [sflag:s8], $0x100  }
0x7c: {  	p2 =	sne.s32 s28, $0xA000;
	s0 =	simm.s32 @!p4 $0x400;
	[sflag:s8] =	ssyncset.done @!p4 $0x0  }
.Ltmp0:
0x7d: {  	s7 =	simm.s32 @!p1 $0x2;
	[sflag:s8] =	ssyncadd.s32 @!p4 $0xFFFFFF00;
	(pc) =	sbr.rel @p2 .LBB2_2-.Ltmp0, $4  }
0x7e: {  	[tilespmem:s0], [sflag:$0x1] =	stream.indirect.gather @!p4 [hbm4b:s3+s6], $0x40, s2, s6, $0xb8;
	[tilespmem:$0xE080] =	vst v63  }
0x7f: {  	_ =	swait.ge @!p1 [sflag:s7], $0x2000  }
0x80: {  	s25 =	sadd.s32 $0x80, s25;
	s24 =	smov.u32 s30;
	[sflag:s7] =	ssyncset.done @!p1 $0x0  }
0x81: {  	s30 =	simm.s32 @!p1 $0x380;
	s0 =	simm.s32 @!p1 $0x3;
	[sflag:s7] =	ssyncadd.s32 @!p1 $0xFFFFE000  }
0x82: {  	[spmem:s1] =	stream.indirect.scatter.add.f32 @!p1 [tilespmem:s31], [sflag:$0x3], $0x40, s30, s29, $0xb8;
	[tilespmem:$0xE080] =	vst v63  }
0x83: {  	_ =	swait.ge @!p1 [sflag:s0], $0x2000  }
0x84: {  	[sflag:s0] =	ssyncset.done @!p1 $0x0  }
0x85: {  	s2 =	sadd.s32 $0x200, s26;
	[sflag:s0] =	ssyncadd.s32 @!p1 $0xFFFFE000  }
0x86: {  	[tilespmem:s18], [sflag:$0x4] =	stream.strided.gather [hbm4b:s2+s15], $0x100, s16, s15, $0x38;
	[tilespmem:$0xE080] =	vst v63  }
0x87: {  	_ =	swait.ge [sflag:s19], $0x100  }
0x88: {  	[sflag:s19] =	ssyncset.done $0x0  }
0x89: {  	[sflag:s19] =	ssyncadd.s32 $0xFFFFFF00  }
0x8a: {  	[tilespmem:s20], [sflag:$0x2] =	stream.indirect.gather [hbm4b:s3+s15], $0x40, s18, s15, $0xb8;
	[tilespmem:$0xE080] =	vst v63  }
0x8b: {  	_ =	swait.ge [sflag:s21], $0x2000  }
0x8c: {  	[sflag:s21] =	ssyncset.done $0x0  }
0x8d: {  	p1 =	sgt.u32 s25, $0x9C3;
	[sflag:s21] =	ssyncadd.s32 $0xFFFFE000  }
0x8e: {  	[spmem:s1] =	stream.indirect.scatter.add.f32 [tilespmem:s17], [sflag:$0x4], $0x40, s15, s15, $0xb8;
	[tilespmem:$0xE080] =	vst v63  }
0x8f: {  	s0 =	sadd.s32 @!p1 s24, s10;
	s2 =	simm.s32 @!p1 $0x4E200;
	_ =	swait.ge [sflag:s19], $0x2000  }
0x90: {  	s6 =	simm.s32 @!p1 $0x200;
	s7 =	simm.s32 @!p1 $0x4;
	[sflag:s19] =	ssyncset.done $0x0  }
0x91: {  	s8 =	simm.s32 @!p1 $0x80;
	s0 =	sadd.s32 @!p1 $0x400, s0;
	[sflag:s19] =	ssyncadd.s32 $0xFFFFE000  }
0x92: {  	[tilespmem:s6], [sflag:$0x4] =	stream.strided.gather @!p1 [hbm4b:s0+s8], $0x100, s2, s8, $0x38;
	[tilespmem:$0xE080] =	vst v63  }
0x93: {  	_ =	swait.ge @!p1 [sflag:s7], $0x100  }
0x94: {  	[sflag:s7] =	ssyncset.done @!p1 $0x0  }
0x95: {  	s0 =	simm.s32 @!p1 $0x400;
	[sflag:s7] =	ssyncadd.s32 @!p1 $0xFFFFFF00  }
0x96: {  	[tilespmem:s0], [sflag:$0x1] =	stream.indirect.gather @!p1 [hbm4b:s3+s8], $0x40, s6, s8, $0xb8;
	[tilespmem:$0xE080] =	vst v63  }
0x97: {  	_ =	swait.ge [sflag:s22], $0x2000  }
0x98: {  	s28 =	sadd.s32 $0x20, s25;
	[sflag:s22] =	ssyncset.done $0x0  }
0x99: {  	p2 =	sgt.u32 s28, $0x9C3;
	s26 =	rddreg [dreg:$0x4];
	[sflag:s22] =	ssyncadd.s32 $0xFFFFE000  }
0x9a: {  	[spmem:s1] =	stream.indirect.scatter.add.f32 [tilespmem:s20], [sflag:$0x4], $0x40, s26, s15, $0xb8;
	[tilespmem:$0xE080] =	vst v63  }
0x9b: {  	s2 =	sadd.s32 @!p2 s24, s10;
	_ =	swait.ge [sflag:s19], $0x2000  }
0x9c: {  	s9 =	simm.s32 @!p2 $0x300;
	s2 =	sadd.s32 @!p2 $0x600, s2;
	[sflag:s19] =	ssyncset.done $0x0  }
0x9d: {  	s6 =	simm.s32 @!p2 $0x80;
	s26 =	simm.s32 @!p2 $0x4E200;
	[sflag:s19] =	ssyncadd.s32 $0xFFFFE000  }
0x9e: {  	[tilespmem:s9], [sflag:$0x4] =	stream.strided.gather @!p2 [hbm4b:s2+s6], $0x100, s26, s6, $0x38;
	[tilespmem:$0xE080] =	vst v63  }
0x9f: {  	s2 =	simm.s32 @!p2 $0x4  }
0xa0: {  	_ =	swait.ge @!p2 [sflag:s2], $0x100  }
0xa1: {  	[sflag:s2] =	ssyncset.done @!p2 $0x0  }
0xa2: {  	[sflag:s2] =	ssyncadd.s32 @!p2 $0xFFFFFF00;
	s2 =	simm.s32 @!p2 $0x2400  }
0xa3: {  	[tilespmem:s2], [sflag:$0x2] =	stream.indirect.gather @!p2 [hbm4b:s3+s6], $0x40, s9, s6, $0xb8;
	[tilespmem:$0xE080] =	vst v63  }
0xa4: {  	s9 =	simm.s32 @!p1 $0x1  }
0xa5: {  	_ =	swait.ge @!p1 [sflag:s9], $0x2000  }
0xa6: {  	s29 =	sadd.s32 $0x40, s25;
	[sflag:s9] =	ssyncset.done @!p1 $0x0  }
0xa7: {  	p3 =	sgt.u32 s29, $0x9C3;
	[sflag:s9] =	ssyncadd.s32 @!p1 $0xFFFFE000;
	s9 =	simm.s32 @!p1 $0x280  }
0xa8: {  	[spmem:s1] =	stream.indirect.scatter.add.f32 @!p1 [tilespmem:s0], [sflag:$0x4], $0x40, s9, s8, $0xb8;
	[tilespmem:$0xE080] =	vst v63  }
0xa9: {  	s0 =	sadd.s32 @!p3 s24, s10;
	_ =	swait.ge @!p1 [sflag:s7], $0x2000  }
0xaa: {  	s8 =	simm.s32 @!p3 $0x80;
	s9 =	simm.s32 @!p3 $0x4E200;
	[sflag:s7] =	ssyncset.done @!p1 $0x0  }
0xab: {  	s0 =	sadd.s32 @!p3 $0x800, s0;
	[sflag:s7] =	ssyncadd.s32 @!p1 $0xFFFFE000;
	s7 =	simm.s32 @!p3 $0x0  }
0xac: {  	[tilespmem:s7], [sflag:$0x4] =	stream.strided.gather @!p3 [hbm4b:s0+s8], $0x100, s9, s8, $0x38;
	[tilespmem:$0xE080] =	vst v63  }
0xad: {  	s0 =	simm.s32 @!p3 $0x4  }
0xae: {  	_ =	swait.ge @!p3 [sflag:s0], $0x100  }
0xaf: {  	[sflag:s0] =	ssyncset.done @!p3 $0x0  }
0xb0: {  	[sflag:s0] =	ssyncadd.s32 @!p3 $0xFFFFFF00;
	s0 =	simm.s32 @!p3 $0x400  }
0xb1: {  	[tilespmem:s0], [sflag:$0x1] =	stream.indirect.gather @!p3 [hbm4b:s3+s8], $0x40, s7, s8, $0xb8;
	[tilespmem:$0xE080] =	vst v63  }
0xb2: {  	s0 =	simm.s32 @!p2 $0x2  }
0xb3: {  	_ =	swait.ge @!p2 [sflag:s0], $0x2000  }
0xb4: {  	[sflag:s0] =	ssyncset.done @!p2 $0x0  }
0xb5: {  	[sflag:s0] =	ssyncadd.s32 @!p2 $0xFFFFE000;
	s0 =	simm.s32 @!p2 $0x380  }
0xb6: {  	[spmem:s1] =	stream.indirect.scatter.add.f32 @!p2 [tilespmem:s2], [sflag:$0x3], $0x40, s0, s6, $0xb8;
	[tilespmem:$0xE080] =	vst v63  }
0xb7: {  	s0 =	simm.s32 @!p2 $0x3  }
0xb8: {  	_ =	swait.ge @!p2 [sflag:s0], $0x2000  }
0xb9: {  	[sflag:s0] =	ssyncset.done @!p2 $0x0  }
0xba: {  	[sflag:s0] =	ssyncadd.s32 @!p2 $0xFFFFE000  }
0xbb: {  	[bflag:$0x0] =	sbarrier.arrive $0xFFFF  }
0xbc: {  	s30 =	rddreg [dreg:$0x6]  }
0xbd: {  	[hbm:s30], [sflag:s5] =	dma.local [spmem:s12], $0x1380  }
0xbe: {  	_ =	swait.ge [sflag:s13], $0x1380  }
0xbf: {  	[sflag:s13] =	ssyncset.done $0x0  }
0xc0: {  	s0 =	rddreg [dreg:$0x7];
	[sflag:s13] =	ssyncadd.s32 $0xFFFFEC80  }
0xc1: {  	[hbm:s0], [sflag:s5] =	dma.local @!p0 [spmem:s14], $0x80  }
0xc2: {  	s0 =	simm.s32 @!p0 $0x3  }
0xc3: {  	_ =	swait.ge @!p0 [sflag:s0], $0x80  }
0xc4: {  	s23 =	sadd.s32 $0x1, s23;
	s31 =	rddreg [dreg:$0x8]  }
0xc5: {  	p1 =	sne.s32 s23, s31  }
.Ltmp1:
0xc6: {  	_ = 	snop;
	(pc) =	sbr.rel @p1 .LBB2_1-.Ltmp1, $3  }
0xc7: {  	_ =	sdelay $0x1  }
0xc8: {  	[sflag:s0] =	ssyncset.done @!p0 $0x0  }
0xc9: {  	[sflag:s0] =	ssyncadd.s32 @!p0 $0xFFFFFF80  }
0xca: {  	_ =	sfence.sel $0x180000  }
0xcb: {  	[bflag:$0x0] =	sbarrier.arrive $0xFFFF  }
0xcc: {  	_ =	strace $0x9000004A  }
0xcd: {  	[bflag:$0x2] =	sbarrier.arrive $0xFFFF  }
0xce: {  	s0 =	rddreg [dreg:$0x3]  }
0xcf: {  	s0 =	sadd.s32 @!p0 $0x100000, s0  }
0xd0: {  	[sflag:s0] =	ssyncadd.tile.s32 @!p0 $0x1;
	_ =	shalt  }
.Lfunc_end2:
_tile_overlayer_lowered:
.L_overlay_start_2:
0xd1: {  	(tag) =	ssettag $0x2  }
0xd2: {  	s0 =	rddreg [dreg:$0x0];
	s2 =	stileid.u32  }
0xd3: {  	s1 =	rddreg [dreg:$0x1];
	p0 =	sne.s32 s2, $0x0  }
0xd4: {  	s3 =	rddreg [dreg:$0x2];
	[bflag:$0x3] =	sbarrier.arrive $0xFFFF;
	s2 =	simm.s32 @!p0 $0x1C03  }
0xd5: {  	[timem:s3], [sflag:s2] =	dma.local @!p0 [hbm:s0], s1  }
0xd6: {  	s0 =	simm.s32 @!p0 $0x3  }
0xd7: {  	_ =	swait.ge @!p0 [sflag:s0], s1  }
0xd8: {  	s1 =	ssub.s32 @!p0 $0x0, s1;
	[sflag:s0] =	ssyncset.done @!p0 $0x0  }
0xd9: {  	[sflag:s0] =	ssyncadd.s32 @!p0 s1  }
0xda: {  	[bflag:$0x3] =	sbarrier.arrive $0xFFFF  }
0xdb: {  	_ =	shalt  }

// kernel: kernel.7.cloned.1.call-start
scs
__scs_entry_jumppad:
0x0: {  	(pc) =	sbr.rel $0x88, $3  }
0x1: {  	(tag) =	ssettag $0x0;
	lr =	simm.s32 $0x1  }
0x2: {  	[smem:$0x3F99] =	sst lr;
	_ =	strace $0xD0000000  }
0x3: {  	_ = 	snop  }
0x4: {  	_ = 	snop  }
0x5: {  	_ = 	snop  }
0x6: {  	_ = 	snop  }
0x7: {  	_ = 	snop  }
__scs_overlays_trampoline_lowered:
0x8: {  	[smem:$0x3FA8] =	sst s0  }
0x9: {  	[smem:$0x3FA9] =	sst s1  }
0xa: {  	[smem:$0x3FAA] =	sst s2  }
0xb: {  	[smem:$0x3FAB] =	sst s3  }
0xc: {  	[smem:$0x3FAC] =	sst s4  }
0xd: {  	[smem:$0x3FAD] =	sst s5  }
0xe: {  	[smem:$0x3FAE] =	sst s6  }
0xf: {  	[smem:$0x3FAF] =	sst s7  }
0x10: {  	[smem:$0x3FB0] =	sst s8  }
0x11: {  	[smem:$0x3FB1] =	sst s9;
	s0 =	simm.s32 @!p0 $0x0  }
0x12: {  	s1 =	sld [smem:$0x3F97];
	s0 =	simm.s32 @p0 $0x1  }
0x13: {  	[smem:$0x3FB2] =	sst s0;
	s0 =	simm.s32 @!p1 $0x0  }
0x14: {  	s2 =	sld [smem:$0x3F96];
	s0 =	simm.s32 @p1 $0x1  }
0x15: {  	[smem:$0x3FB3] =	sst s0;
	s0 =	simm.s32 @!p2 $0x0  }
0x16: {  	s3 =	sld [smem:$0x3FDB];
	s0 =	simm.s32 @p2 $0x1  }
0x17: {  	s4 =	simm.s32 $0x1BF5;
	[smem:$0x3FB5] =	sst s0  }
0x18: {  	s0 =	sld [smem:$0x3F98];
	_ =	swait.ge [sflag:s4], $0x0  }
0x19: {  	s7 =	sld [smem:$0x3F99]  }
0x1a: {  	s8 =	sadd.s32 $0xFFFFE003, lr  }
0x1b: {  	s9 =	sadd.s32 $0xFFFFFEF7, lr;
	s5 =	simm.s32 $0xFFFFFFFF;
	p2 =	slt.u32 s8, $0xFFFFF086  }
0x1c: {  	p1 =	slt.u32 s9, $0xF7A;
	s5 =	simm.s32 @!p2 $0x0  }
0x1d: {  	s5 =	simm.s32 @p1 $0x1;
	p0 =	seq.s32 s7, s2  }
0x1e: {  	s7 =	smul.u32 @!p0 $0xF7A, s2;
	p2 =	seq.s32 @!p0 s5, $0x0  }
0x1f: {  	s9 =	smul.u32 $0xF7A, s1;
	s8 =	simm.s32 @!p0 $0x1BF5;
	p2 =	por !p2, p0  }
0x20: {  	[sflag:s8] =	ssyncset.s32 @!p0 $0xFFFFF086;
	s6 =	sadd.s32 @!p0 s3, s7;
	s7 =	simm.s32 @!p0 $0x108  }
0x21: {  	s3 =	sadd.s32 s3, s9;
	s6 =	sadd.s32 @!p0 $0x88, s6;
	s7 =	simm.s32 @p2 $0x1082  }
0x22: {  	[simem:s7], [sflag:s8] =	dma.local @!p0 [hbm:s6], $0xF7A  }
0x23: {  	s9 =	sor.u32 $0xD0000000, s2;
	s6 =	simm.s32 $0x108;
	_ =	swait.ge @!p0 [sflag:s8], $0x0  }
0x24: {  	s3 =	sadd.s32 $0x88, s3;
	s6 =	simm.s32 @!p1 $0x1082;
	[sflag:s4] =	ssyncset.s32 $0xFFFFF086  }
0x25: {  	[simem:s6], [sflag:s4] =	dma.local [hbm:s3], $0xF7A  }
0x26: {  	[smem:$0x3F99] =	sst s1;
	(tag) =	ssettag s2;
	_ =	strace s9  }
0x27: {  	s1 =	sld [smem:$0x3FA9]  }
0x28: {  	s2 =	sld [smem:$0x3FAA]  }
0x29: {  	s4 =	sld [smem:$0x3FAC]  }
0x2a: {  	p0 =	seq.s32 s5, $0x0;
	s5 =	sld [smem:$0x3FAD]  }
0x2b: {  	s6 =	sld [smem:$0x3FAE]  }
0x2c: {  	s7 =	sld [smem:$0x3FAF]  }
0x2d: {  	s3 =	simm.s32 $0x108;
	s8 =	sld [smem:$0x3FB0]  }
0x2e: {  	s3 =	simm.s32 @!p0 $0x1082;
	s9 =	sld [smem:$0x3FB1]  }
0x2f: {  	lr =	sadd.s32 s0, s3;
	s0 =	sld [smem:$0x3FA8]  }
0x30: {  	s3 =	sld [smem:$0x3FAB]  }
0x31: {  	[smem:$0x3FB4] =	sst s10  }
0x32: {  	s10 =	sld [smem:$0x3FB2];
	_ =	sdelay $0x3  }
0x33: {  	p0 =	seq.s32 s10, $0x1;
	s10 =	sld [smem:$0x3FB4];
	_ =	sdelay $0x3  }
0x34: {  	[smem:$0x3FB4] =	sst s10  }
0x35: {  	s10 =	sld [smem:$0x3FB3];
	_ =	sdelay $0x3  }
0x36: {  	p1 =	seq.s32 s10, $0x1;
	s10 =	sld [smem:$0x3FB4];
	_ =	sdelay $0x3  }
0x37: {  	[smem:$0x3FB4] =	sst s10  }
0x38: {  	s10 =	sld [smem:$0x3FB5]  }
0x39: {  	_ = 	snop;
	(pc) =	sbr.ind lr, $3  }
0x3a: {  	_ = 	snop  }
0x3b: {  	_ = 	snop  }
0x3c: {  	p2 =	seq.s32 s10, $0x1;
	s10 =	sld [smem:$0x3FB4]  }
0x3d: {  	_ =	shalt  }
0x3e: {  	_ =	shalt  }
0x3f: {  	_ =	shalt  }
0x40: {  	_ =	shalt  }
0x41: {  	_ =	shalt  }
0x42: {  	_ =	shalt  }
0x43: {  	_ =	shalt  }
0x44: {  	_ =	shalt  }
0x45: {  	_ =	shalt  }
0x46: {  	_ =	shalt  }
0x47: {  	_ =	shalt  }
0x48: {  	_ =	shalt  }
0x49: {  	_ =	shalt  }
0x4a: {  	_ =	shalt  }
0x4b: {  	_ =	shalt  }
0x4c: {  	_ =	shalt  }
0x4d: {  	_ =	shalt  }
0x4e: {  	_ =	shalt  }
0x4f: {  	_ =	shalt  }
0x50: {  	_ =	shalt  }
0x51: {  	_ =	shalt  }
0x52: {  	_ =	shalt  }
0x53: {  	_ =	shalt  }
0x54: {  	_ =	shalt  }
0x55: {  	_ =	shalt  }
0x56: {  	_ =	shalt  }
0x57: {  	_ =	shalt  }
0x58: {  	_ =	shalt  }
0x59: {  	_ =	shalt  }
0x5a: {  	_ =	shalt  }
0x5b: {  	_ =	shalt  }
0x5c: {  	_ =	shalt  }
0x5d: {  	_ =	shalt  }
0x5e: {  	_ =	shalt  }
0x5f: {  	_ =	shalt  }
0x60: {  	_ =	shalt  }
0x61: {  	_ =	shalt  }
0x62: {  	_ =	shalt  }
0x63: {  	_ =	shalt  }
0x64: {  	_ =	shalt  }
0x65: {  	_ =	shalt  }
0x66: {  	_ =	shalt  }
0x67: {  	_ =	shalt  }
0x68: {  	_ =	shalt  }
0x69: {  	_ =	shalt  }
0x6a: {  	_ =	shalt  }
0x6b: {  	_ =	shalt  }
0x6c: {  	_ =	shalt  }
0x6d: {  	_ =	shalt  }
0x6e: {  	_ =	shalt  }
0x6f: {  	_ =	shalt  }
0x70: {  	_ =	shalt  }
0x71: {  	_ =	shalt  }
0x72: {  	_ =	shalt  }
0x73: {  	_ =	shalt  }
0x74: {  	_ =	shalt  }
0x75: {  	_ =	shalt  }
0x76: {  	_ =	shalt  }
0x77: {  	_ =	shalt  }
0x78: {  	_ =	shalt  }
0x79: {  	_ =	shalt  }
0x7a: {  	_ =	shalt  }
0x7b: {  	_ =	shalt  }
0x7c: {  	_ =	shalt  }
0x7d: {  	_ =	shalt  }
0x7e: {  	_ =	shalt  }
0x7f: {  	_ =	shalt  }
0x80: {  	_ =	shalt  }
0x81: {  	_ =	shalt  }
0x82: {  	_ =	shalt  }
0x83: {  	_ =	shalt  }
0x84: {  	_ =	shalt  }
0x85: {  	_ =	shalt  }
0x86: {  	_ =	shalt  }
0x87: {  	_ =	shalt  }
.Lfunc_end0:
.L_simem_size_0:
called_computation_lowered:
.L_overlay_start_0:
0x88: {  	s2 =	sld [smem:$0x3FD9]  }
0x89: {  	s3 =	sld [smem:$0x3FFE];
	_ =	sdelay $0x1  }
0x8a: {  	s1 =	srdreg.scid  }
0x8b: {  	s0 =	sand.u32 $0x1, s1  }
0x8c: {  	s17 =	sshll.u32 s0, $0xA;
	s2 =	sadd.s32 s3, s2  }
0x8d: {  	s2 =	sadd.s32 s2, s17  }
0x8e: {  	[smem:$0x3FC0] =	sst s2  }
0x8f: {  	_ = 	snop  }
0x90: {  	s2 =	sld [smem:$0x3FD0];
	(tm) =	ssettm $0x1  }
0x91: {  	s18 =	sld [smem:$0x3FFB];
	_ =	sdelay $0x3  }
0x92: {  	_ =	strace s18  }
0x93: {  	s3 =	sld [smem:$0x3FFC];
	_ =	sdelay $0x3  }
0x94: {  	_ =	strace s3  }
0x95: {  	s3 =	sld [smem:$0x3FFD];
	_ =	sdelay $0x3  }
0x96: {  	_ =	strace s3  }
0x97: {  	_ =	strace $0x8FFFFFFF  }
0x98: {  	s19 =	sld [smem:$0x3FDB];
	_ =	sdelay $0x1  }
0x99: {  	s4 =	simm.s32 $_scs_section_size  }
0x9a: {  	s5 =	simm.s32 $_size__tile_overlayer_lowered;
	s6 =	simm.s32 $_tile_overlayer_lowered  }
0x9b: {  	s22 =	simm.s32 $0x1BFF;
	s21 =	sshll.u32 s6, $0x1;
	s3 =	sadd.s32 s4, s19  }
0x9c: {  	s7 =	simm.s32 $0x0;
	s20 =	sshll.u32 s5, $0x1;
	s5 =	sadd.s32 s21, s3  }
0x9d: {  	[timem:s7], [sflag:s22] =	dma.local [hbm:s5], s20  }
0x9e: {  	_ =	swait.ge [sflag:s22], s20  }
0x9f: {  	s4 =	ssub.s32 $0x0, s20;
	[sflag:s22] =	ssyncset.done $0x0  }
0xa0: {  	[sflag:s22] =	ssyncadd.s32 s4;
	_ =	sdelay $0x1  }
0xa1: {  	s23 =	simm.s32 $0x1B8B  }
0xa2: {  	_ =	swait.ge [sflag:s23], $0x1  }
0xa3: {  	[sflag:s23] =	ssyncset.done $0x0  }
0xa4: {  	s25 =	simm.s32 $0x1B8E;
	s24 =	sld [smem:$0x3FFE];
	[sflag:s23] =	ssyncadd.s32 $0xFFFFFFFF  }
0xa5: {  	s26 =	simm.s32 $execute0_lowered;
	[smem:$0x3FD2] =	sst s25  }
0xa6: {  	s5 =	sshll.u32 s26, $0x1;
	_ =	strace $0x80000046;
	[dreg:$0x1] =	wrdreg $0xFFFFFFFF  }
0xa7: {  	s28 =	simm.s32 $_size_execute0_lowered;
	s3 =	sadd.s32 s3, s5;
	[dreg:$0x0] =	wrdreg $0x0  }
0xa8: {  	s5 =	sshll.u32 s28, $0x1;
	[dreg:$0x2] =	wrdreg s3  }
0xa9: {  	[dreg:$0x3] =	wrdreg s5  }
0xaa: {  	[dreg:$0x4] =	wrdreg $0xC0  }
0xab: {  	_ =	task [dreg:s7], $0x5FFFF  }
0xac: {  	[dreg:$0x1] =	wrdreg $0xFFFFFFFF  }
0xad: {  	[dreg:$0x0] =	wrdreg $0x60  }
0xae: {  	[dreg:$0x2] =	wrdreg s24  }
0xaf: {  	[dreg:$0x3] =	wrdreg s2  }
0xb0: {  	[dreg:$0x4] =	wrdreg $0x4C000  }
0xb1: {  	[dreg:$0x5] =	wrdreg $0xE8800  }
0xb2: {  	[dreg:$0x6] =	wrdreg $0x9  }
0xb3: {  	_ =	task.clear_ibuf [dreg:s7], $0x7FFFF;
	_ =	strace $0x90000046  }
0xb4: {  	s29 =	simm.s32 $0x9;
	_ =	strace $0x80000048  }
0xb5: {  	_ =	swait.ge [sflag:s29], $0x1  }
0xb6: {  	[sflag:s29] =	ssyncadd.s32 $0xFFFFFFFF  }
0xb7: {  	_ =	strace $0x90000048  }
0xb8: {  	_ =	sfence  }
0xb9: {  	s30 =	sld [smem:$0x0];
	_ =	sdelay $0x2  }
0xba: {  	s31 =	sshll.u32 s1, $0xD;
	s1 =	sshrl.u32 s1, $0x2  }
0xbb: {  	s3 =	sand.u32 $0x4000, s31;
	s1 =	sadd.s32 s1, s30  }
0xbc: {  	s0 =	sor.u32 s3, s0;
	s1 =	sshll.u32 s1, $0x11  }
0xbd: {  	s0 =	sor.u32 s1, s0  }
0xbe: {  	s0 =	sadd.s32 $0x8F2B, s0  }
0xbf: {  	[sflag:s0] =	ssyncadd.remote.s32 $0x1  }
0xc0: {  	_ =	sfence.sel $0xFFFF  }
0xc1: {  	[dreg:$0x0] =	wrdreg $0xFFFFFFFF;
	(pc) =	sbr.abs _section_cstart, $3  }
0xc2: {  	[dreg:$0x1] =	wrdreg $0xFFFFFFFF  }
0xc3: {  	_ =	task.clear_ibuf [dreg:s7], $0x2FFFF;
	_ =	strace $0x9FFFFFFF  }
0xc4: {  	(tm) =	ssettm $0x7FFFFFFF  }
0xc5: {  	_ =	shalt  }
tec
execute0_lowered:
.L_overlay_start_1:
0x0: {  	(tag) =	ssettag $0x1  }
0x1: {  	s0 =	rddreg [dreg:$0x0]  }
0x2: {  	s3 =	rddreg [dreg:$0x1]  }
0x3: {  	s1 =	rddreg [dreg:$0x2]  }
0x4: {  	s2 =	rddreg [dreg:$0x3];
	s4 =	simm.s32 $0x0  }
0x5: {  	s5 =	srdreg.scid;
	s8 =	stileid.u32;
	s28 =	simm.s32 $0x100  }
0x6: {  	s29 =	simm.s32 $0x2400;
	s30 =	simm.s32 $0x1;
	s31 =	simm.s32 $0x2  }
0x7: {  	[smem:$0x7FF] =	sst s4;
	s4 =	sadd.s32 $0x15400, s0;
	s7 =	sadd.s32 $0x1A00, s0  }
0x8: {  	s6 =	sadd.s32 $0x29600, s0;
	s5 =	sand.u32 $0x1, s5;
	s11 =	smul.u32 $0x27000, s8  }
0x9: {  	s17 =	sadd.s32 $0x29000, s0;
	s18 =	sadd.s32 $0x28E00, s0;
	s21 =	smul.u32 $0x9C00, s8  }
0xa: {  	s0 =	sadd.s32 $0x2AA00, s0;
	s19 =	sshll.u32 s8, $0x1;
	s13 =	smul.u32 $0x270, s8  }
0xb: {  	s23 =	sshll.u32 s8, $0x6;
	_ =	strace $0x80000047;
	[dreg:$0x5] =	wrdreg s6  }
0xc: {  	s25 =	sadd.s32 $0x9C000, s1;
	s15 =	sadd.s32 $0x27000, s2;
	[dreg:$0x6] =	wrdreg s17  }
0xd: {  	p0 =	sne.s32 s8, $0x0;
	s9 =	ssub.s32 $0x2, s5;
	[dreg:$0x7] =	wrdreg s18  }
0xe: {  	s12 =	sor.u32 s5, s19;
	s14 =	smul.u32 $0x2710, s5;
	[dreg:$0xa] =	wrdreg s25  }
0xf: {  	[dreg:$0xb] =	wrdreg s15;
	s10 =	sshrl.u32 s9, $0x1;
	s20 =	sshrl.u32 s11, $0x2  }
0x10: {  	s11 =	sshrl.u32 s21, $0x2;
	s26 =	sshll.u32 s12, $0x4;
	s10 =	ssub.s32 s9, s10  }
0x11: {  	s22 =	sadd.s32 s20, s1;
	s9 =	sor.u32 $0x1C04, s23;
	s24 =	sadd.s32 s11, s2  }
0x12: {  	s16 =	sadd.s32 s7, s26;
	s17 =	sadd.s32 s13, s14;
	[dreg:$0x8] =	wrdreg s22  }
0x13: {  	s14 =	sadd.s32 $0x2700, s14;
	s26 =	ssub.s32 $0x9E3, s12;
	[dreg:$0x9] =	wrdreg s24  }
0x14: {  	[dreg:$0xc] =	wrdreg s16;
	s13 =	sshll.u32 s17, $0x3;
	s11 =	sshll.u32 s17, $0x1  }
0x15: {  	s20 =	sshll.u32 s14, $0x3;
	s21 =	sshll.u32 s14, $0x1;
	s22 =	sshll.u32 s8, $0x5  }
0x16: {  	s24 =	sshll.u32 s5, $0x4;
	s25 =	smax.u32 s10, $0x1;
	s8 =	simm.s32 $0x0  }
0x17: {  	s18 =	sadd.s32 s3, s13;
	s19 =	sadd.s32 s0, s11;
	[dreg:$0x11] =	wrdreg s25  }
0x18: {  	s3 =	sadd.s32 s3, s20;
	s0 =	sadd.s32 s0, s21;
	[dreg:$0xd] =	wrdreg s18  }
0x19: {  	s23 =	sadd.s32 s22, s7;
	s20 =	sor.u32 $0x40, s12;
	[dreg:$0xe] =	wrdreg s19  }
0x1a: {  	s22 =	simm.s32 $0x4;
	s25 =	simm.s32 $0x4E200;
	[dreg:$0xf] =	wrdreg s3  }
0x1b: {  	s7 =	simm.s32 $0x3;
	[dreg:$0x10] =	wrdreg s0;
	s19 =	sadd.s32 s24, s23  }
0x1c: {  	s0 =	sshrl.u32 s26, $0x5;
	s23 =	simm.s32 $0x4400;
	s24 =	simm.s32 $0x80  }
0x1d: {  	s26 =	simm.s32 $0x400;
	[dreg:$0x12] =	wrdreg s0;
	s0 =	simm.s32 $0x180  }
.LBB2_1:
0x1e: {  	s3 =	rddreg [dreg:$0x8]  }
0x1f: {  	s5 =	sshrl.u32 s3, $0x3;
	s3 =	rddreg [dreg:$0x5]  }
0x20: {  	[dreg:$0x13] =	wrdreg s5  }
0x21: {  	[spmem:s5], [sflag:s9] =	dma.local [hbm:s3], $0x1380  }
0x22: {  	_ =	swait.ge [sflag:s22], $0x1380  }
0x23: {  	s13 =	rddreg [dreg:$0x9]  }
0x24: {  	[sflag:s22] =	ssyncset.done $0x0;
	s6 =	rddreg [dreg:$0x6];
	s5 =	sshrl.u32 s13, $0x3  }
0x25: {  	[sflag:s22] =	ssyncadd.s32 $0xFFFFEC80;
	[dreg:$0x14] =	wrdreg s5  }
0x26: {  	[spmem:s5], [sflag:s9] =	dma.local [hbm:s6], $0x4E0  }
0x27: {  	_ =	swait.ge [sflag:s22], $0x4E0  }
0x28: {  	[sflag:s22] =	ssyncset.done $0x0  }
0x29: {  	s14 =	simm.s32 $0x0;
	s10 =	rddreg [dreg:$0x7];
	[sflag:s22] =	ssyncadd.s32 $0xFFFFFB20  }
0x2a: {  	[tilespmem:s23], [sflag:$0x4] =	stream.linear.gather [hbm4b:s10+s14], $0x800, $0x38;
	[tilespmem:$0x10FA0] =	vst v63  }
0x2b: {  	_ =	swait.ge [sflag:s22], $0x800  }
0x2c: {  	[sflag:s22] =	ssyncset.done $0x0;
	s10 =	rddreg [dreg:$0xa]  }
0x2d: {  	[sflag:s22] =	ssyncadd.s32 $0xFFFFF800;
	s12 =	sshrl.u32 @!p0 s10, $0x3  }
0x2e: {  	[spmem:s12], [sflag:s9] =	dma.local @!p0 [hbm:s3], $0x100  }
0x2f: {  	s3 =	simm.s32 @!p0 $0x4  }
0x30: {  	_ =	swait.ge @!p0 [sflag:s3], $0x100  }
0x31: {  	[sflag:s3] =	ssyncset.done @!p0 $0x0;
	s10 =	rddreg [dreg:$0xb]  }
0x32: {  	[sflag:s3] =	ssyncadd.s32 @!p0 $0xFFFFFF00;
	s13 =	sshrl.u32 @!p0 s10, $0x3  }
0x33: {  	[spmem:s13], [sflag:s9] =	dma.local @!p0 [hbm:s6], $0x40  }
0x34: {  	_ =	swait.ge @!p0 [sflag:s3], $0x40  }
0x35: {  	[sflag:s3] =	ssyncset.done @!p0 $0x0  }
0x36: {  	[sflag:s3] =	ssyncadd.s32 @!p0 $0xFFFFFFC0  }
0x37: {  	[bflag:$0x0] =	sbarrier.arrive $0xFFFF  }
0x38: {  	s15 =	rddreg [dreg:$0xc]  }
0x39: {  	[tilespmem:s14], [sflag:$0x4] =	stream.strided.gather [hbm4b:s15+s24], $0x100, s25, s24, $0x38;
	[tilespmem:$0x10FA0] =	vst v63  }
0x3a: {  	_ =	swait.ge [sflag:s22], $0x100  }
0x3b: {  	[sflag:s22] =	ssyncset.done $0x0  }
0x3c: {  	s16 =	sadd.s32 $0x0, s19;
	[sflag:s22] =	ssyncadd.s32 $0xFFFFFF00  }
0x3d: {  	[tilespmem:s26], [sflag:$0x1] =	stream.indirect.gather [hbm4b:s4+s24], $0x40, s14, s24, $0xb8;
	[tilespmem:$0x10FA0] =	vst v63  }
0x3e: {  	s3 =	sadd.s32 $0x200, s16  }
0x3f: {  	[tilespmem:s28], [sflag:$0x4] =	stream.strided.gather [hbm4b:s3+s24], $0x100, s25, s24, $0x38;
	[tilespmem:$0x10FA0] =	vst v63  }
0x40: {  	_ =	swait.ge [sflag:s22], $0x100  }
0x41: {  	[sflag:s22] =	ssyncset.done $0x0  }
0x42: {  	[sflag:s22] =	ssyncadd.s32 $0xFFFFFF00  }
0x43: {  	[tilespmem:s29], [sflag:$0x2] =	stream.indirect.gather [hbm4b:s4+s24], $0x40, s28, s24, $0xb8;
	[tilespmem:$0x10FA0] =	vst v63  }
0x44: {  	_ =	swait.ge [sflag:s30], $0x2000  }
0x45: {  	[sflag:s30] =	ssyncset.done $0x0  }
0x46: {  	[sflag:s30] =	ssyncadd.s32 $0xFFFFE000  }
0x47: {  	[spmem:s1] =	stream.indirect.scatter.add.f32 [tilespmem:s26], [sflag:$0x4], $0x40, s24, s24, $0xb8;
	[tilespmem:$0x10FA0] =	vst v63  }
0x48: {  	p2 =	sgt.u32 s20, $0x9C3;
	_ =	swait.ge [sflag:s22], $0x2000  }
0x49: {  	s18 =	simm.s32 @!p2 $0x4;
	[sflag:s22] =	ssyncset.done $0x0  }
0x4a: {  	s5 =	simm.s32 @!p2 $0x200;
	s3 =	sadd.s32 @!p2 $0x0, s19;
	[sflag:s22] =	ssyncadd.s32 $0xFFFFE000  }
0x4b: {  	[spmem:s2] =	stream.indirect.scatter.add.f32 [tilespmem:s23], [sflag:$0x3], $0x10, s24, s24, $0xb8;
	[tilespmem:$0x10FA0] =	vst v63  }
0x4c: {  	s15 =	simm.s32 @!p2 $0x4E200;
	s14 =	simm.s32 @!p2 $0x80;
	s3 =	sadd.s32 @!p2 $0x400, s3  }
0x4d: {  	[tilespmem:s5], [sflag:$0x4] =	stream.strided.gather @!p2 [hbm4b:s3+s14], $0x100, s15, s14, $0x38;
	[tilespmem:$0x10FA0] =	vst v63  }
0x4e: {  	_ =	swait.ge @!p2 [sflag:s18], $0x100  }
0x4f: {  	[sflag:s18] =	ssyncset.done @!p2 $0x0  }
0x50: {  	s3 =	simm.s32 @!p2 $0x400;
	[sflag:s18] =	ssyncadd.s32 @!p2 $0xFFFFFF00  }
0x51: {  	[tilespmem:s3], [sflag:$0x1] =	stream.indirect.gather @!p2 [hbm4b:s4+s14], $0x40, s5, s14, $0xb8;
	[tilespmem:$0x10FA0] =	vst v63  }
0x52: {  	_ =	swait.ge [sflag:s31], $0x2000  }
0x53: {  	[sflag:s31] =	ssyncset.done $0x0  }
0x54: {  	[sflag:s31] =	ssyncadd.s32 $0xFFFFE000  }
0x55: {  	[spmem:s1] =	stream.indirect.scatter.add.f32 [tilespmem:s29], [sflag:$0x4], $0x40, s0, s24, $0xb8;
	[tilespmem:$0x10FA0] =	vst v63  }
0x56: {  	s17 =	sadd.s32 $0x20, s20;
	_ =	swait.ge [sflag:s22], $0x2000  }
0x57: {  	p1 =	sgt.u32 s17, $0x9C3;
	[sflag:s22] =	ssyncset.done $0x0  }
0x58: {  	s17 =	simm.s32 @!p1 $0x80;
	s5 =	sadd.s32 @!p1 $0x0, s19;
	[sflag:s22] =	ssyncadd.s32 $0xFFFFE000  }
0x59: {  	[spmem:s2] =	stream.indirect.scatter.add.f32 [tilespmem:s23], [sflag:$0x3], $0x10, s0, s24, $0xb8;
	[tilespmem:$0x10FA0] =	vst v63  }
0x5a: {  	s16 =	simm.s32 @!p1 $0x4E200;
	s15 =	simm.s32 @!p1 $0x300;
	s5 =	sadd.s32 @!p1 $0x600, s5  }
0x5b: {  	[tilespmem:s15], [sflag:$0x4] =	stream.strided.gather @!p1 [hbm4b:s5+s17], $0x100, s16, s17, $0x38;
	[tilespmem:$0x10FA0] =	vst v63  }
0x5c: {  	s16 =	simm.s32 @!p1 $0x4  }
0x5d: {  	_ =	swait.ge @!p1 [sflag:s16], $0x100  }
0x5e: {  	[sflag:s16] =	ssyncset.done @!p1 $0x0  }
0x5f: {  	s5 =	simm.s32 @!p1 $0x2400;
	[sflag:s16] =	ssyncadd.s32 @!p1 $0xFFFFFF00  }
0x60: {  	[tilespmem:s5], [sflag:$0x2] =	stream.indirect.gather @!p1 [hbm4b:s4+s17], $0x40, s15, s17, $0xb8;
	[tilespmem:$0x10FA0] =	vst v63  }
0x61: {  	s15 =	simm.s32 @!p2 $0x1  }
0x62: {  	_ =	swait.ge @!p2 [sflag:s15], $0x2000  }
0x63: {  	[sflag:s15] =	ssyncset.done @!p2 $0x0  }
0x64: {  	s21 =	sadd.s32 $0x40, s20;
	[sflag:s15] =	ssyncadd.s32 @!p2 $0xFFFFE000;
	s15 =	simm.s32 @!p2 $0x280  }
0x65: {  	[spmem:s1] =	stream.indirect.scatter.add.f32 @!p2 [tilespmem:s3], [sflag:$0x4], $0x40, s15, s14, $0xb8;
	[tilespmem:$0x10FA0] =	vst v63  }
0x66: {  	p3 =	sgt.u32 s21, $0x9C3;
	_ =	swait.ge @!p2 [sflag:s18], $0x2000  }
0x67: {  	s3 =	sadd.s32 @!p3 $0x0, s19;
	[sflag:s18] =	ssyncset.done @!p2 $0x0  }
0x68: {  	s3 =	sadd.s32 @!p3 $0x800, s3;
	[sflag:s18] =	ssyncadd.s32 @!p2 $0xFFFFE000;
	s18 =	simm.s32 @!p2 $0x4400  }
0x69: {  	[spmem:s2] =	stream.indirect.scatter.add.f32 @!p2 [tilespmem:s18], [sflag:$0x3], $0x10, s15, s14, $0xb8;
	[tilespmem:$0x10FA0] =	vst v63  }
0x6a: {  	s14 =	simm.s32 @!p3 $0x0;
	s15 =	simm.s32 @!p3 $0x80;
	s18 =	simm.s32 @!p3 $0x4E200  }
0x6b: {  	[tilespmem:s14], [sflag:$0x4] =	stream.strided.gather @!p3 [hbm4b:s3+s15], $0x100, s18, s15, $0x38;
	[tilespmem:$0x10FA0] =	vst v63  }
0x6c: {  	s3 =	simm.s32 @!p3 $0x4  }
0x6d: {  	_ =	swait.ge @!p3 [sflag:s3], $0x100  }
0x6e: {  	[sflag:s3] =	ssyncset.done @!p3 $0x0  }
0x6f: {  	[sflag:s3] =	ssyncadd.s32 @!p3 $0xFFFFFF00;
	s3 =	simm.s32 @!p3 $0x400  }
0x70: {  	[tilespmem:s3], [sflag:$0x1] =	stream.indirect.gather @!p3 [hbm4b:s4+s15], $0x40, s14, s15, $0xb8;
	[tilespmem:$0x10FA0] =	vst v63  }
0x71: {  	s14 =	simm.s32 @!p1 $0x2  }
0x72: {  	_ =	swait.ge @!p1 [sflag:s14], $0x2000  }
0x73: {  	s3 =	simm.s32 @!p1 $0x380;
	[sflag:s14] =	ssyncset.done @!p1 $0x0  }
0x74: {  	s15 =	sadd.s32 $0x80, s20;
	[sflag:s14] =	ssyncadd.s32 @!p1 $0xFFFFE000;
	s14 =	simm.s32 $0x800  }
0x75: {  	[spmem:s1] =	stream.indirect.scatter.add.f32 @!p1 [tilespmem:s5], [sflag:$0x4], $0x40, s3, s17, $0xb8;
	[tilespmem:$0x10FA0] =	vst v63  }
.LBB2_2:
0x76: {  	s5 =	sadd.s32 s14, s19  }
0x77: {  	_ =	swait.ge @!p1 [sflag:s16], $0x2000;
	s18 =	smov.u32 s14;
	s14 =	sadd.s32 $0x800, s14  }
0x78: {  	s6 =	simm.s32 @!p1 $0x4400;
	p2 =	sne.s32 s14, $0xA000;
	[sflag:s16] =	ssyncset.done @!p1 $0x0  }
0x79: {  	[sflag:s16] =	ssyncadd.s32 @!p1 $0xFFFFE000  }
0x7a: {  	[spmem:s2] =	stream.indirect.scatter.add.f32 @!p1 [tilespmem:s6], [sflag:$0x3], $0x10, s3, s17, $0xb8;
	[tilespmem:$0x10FA0] =	vst v63  }
0x7b: {  	s3 =	sadd.s32 $0x200, s5  }
0x7c: {  	[tilespmem:s28], [sflag:$0x4] =	stream.strided.gather [hbm4b:s3+s24], $0x100, s25, s24, $0x38;
	[tilespmem:$0x10FA0] =	vst v63  }
0x7d: {  	_ =	swait.ge [sflag:s22], $0x100  }
0x7e: {  	[sflag:s22] =	ssyncset.done $0x0  }
0x7f: {  	[sflag:s22] =	ssyncadd.s32 $0xFFFFFF00  }
0x80: {  	[tilespmem:s29], [sflag:$0x2] =	stream.indirect.gather [hbm4b:s4+s24], $0x40, s28, s24, $0xb8;
	[tilespmem:$0x10FA0] =	vst v63  }
0x81: {  	_ =	swait.ge [sflag:s30], $0x2000  }
0x82: {  	[sflag:s30] =	ssyncset.done $0x0  }
0x83: {  	[sflag:s30] =	ssyncadd.s32 $0xFFFFE000  }
0x84: {  	[spmem:s1] =	stream.indirect.scatter.add.f32 [tilespmem:s26], [sflag:$0x4], $0x40, s24, s24, $0xb8;
	[tilespmem:$0x10FA0] =	vst v63  }
0x85: {  	p3 =	sgt.u32 s15, $0x9C3;
	_ =	swait.ge [sflag:s22], $0x2000  }
0x86: {  	s6 =	simm.s32 @!p3 $0x200;
	s3 =	sadd.s32 @!p3 s18, s19;
	[sflag:s22] =	ssyncset.done $0x0  }
0x87: {  	s16 =	sadd.s32 @!p3 $0x400, s3;
	[sflag:s22] =	ssyncadd.s32 $0xFFFFE000  }
0x88: {  	[spmem:s2] =	stream.indirect.scatter.add.f32 [tilespmem:s23], [sflag:$0x3], $0x10, s24, s24, $0xb8;
	[tilespmem:$0x10FA0] =	vst v63  }
0x89: {  	s17 =	simm.s32 @!p3 $0x4E200;
	s5 =	simm.s32 @!p3 $0x4;
	s3 =	simm.s32 @!p3 $0x80  }
0x8a: {  	[tilespmem:s6], [sflag:$0x4] =	stream.strided.gather @!p3 [hbm4b:s16+s3], $0x100, s17, s3, $0x38;
	[tilespmem:$0x10FA0] =	vst v63  }
0x8b: {  	s21 =	simm.s32 @!p3 $0x400;
	_ =	swait.ge @!p3 [sflag:s5], $0x100  }
0x8c: {  	[sflag:s5] =	ssyncset.done @!p3 $0x0  }
0x8d: {  	[sflag:s5] =	ssyncadd.s32 @!p3 $0xFFFFFF00  }
0x8e: {  	[tilespmem:s21], [sflag:$0x1] =	stream.indirect.gather @!p3 [hbm4b:s4+s3], $0x40, s6, s3, $0xb8;
	[tilespmem:$0x10FA0] =	vst v63  }
0x8f: {  	_ =	swait.ge [sflag:s31], $0x2000  }
0x90: {  	[sflag:s31] =	ssyncset.done $0x0  }
0x91: {  	s6 =	sadd.s32 $0x20, s15;
	[sflag:s31] =	ssyncadd.s32 $0xFFFFE000  }
0x92: {  	[spmem:s1] =	stream.indirect.scatter.add.f32 [tilespmem:s29], [sflag:$0x4], $0x40, s0, s24, $0xb8;
	[tilespmem:$0x10FA0] =	vst v63  }
0x93: {  	p1 =	sgt.u32 s6, $0x9C3;
	_ =	swait.ge [sflag:s22], $0x2000  }
0x94: {  	s6 =	sadd.s32 @!p1 s18, s19;
	s16 =	simm.s32 @!p1 $0x4;
	[sflag:s22] =	ssyncset.done $0x0  }
0x95: {  	s10 =	simm.s32 @!p1 $0x300;
	s6 =	sadd.s32 @!p1 $0x600, s6;
	[sflag:s22] =	ssyncadd.s32 $0xFFFFE000  }
0x96: {  	[spmem:s2] =	stream.indirect.scatter.add.f32 [tilespmem:s23], [sflag:$0x3], $0x10, s0, s24, $0xb8;
	[tilespmem:$0x10FA0] =	vst v63  }
0x97: {  	s17 =	simm.s32 @!p1 $0x80;
	s11 =	simm.s32 @!p1 $0x4E200  }
0x98: {  	[tilespmem:s10], [sflag:$0x4] =	stream.strided.gather @!p1 [hbm4b:s6+s17], $0x100, s11, s17, $0x38;
	[tilespmem:$0x10FA0] =	vst v63  }
0x99: {  	_ =	swait.ge @!p1 [sflag:s16], $0x100  }
0x9a: {  	s6 =	simm.s32 @!p3 $0x1;
	[sflag:s16] =	ssyncset.done @!p1 $0x0  }
0x9b: {  	s11 =	simm.s32 @!p1 $0x2400;
	[sflag:s16] =	ssyncadd.s32 @!p1 $0xFFFFFF00  }
0x9c: {  	[tilespmem:s11], [sflag:$0x2] =	stream.indirect.gather @!p1 [hbm4b:s4+s17], $0x40, s10, s17, $0xb8;
	[tilespmem:$0x10FA0] =	vst v63  }
0x9d: {  	s10 =	simm.s32 @!p3 $0x280;
	_ =	swait.ge @!p3 [sflag:s6], $0x2000  }
0x9e: {  	[sflag:s6] =	ssyncset.done @!p3 $0x0  }
0x9f: {  	[sflag:s6] =	ssyncadd.s32 @!p3 $0xFFFFE000  }
0xa0: {  	[spmem:s1] =	stream.indirect.scatter.add.f32 @!p3 [tilespmem:s21], [sflag:$0x4], $0x40, s10, s3, $0xb8;
	[tilespmem:$0x10FA0] =	vst v63  }
0xa1: {  	_ =	swait.ge @!p3 [sflag:s5], $0x2000  }
0xa2: {  	s6 =	sadd.s32 $0x40, s15;
	[sflag:s5] =	ssyncset.done @!p3 $0x0  }
0xa3: {  	p4 =	sgt.u32 s6, $0x9C3;
	[sflag:s5] =	ssyncadd.s32 @!p3 $0xFFFFE000;
	s5 =	simm.s32 @!p3 $0x4400  }
0xa4: {  	s6 =	sadd.s32 @!p4 s18, s19;
	s18 =	simm.s32 @!p4 $0x0;
	s21 =	simm.s32 @!p4 $0x4  }
0xa5: {  	[spmem:s2] =	stream.indirect.scatter.add.f32 @!p3 [tilespmem:s5], [sflag:$0x3], $0x10, s10, s3, $0xb8;
	[tilespmem:$0x10FA0] =	vst v63  }
0xa6: {  	s3 =	sadd.s32 @!p4 $0x800, s6;
	s5 =	simm.s32 @!p4 $0x80;
	s6 =	simm.s32 @!p4 $0x4E200  }
0xa7: {  	[tilespmem:s18], [sflag:$0x4] =	stream.strided.gather @!p4 [hbm4b:s3+s5], $0x100, s6, s5, $0x38;
	[tilespmem:$0x10FA0] =	vst v63  }
0xa8: {  	_ =	swait.ge @!p4 [sflag:s21], $0x100  }
0xa9: {  	s3 =	simm.s32 @!p4 $0x400;
	s6 =	simm.s32 @!p1 $0x2;
	[sflag:s21] =	ssyncset.done @!p4 $0x0  }
0xaa: {  	[sflag:s21] =	ssyncadd.s32 @!p4 $0xFFFFFF00  }
0xab: {  	[tilespmem:s3], [sflag:$0x1] =	stream.indirect.gather @!p4 [hbm4b:s4+s5], $0x40, s18, s5, $0xb8;
	[tilespmem:$0x10FA0] =	vst v63  }
.Ltmp0:
0xac: {  	_ = 	snop;
	(pc) =	sbr.rel @p2 .LBB2_2-.Ltmp0, $4  }
0xad: {  	_ =	swait.ge @!p1 [sflag:s6], $0x2000  }
0xae: {  	s3 =	simm.s32 @!p1 $0x380;
	[sflag:s6] =	ssyncset.done @!p1 $0x0  }
0xaf: {  	s15 =	sadd.s32 $0x80, s15;
	[sflag:s6] =	ssyncadd.s32 @!p1 $0xFFFFE000  }
0xb0: {  	[spmem:s1] =	stream.indirect.scatter.add.f32 @!p1 [tilespmem:s11], [sflag:$0x4], $0x40, s3, s17, $0xb8;
	[tilespmem:$0x10FA0] =	vst v63  }
0xb1: {  	_ =	swait.ge @!p1 [sflag:s16], $0x2000  }
0xb2: {  	[sflag:s16] =	ssyncset.done @!p1 $0x0  }
0xb3: {  	s5 =	simm.s32 @!p1 $0x4400;
	s21 =	rddreg [dreg:$0x12];
	[sflag:s16] =	ssyncadd.s32 @!p1 $0xFFFFE000  }
0xb4: {  	[spmem:s2] =	stream.indirect.scatter.add.f32 @!p1 [tilespmem:s5], [sflag:$0x3], $0x10, s3, s17, $0xb8;
	[tilespmem:$0x10FA0] =	vst v63  }
0xb5: {  	p1 =	sne.s32 s21, $0x1  }
.Ltmp1:
0xb6: {  	_ = 	snop;
	(pc) =	sbr.rel @!p1 .LBB2_5-.Ltmp1, $3  }
0xb7: {  	_ =	sdelay $0x1  }
0xb8: {  	_ =	swait.ge [sflag:s7], $0x800  }
0xb9: {  	s3 =	sadd.s32 $0xFFFFFFFF, s21;
	[sflag:s7] =	ssyncset.done $0x0  }
.LBB2_4:
0xba: {  	p1 =	sne.s32 s3, $0x1;
	s3 =	sadd.s32 $0xFFFFFFFF, s3;
	[sflag:s7] =	ssyncadd.s32 $0xFFFFF800  }
.Ltmp2:
0xbb: {  	(pc) =	sbr.rel @p1 .LBB2_4-.Ltmp2, $3  }
0xbc: {  	_ =	sdelay $0x1  }
0xbd: {  	_ =	swait.ge [sflag:s7], $0x800  }
0xbe: {  	[sflag:s7] =	ssyncset.done $0x0  }
.LBB2_5:
0xbf: {  	[sflag:s7] =	ssyncadd.s32 $0xFFFFF800  }
0xc0: {  	[bflag:$0x0] =	sbarrier.arrive $0xFFFF  }
0xc1: {  	s3 =	rddreg [dreg:$0xd]  }
0xc2: {  	s5 =	rddreg [dreg:$0x13]  }
0xc3: {  	[hbm:s3], [sflag:s9] =	dma.local [spmem:s5], $0x1380  }
0xc4: {  	_ =	swait.ge [sflag:s22], $0x1380  }
0xc5: {  	[sflag:s22] =	ssyncset.done $0x0;
	s17 =	rddreg [dreg:$0xe]  }
0xc6: {  	s18 =	rddreg [dreg:$0x14];
	[sflag:s22] =	ssyncadd.s32 $0xFFFFEC80  }
0xc7: {  	[hbm:s17], [sflag:s9] =	dma.local [spmem:s18], $0x4E0  }
0xc8: {  	_ =	swait.ge [sflag:s22], $0x4E0  }
0xc9: {  	[sflag:s22] =	ssyncset.done $0x0  }
0xca: {  	s3 =	rddreg [dreg:$0xf];
	[sflag:s22] =	ssyncadd.s32 $0xFFFFFB20  }
0xcb: {  	[hbm:s3], [sflag:s9] =	dma.local @!p0 [spmem:s12], $0x80  }
0xcc: {  	s3 =	simm.s32 @!p0 $0x4  }
0xcd: {  	_ =	swait.ge @!p0 [sflag:s3], $0x80  }
0xce: {  	[sflag:s3] =	ssyncset.done @!p0 $0x0  }
0xcf: {  	s5 =	rddreg [dreg:$0x10];
	[sflag:s3] =	ssyncadd.s32 @!p0 $0xFFFFFF80  }
0xd0: {  	[hbm:s5], [sflag:s9] =	dma.local @!p0 [spmem:s13], $0x20  }
0xd1: {  	_ =	swait.ge @!p0 [sflag:s3], $0x20  }
0xd2: {  	s8 =	sadd.s32 $0x1, s8;
	s21 =	rddreg [dreg:$0x11]  }
0xd3: {  	p1 =	sne.s32 s8, s21  }
.Ltmp3:
0xd4: {  	_ = 	snop;
	(pc) =	sbr.rel @p1 .LBB2_1-.Ltmp3, $3  }
0xd5: {  	_ =	sdelay $0x1  }
0xd6: {  	[sflag:s3] =	ssyncset.done @!p0 $0x0  }
0xd7: {  	[sflag:s3] =	ssyncadd.s32 @!p0 $0xFFFFFFE0  }
0xd8: {  	_ =	sfence.sel $0x180000  }
0xd9: {  	[bflag:$0x0] =	sbarrier.arrive $0xFFFF  }
0xda: {  	_ =	strace $0x90000047  }
0xdb: {  	[bflag:$0x2] =	sbarrier.arrive $0xFFFF  }
0xdc: {  	s0 =	rddreg [dreg:$0x4]  }
0xdd: {  	s0 =	sadd.s32 @!p0 $0x100000, s0  }
0xde: {  	[sflag:s0] =	ssyncadd.tile.s32 @!p0 $0x1;
	_ =	shalt  }
.Lfunc_end2:
_tile_overlayer_lowered:
.L_overlay_start_2:
0xdf: {  	(tag) =	ssettag $0x2  }
0xe0: {  	s0 =	rddreg [dreg:$0x0];
	s2 =	stileid.u32  }
0xe1: {  	s1 =	rddreg [dreg:$0x1];
	p0 =	sne.s32 s2, $0x0  }
0xe2: {  	s3 =	rddreg [dreg:$0x2];
	[bflag:$0x3] =	sbarrier.arrive $0xFFFF;
	s2 =	simm.s32 @!p0 $0x1C04  }
0xe3: {  	[timem:s3], [sflag:s2] =	dma.local @!p0 [hbm:s0], s1  }
0xe4: {  	s0 =	simm.s32 @!p0 $0x4  }
0xe5: {  	_ =	swait.ge @!p0 [sflag:s0], s1  }
0xe6: {  	s1 =	ssub.s32 @!p0 $0x0, s1;
	[sflag:s0] =	ssyncset.done @!p0 $0x0  }
0xe7: {  	[sflag:s0] =	ssyncadd.s32 @!p0 s1  }
0xe8: {  	[bflag:$0x3] =	sbarrier.arrive $0xFFFF  }
0xe9: {  	_ =	shalt  }

</sc_bundles>
